<compile_context>
chip_gen: v7x
topology: tpu7x:2x2x1
jax: 0.10.2.dev20260603
libtpu: 0.0.44.dev20260713+nightly
codegen_flags: <defaults>
</compile_context>

<pallas_src>
import functools

import jax
import jax.numpy as jnp
from jax import lax
from jax.experimental import pallas as pl
from jax.experimental.pallas import tpu as pltpu
from jax.experimental.pallas import tpu_sc as plsc

NC = 2
NS = 16
NW = NC * NS
LANES = 16
CHUNK_ROWS = 16
CHUNK = CHUNK_ROWS * 128


NBUF = 2
STAGE = 2 * CHUNK
SB = 16


def _sc_edge_kernel(V, V_pad, E, F, F_pad):
  n_chunks = E // CHUNK
  assert n_chunks * CHUNK == E
  base_t, extra = divmod(n_chunks, NW)
  assert base_t >= NBUF
  max_n = base_t + (1 if extra else 0)
  n_groups = (max_n + NBUF - 1) // NBUF
  acc_slice = F_pad // NS
  mesh = plsc.VectorSubcoreMesh(core_axis_name="c", subcore_axis_name="s")

  def body(vp_hbm, gm_hbm, ef_hbm, out_hbm,
           vp_v, src_v, dst_v, ef_v, ones_v, stage_v, fire_v, cnt_v, acc_sh,
           in_sems, sc_sems):
    cid = lax.axis_index("c")
    sid = lax.axis_index("s")
    wid = sid * NC + cid

    pltpu.sync_copy(vp_hbm, vp_v.at[pl.ds(0, V)])

    def zero_body(i, _):
      ones_v[pl.ds(i * LANES, LANES)] = jnp.zeros((LANES,), jnp.float32)
      return ()
    lax.fori_loop(0, CHUNK // LANES, zero_body, ())
    base = sid * acc_slice
    n_full, rem = divmod(acc_slice, CHUNK)
    for i in range(n_full):
      pltpu.sync_copy(ones_v, acc_sh.at[pl.ds(base + i * CHUNK, CHUNK)])
    if rem:
      pltpu.sync_copy(ones_v.at[pl.ds(0, rem)],
                      acc_sh.at[pl.ds(base + n_full * CHUNK, rem)])

    def ones_body(i, _):
      ones_v[pl.ds(i * LANES, LANES)] = jnp.ones((LANES,), jnp.float32)
      return ()
    lax.fori_loop(0, CHUNK // LANES, ones_body, ())

    trash16 = F + lax.iota(jnp.int32, LANES)

    def trash_body(i, _):
      stage_v[pl.ds(i * LANES, LANES)] = trash16
      return ()
    lax.fori_loop(0, (STAGE + LANES) // LANES, trash_body, ())
    plsc.subcore_barrier()

    n_mine = base_t + jnp.where(wid < extra, 1, 0)

    def start_inputs(t, b):
      c = wid + t * NW
      pltpu.async_copy(gm_hbm.at[0, pl.ds(c * CHUNK, CHUNK)], src_v[b],
                       in_sems[b])
      pltpu.async_copy(gm_hbm.at[1, pl.ds(c * CHUNK, CHUNK)], dst_v[b],
                       in_sems[b])
      pltpu.async_copy(ef_hbm.at[pl.ds(c * CHUNK, CHUNK)], ef_v[b],
                       in_sems[b])

    def wait_inputs(b):
      pltpu.make_async_copy(gm_hbm.at[0, pl.ds(0, CHUNK)], src_v[b],
                            in_sems[b]).wait()
      pltpu.make_async_copy(gm_hbm.at[1, pl.ds(0, CHUNK)], dst_v[b],
                            in_sems[b]).wait()
      pltpu.make_async_copy(ef_hbm.at[pl.ds(0, CHUNK)], ef_v[b],
                            in_sems[b]).wait()

    def wait_scatter(h):
      pltpu.make_async_copy(ones_v, acc_sh.at[fire_v[h]], sc_sems[h]).wait()

    def fire_half(h):
      def cp_body(i, _):
        fire_v[h][pl.ds(i * LANES, LANES)] = (
            stage_v[pl.ds(h * CHUNK + i * LANES, LANES)])
        return ()
      lax.fori_loop(0, CHUNK // LANES, cp_body, ())
      pltpu.async_copy(ones_v, acc_sh.at[fire_v[h]], sc_sems[h], add=True)

    start_inputs(0, 0)

    def group_body(g, carry):
      for b in range(NBUF):
        t0 = g * NBUF + b
        ptr_s, next_fire, d, fcnt = carry

        def run_chunk(args):
          ptr_s, next_fire, d, fcnt = args
          wait_inputs(b)

          @pl.when(t0 + 1 < n_mine)
          def _():
            start_inputs(t0 + 1, 1 - b)

          def sb_body(sb, ptr_s):
            ms, ds16, cnts = [], [], []
            for j in range(SB):
              k = sb * SB + j
              s16 = src_v[b][pl.ds(k * LANES, LANES)]
              e16 = ef_v[b][pl.ds(k * LANES, LANES)]
              v16 = plsc.load_gather(vp_v, [s16])
              t16 = e16 * v16 + (1.0 - e16) * 0.5
              m = t16 > 0.5
              cnts.append(plsc.all_reduce_population_count(m)[0])
              ms.append(m)
              ds16.append(dst_v[b][pl.ds(k * LANES, LANES)])
            base = ptr_s
            for j in range(SB):
              off = base & (STAGE - 1)
              plsc.store_compressed(stage_v.at[pl.ds(off, LANES)], ds16[j],
                                    mask=ms[j])

              @pl.when(off >= STAGE - (LANES - 1))
              def _():
                stage_v[pl.ds(0, LANES)] = stage_v[pl.ds(STAGE, LANES)]
              base = base + cnts[j]
            return base
          ptr_s = lax.fori_loop(0, CHUNK // (LANES * SB), sb_body, ptr_s)

          fired = ptr_s >= next_fire
          for h in range(2):
            @pl.when(jnp.logical_and(fired, d == h))
            def _(h=h):
              @pl.when(fcnt >= 2)
              def _():
                wait_scatter(h)
              fire_half(h)
          return (ptr_s,
                  jnp.where(fired, next_fire + CHUNK, next_fire),
                  jnp.where(fired, 1 - d, d),
                  fcnt + fired.astype(jnp.int32))

        carry = lax.cond(t0 < n_mine, run_chunk, lambda a: a,
                         (ptr_s, next_fire, d, fcnt))
      return carry

    carry0 = (jnp.int32(0), jnp.int32(CHUNK),
              jnp.int32(0), jnp.int32(0))
    _, _, _, fcnt = lax.fori_loop(0, n_groups, group_body, carry0)

    for h in range(2):
      @pl.when(fcnt >= h + 1)
      def _(h=h):
        wait_scatter(h)
    for h in range(2):
      fire_half(h)
    for h in range(2):
      wait_scatter(h)

    plsc.subcore_barrier()
    pltpu.sync_copy(acc_sh.at[pl.ds(sid * acc_slice, acc_slice)],
                    out_hbm.at[cid, pl.ds(sid * acc_slice, acc_slice)])

  return pl.kernel(
      body,
      out_type=jax.ShapeDtypeStruct((NC, F_pad), jnp.float32),
      mesh=mesh,
      compiler_params=pltpu.CompilerParams(needs_layout_passes=False),
      scratch_types=[
          pltpu.VMEM((V_pad,), jnp.float32),
          [pltpu.VMEM((CHUNK,), jnp.int32) for _ in range(NBUF)],
          [pltpu.VMEM((CHUNK,), jnp.int32) for _ in range(NBUF)],
          [pltpu.VMEM((CHUNK,), jnp.float32) for _ in range(NBUF)],
          pltpu.VMEM((CHUNK,), jnp.float32),
          pltpu.VMEM((STAGE + LANES,), jnp.int32),
          [pltpu.VMEM((CHUNK,), jnp.int32) for _ in range(2)],
          pltpu.VMEM((SB * LANES,), jnp.int32),
          pltpu.VMEM_SHARED((F_pad,), jnp.float32),
          [pltpu.SemaphoreType.DMA for _ in range(NBUF)],
          [pltpu.SemaphoreType.DMA for _ in range(2)],
      ],
  )


def _tc_epilogue_kernel(F_pad, B):
  rows = F_pad // 128
  block_rows = next(b for b in (128, 112, 96, 80, 64, 56, 48, 40, 32, 24, 16, 8)
                    if rows % b == 0)
  grid = rows // block_rows

  def body(part_ref, bfm_ref, cv_ref, sat_ref, unsat_ref, acc_bv, acc_ms):
    g = pl.program_id(0)

    @pl.when(g == 0)
    def _():
      acc_bv[...] = jnp.zeros((B, 128), jnp.float32)
      acc_ms[...] = jnp.zeros((B, 128), jnp.float32)

    s = part_ref[0] + part_ref[1]
    cv = (s > 0.0).astype(jnp.float32)
    cv_ref[...] = cv
    b = bfm_ref[...]
    for k in range(B):
      m = b == k
      acc_bv[k:k + 1, :] += jnp.sum(jnp.where(m, cv, 0.0), axis=0,
                                    keepdims=True)
      acc_ms[k:k + 1, :] += jnp.sum(m.astype(jnp.float32), axis=0,
                                    keepdims=True)

    @pl.when(g == grid - 1)
    def _():
      bv = jnp.sum(acc_bv[...], axis=1, keepdims=True)
      ms = jnp.sum(acc_ms[...], axis=1, keepdims=True)
      sat_ref[...] = (ms == bv).astype(jnp.float32)
      unsat_ref[...] = ms - bv

  return pl.pallas_call(
      body,
      grid=(grid,),
      in_specs=[
          pl.BlockSpec((2, block_rows, 128), lambda g: (0, g, 0)),
          pl.BlockSpec((block_rows, 128), lambda g: (g, 0)),
      ],
      out_specs=[
          pl.BlockSpec((block_rows, 128), lambda g: (g, 0)),
          pl.BlockSpec((B, 1), lambda g: (0, 0)),
          pl.BlockSpec((B, 1), lambda g: (0, 0)),
      ],
      out_shape=[
          jax.ShapeDtypeStruct((rows, 128), jnp.float32),
          jax.ShapeDtypeStruct((B, 1), jnp.float32),
          jax.ShapeDtypeStruct((B, 1), jnp.float32),
      ],
      scratch_shapes=[
          pltpu.VMEM((B, 128), jnp.float32),
          pltpu.VMEM((B, 128), jnp.float32),
      ],
  )


@jax.jit
def kernel(variable_prediction, graph_map, batch_variable_map,
           batch_function_map, edge_feature):
  V = variable_prediction.shape[0]
  E = graph_map.shape[1]
  F = batch_function_map.shape[0]
  B = 16
  F_pad = ((F + 2047) // 2048) * 2048

  V_pad = ((V + 127) // 128) * 128
  vp = variable_prediction.reshape(V)
  ef1 = edge_feature.reshape(E)

  partial = _sc_edge_kernel(V, V_pad, E, F, F_pad)(vp, graph_map, ef1)

  bfm_pad = jnp.concatenate(
      [batch_function_map,
       jnp.full((F_pad - F,), B, jnp.int32)]).reshape(F_pad // 128, 128)
  part3 = partial.reshape(2, F_pad // 128, 128)

  cv, sat, unsat = _tc_epilogue_kernel(F_pad, B)(part3, bfm_pad)

  clause_values = cv.reshape(F_pad)[:F][:, None]
  return (sat, unsat, clause_values)

# --- scband reference (transcript-rebuilt; emitter-appended) ---
"""Pipeline reference for scband-sat-cnfevaluator-31353261260818 (READ-ONLY COPY).

The authoritative reference and input builder live on the scoring server;
editing this copy changes nothing except your own understanding.
"""

import jax, jax.numpy as jnp
import numpy as np

V_NUM = 100000
F_NUM = 100000
E_NUM = 6400000
B_MAX = 16


def setup_inputs(seed: int = 0) -> dict:
    key = jax.random.key(seed)
    k1, k2, k3, k4, k5 = jax.random.split(key, 5)
    variable_prediction = jax.random.uniform(k1, (V_NUM, 1), dtype=jnp.float32)
    # row 0: variable index per edge (< V_NUM); row 1: clause index per edge (< F_NUM)
    graph_map = jax.random.randint(k2, (2, E_NUM), 0, V_NUM, dtype=jnp.int32)
    batch_variable_map = jnp.sort(jax.random.randint(k3, (V_NUM,), 0, B_MAX, dtype=jnp.int32))
    batch_function_map = jnp.sort(jax.random.randint(k4, (F_NUM,), 0, B_MAX, dtype=jnp.int32))
    edge_feature = jax.random.uniform(k5, (E_NUM, 1), dtype=jnp.float32)
    return {
        "variable_prediction": variable_prediction,
        "graph_map": graph_map,
        "batch_variable_map": batch_variable_map,
        "batch_function_map": batch_function_map,
        "edge_feature": edge_feature,
    }


def reference(variable_prediction, graph_map, batch_variable_map, batch_function_map, edge_feature):
    F_num = batch_function_map.shape[0]
    batch_size = B_MAX
    traced_max = jnp.max(batch_variable_map)
    src = graph_map[0]  # variable index per edge
    dst = graph_map[1]  # clause (function) index per edge
    ef = edge_feature[:, 0]
    # sparse [E,V] mask @ variable_prediction  ==  gather + elementwise multiply
    edge_values = ef * variable_prediction[src, 0]
    edge_values = edge_values + (1.0 - ef) / 2.0
    edge_values = (edge_values > 0.5).astype(jnp.float32)
    # function_mask [F,E] @ edge_values  ==  scatter-add (segment_sum) over clause ids
    clause_values = jax.ops.segment_sum(edge_values, dst, num_segments=F_num)
    clause_values = (clause_values > 0).astype(jnp.float32)
    # b_function_mask_transpose [B,F] @ ones  ==  per-batch clause counts
    all_ones = jnp.ones((F_num,), dtype=jnp.float32)
    max_sat = jax.ops.segment_sum(all_ones, batch_function_map, num_segments=batch_size)
    batch_values = jax.ops.segment_sum(clause_values, batch_function_map, num_segments=batch_size)
    batch_values = batch_values + (traced_max - traced_max).astype(jnp.float32)
    sat_flag = (max_sat == batch_values).astype(jnp.float32)[:, None]
    unsat_count = (max_sat - batch_values)[:, None]
    return (sat_flag, unsat_count, clause_values[:, None])

if __name__ == "__main__":
    import jax
    _d = setup_inputs()
    print(jax.jit(kernel)(*tuple(_d.values())))

</pallas_src>

<mosaic_0001>
#map = affine_map<(d0, d1) -> (0)>
#map1 = affine_map<(d0, d1) -> (0, 0)>
module attributes {stable_mosaic.version = 14 : i64} {
  func.func @body(%arg0: i32, %arg1: i32, %arg2: memref<100000xf32, #tpu.memory_space<hbm>>, %arg3: memref<2x6400000xi32, #tpu.memory_space<hbm>>, %arg4: memref<6400000xf32, #tpu.memory_space<hbm>>, %arg5: memref<2x100352xf32, #tpu.memory_space<hbm>>, %arg6: memref<100096xf32, #tpu.memory_space<vmem>>, %arg7: memref<2048xi32, #tpu.memory_space<vmem>>, %arg8: memref<2048xi32, #tpu.memory_space<vmem>>, %arg9: memref<2048xi32, #tpu.memory_space<vmem>>, %arg10: memref<2048xi32, #tpu.memory_space<vmem>>, %arg11: memref<2048xf32, #tpu.memory_space<vmem>>, %arg12: memref<2048xf32, #tpu.memory_space<vmem>>, %arg13: memref<2048xf32, #tpu.memory_space<vmem>>, %arg14: memref<4112xi32, #tpu.memory_space<vmem>>, %arg15: memref<2048xi32, #tpu.memory_space<vmem>>, %arg16: memref<2048xi32, #tpu.memory_space<vmem>>, %arg17: memref<256xi32, #tpu.memory_space<vmem>>, %arg18: memref<100352xf32, #tpu.memory_space<vmem_shared>>, %arg19: memref<!tpu.dma_semaphore, #tpu.memory_space<semaphore_mem>>, %arg20: memref<!tpu.dma_semaphore, #tpu.memory_space<semaphore_mem>>, %arg21: memref<!tpu.dma_semaphore, #tpu.memory_space<semaphore_mem>>, %arg22: memref<!tpu.dma_semaphore, #tpu.memory_space<semaphore_mem>>) attributes {dimension_semantics = [#tpu.dimension_semantics<core_parallel>, #tpu.dimension_semantics<subcore_parallel>], iteration_bounds = array<i64: 2, 16>, scalar_prefetch = 0 : i64, scratch_operands = 17 : i64, tpu.core_type = #tpu.core_type<sc_vector_subcore>, window_params = [{transform_indices = #map}, {transform_indices = #map1}, {transform_indices = #map}, {transform_indices = #map1}]} {
    %mul3A = arith.constant 2 : i32
    %mul3A_0 = arith.muli %arg1, %mul3A : i32
    %add3A = arith.addi %mul3A_0, %arg0 : i32
    "tpu.region"() ({
      %run_scoped3A = tpu.sem_alloc : memref<!tpu.dma_semaphore, #tpu.memory_space<semaphore_mem>>
      %dma_start3A_90 = arith.constant 0 : i32
      %dma_start3A_91 = tpu.memref_slice %arg6[%dma_start3A_90] : memref<100096xf32, #tpu.memory_space<vmem>> -> memref<100000xf32, #tpu.memory_space<vmem>>
      %dma_start3A_92 = arith.constant 0 : i32
      %dma_start3A_93 = tpu.memref_slice %arg6[%dma_start3A_92] : memref<100096xf32, #tpu.memory_space<vmem>> -> memref<100000xf32, #tpu.memory_space<vmem>>
      tpu.enqueue_dma source(%arg2 : memref<100000xf32, #tpu.memory_space<hbm>>) target(%dma_start3A_93 : memref<100000xf32, #tpu.memory_space<vmem>>) target_semaphore(%run_scoped3A : memref<!tpu.dma_semaphore, #tpu.memory_space<semaphore_mem>>)
      %dma_wait3A_94 = arith.constant 0 : i32
      %dma_wait3A_95 = tpu.memref_slice %arg6[%dma_wait3A_94] : memref<100096xf32, #tpu.memory_space<vmem>> -> memref<100000xf32, #tpu.memory_space<vmem>>
      %dma_wait3A_96 = arith.constant 0 : i32
      %dma_wait3A_97 = tpu.memref_slice %arg6[%dma_wait3A_96] : memref<100096xf32, #tpu.memory_space<vmem>> -> memref<100000xf32, #tpu.memory_space<vmem>>
      tpu.wait_dma2 semaphore(%run_scoped3A : memref<!tpu.dma_semaphore, #tpu.memory_space<semaphore_mem>>) src(%arg2 : memref<100000xf32, #tpu.memory_space<hbm>>) dst(%dma_wait3A_97 : memref<100000xf32, #tpu.memory_space<vmem>>)
      tpu.yield
    }) : () -> ()
    %scan3A = arith.constant 0 : i32
    %scan3A_1 = arith.constant 128 : i32
    %scan3A_2 = arith.addi %scan3A, %scan3A_1 : i32
    %scan3A_3 = arith.constant 1 : i32
    scf.for %scan3A_90 = %scan3A to %scan3A_2 step %scan3A_3  : i32 {
      %broadcast_in_dim3A = arith.constant 0.000000e+00 : f32
      %broadcast_in_dim3A_91 = vector.broadcast %broadcast_in_dim3A : f32 to vector<16xf32>
      %mul3A_92 = arith.constant 16 : i32
      %mul3A_93 = arith.muli %scan3A_90, %mul3A_92 : i32
      %swap3A = arith.index_cast %mul3A_93 : i32 to index
      %swap3A_94 = tpu.vector_load %arg13[%swap3A] {strides = array<i32>} : memref<2048xf32, #tpu.memory_space<vmem>>, vector<16xf32>,
      tpu.vector_store %arg13[%swap3A], %broadcast_in_dim3A_91 {strides = array<i32>} : memref<2048xf32, #tpu.memory_space<vmem>>, vector<16xf32>,
    }
    %scan3A_4 = arith.constant 128 : i32
    %mul3A_5 = arith.constant 6272 : i32
    %mul3A_6 = arith.muli %arg1, %mul3A_5 : i32
    %add3A_7 = arith.constant 0 : i32
    %add3A_8 = arith.addi %mul3A_6, %add3A_7 : i32
    "tpu.region"() ({
      %run_scoped3A = tpu.sem_alloc : memref<!tpu.dma_semaphore, #tpu.memory_space<semaphore_mem>>
      %dma_start3A_90 = tpu.memref_slice %arg18[%add3A_8] : memref<100352xf32, #tpu.memory_space<vmem_shared>> -> memref<2048xf32, #tpu.memory_space<vmem_shared>>
      %dma_start3A_91 = tpu.memref_slice %arg18[%add3A_8] : memref<100352xf32, #tpu.memory_space<vmem_shared>> -> memref<2048xf32, #tpu.memory_space<vmem_shared>>
      tpu.enqueue_dma source(%arg13 : memref<2048xf32, #tpu.memory_space<vmem>>) target(%dma_start3A_91 : memref<2048xf32, #tpu.memory_space<vmem_shared>>) target_semaphore(%run_scoped3A : memref<!tpu.dma_semaphore, #tpu.memory_space<semaphore_mem>>)
      %dma_wait3A_92 = tpu.memref_slice %arg18[%add3A_8] : memref<100352xf32, #tpu.memory_space<vmem_shared>> -> memref<2048xf32, #tpu.memory_space<vmem_shared>>
      %dma_wait3A_93 = tpu.memref_slice %arg18[%add3A_8] : memref<100352xf32, #tpu.memory_space<vmem_shared>> -> memref<2048xf32, #tpu.memory_space<vmem_shared>>
      tpu.wait_dma2 semaphore(%run_scoped3A : memref<!tpu.dma_semaphore, #tpu.memory_space<semaphore_mem>>) src(%arg13 : memref<2048xf32, #tpu.memory_space<vmem>>) dst(%dma_wait3A_93 : memref<2048xf32, #tpu.memory_space<vmem_shared>>)
      tpu.yield
    }) : () -> ()
    %add3A_9 = arith.constant 2048 : i32
    %add3A_10 = arith.addi %mul3A_6, %add3A_9 : i32
    "tpu.region"() ({
      %run_scoped3A = tpu.sem_alloc : memref<!tpu.dma_semaphore, #tpu.memory_space<semaphore_mem>>
      %dma_start3A_90 = tpu.memref_slice %arg18[%add3A_10] : memref<100352xf32, #tpu.memory_space<vmem_shared>> -> memref<2048xf32, #tpu.memory_space<vmem_shared>>
      %dma_start3A_91 = tpu.memref_slice %arg18[%add3A_10] : memref<100352xf32, #tpu.memory_space<vmem_shared>> -> memref<2048xf32, #tpu.memory_space<vmem_shared>>
      tpu.enqueue_dma source(%arg13 : memref<2048xf32, #tpu.memory_space<vmem>>) target(%dma_start3A_91 : memref<2048xf32, #tpu.memory_space<vmem_shared>>) target_semaphore(%run_scoped3A : memref<!tpu.dma_semaphore, #tpu.memory_space<semaphore_mem>>)
      %dma_wait3A_92 = tpu.memref_slice %arg18[%add3A_10] : memref<100352xf32, #tpu.memory_space<vmem_shared>> -> memref<2048xf32, #tpu.memory_space<vmem_shared>>
      %dma_wait3A_93 = tpu.memref_slice %arg18[%add3A_10] : memref<100352xf32, #tpu.memory_space<vmem_shared>> -> memref<2048xf32, #tpu.memory_space<vmem_shared>>
      tpu.wait_dma2 semaphore(%run_scoped3A : memref<!tpu.dma_semaphore, #tpu.memory_space<semaphore_mem>>) src(%arg13 : memref<2048xf32, #tpu.memory_space<vmem>>) dst(%dma_wait3A_93 : memref<2048xf32, #tpu.memory_space<vmem_shared>>)
      tpu.yield
    }) : () -> ()
    %add3A_11 = arith.constant 4096 : i32
    %add3A_12 = arith.addi %mul3A_6, %add3A_11 : i32
    "tpu.region"() ({
      %run_scoped3A = tpu.sem_alloc : memref<!tpu.dma_semaphore, #tpu.memory_space<semaphore_mem>>
      %dma_start3A_90 = tpu.memref_slice %arg18[%add3A_12] : memref<100352xf32, #tpu.memory_space<vmem_shared>> -> memref<2048xf32, #tpu.memory_space<vmem_shared>>
      %dma_start3A_91 = tpu.memref_slice %arg18[%add3A_12] : memref<100352xf32, #tpu.memory_space<vmem_shared>> -> memref<2048xf32, #tpu.memory_space<vmem_shared>>
      tpu.enqueue_dma source(%arg13 : memref<2048xf32, #tpu.memory_space<vmem>>) target(%dma_start3A_91 : memref<2048xf32, #tpu.memory_space<vmem_shared>>) target_semaphore(%run_scoped3A : memref<!tpu.dma_semaphore, #tpu.memory_space<semaphore_mem>>)
      %dma_wait3A_92 = tpu.memref_slice %arg18[%add3A_12] : memref<100352xf32, #tpu.memory_space<vmem_shared>> -> memref<2048xf32, #tpu.memory_space<vmem_shared>>
      %dma_wait3A_93 = tpu.memref_slice %arg18[%add3A_12] : memref<100352xf32, #tpu.memory_space<vmem_shared>> -> memref<2048xf32, #tpu.memory_space<vmem_shared>>
      tpu.wait_dma2 semaphore(%run_scoped3A : memref<!tpu.dma_semaphore, #tpu.memory_space<semaphore_mem>>) src(%arg13 : memref<2048xf32, #tpu.memory_space<vmem>>) dst(%dma_wait3A_93 : memref<2048xf32, #tpu.memory_space<vmem_shared>>)
      tpu.yield
    }) : () -> ()
    %add3A_13 = arith.constant 6144 : i32
    %add3A_14 = arith.addi %mul3A_6, %add3A_13 : i32
    "tpu.region"() ({
      %run_scoped3A = tpu.sem_alloc : memref<!tpu.dma_semaphore, #tpu.memory_space<semaphore_mem>>
      %dma_start3A_90 = arith.constant 0 : i32
      %dma_start3A_91 = tpu.memref_slice %arg13[%dma_start3A_90] : memref<2048xf32, #tpu.memory_space<vmem>> -> memref<128xf32, #tpu.memory_space<vmem>>
      %dma_start3A_92 = tpu.memref_slice %arg18[%add3A_14] : memref<100352xf32, #tpu.memory_space<vmem_shared>> -> memref<128xf32, #tpu.memory_space<vmem_shared>>
      %dma_start3A_93 = tpu.memref_slice %arg18[%add3A_14] : memref<100352xf32, #tpu.memory_space<vmem_shared>> -> memref<128xf32, #tpu.memory_space<vmem_shared>>
      %dma_start3A_94 = arith.constant 0 : i32
      %dma_start3A_95 = tpu.memref_slice %arg13[%dma_start3A_94] : memref<2048xf32, #tpu.memory_space<vmem>> -> memref<128xf32, #tpu.memory_space<vmem>>
      tpu.enqueue_dma source(%dma_start3A_95 : memref<128xf32, #tpu.memory_space<vmem>>) target(%dma_start3A_93 : memref<128xf32, #tpu.memory_space<vmem_shared>>) target_semaphore(%run_scoped3A : memref<!tpu.dma_semaphore, #tpu.memory_space<semaphore_mem>>)
      %dma_wait3A_96 = arith.constant 0 : i32
      %dma_wait3A_97 = tpu.memref_slice %arg13[%dma_wait3A_96] : memref<2048xf32, #tpu.memory_space<vmem>> -> memref<128xf32, #tpu.memory_space<vmem>>
      %dma_wait3A_98 = tpu.memref_slice %arg18[%add3A_14] : memref<100352xf32, #tpu.memory_space<vmem_shared>> -> memref<128xf32, #tpu.memory_space<vmem_shared>>
      %dma_wait3A_99 = tpu.memref_slice %arg18[%add3A_14] : memref<100352xf32, #tpu.memory_space<vmem_shared>> -> memref<128xf32, #tpu.memory_space<vmem_shared>>
      %dma_wait3A_100 = arith.constant 0 : i32
      %dma_wait3A_101 = tpu.memref_slice %arg13[%dma_wait3A_100] : memref<2048xf32, #tpu.memory_space<vmem>> -> memref<128xf32, #tpu.memory_space<vmem>>
      tpu.wait_dma2 semaphore(%run_scoped3A : memref<!tpu.dma_semaphore, #tpu.memory_space<semaphore_mem>>) src(%dma_wait3A_101 : memref<128xf32, #tpu.memory_space<vmem>>) dst(%dma_wait3A_99 : memref<128xf32, #tpu.memory_space<vmem_shared>>)
      tpu.yield
    }) : () -> ()
    %scan3A_15 = arith.constant 0 : i32
    %scan3A_16 = arith.constant 128 : i32
    %scan3A_17 = arith.addi %scan3A_15, %scan3A_16 : i32
    %scan3A_18 = arith.constant 1 : i32
    scf.for %scan3A_90 = %scan3A_15 to %scan3A_17 step %scan3A_18  : i32 {
      %broadcast_in_dim3A = arith.constant 1.000000e+00 : f32
      %broadcast_in_dim3A_91 = vector.broadcast %broadcast_in_dim3A : f32 to vector<16xf32>
      %mul3A_92 = arith.constant 16 : i32
      %mul3A_93 = arith.muli %scan3A_90, %mul3A_92 : i32
      %swap3A = arith.index_cast %mul3A_93 : i32 to index
      %swap3A_94 = tpu.vector_load %arg13[%swap3A] {strides = array<i32>} : memref<2048xf32, #tpu.memory_space<vmem>>, vector<16xf32>,
      tpu.vector_store %arg13[%swap3A], %broadcast_in_dim3A_91 {strides = array<i32>} : memref<2048xf32, #tpu.memory_space<vmem>>, vector<16xf32>,
    }
    %scan3A_19 = arith.constant 128 : i32
    %iota3A = tpu.iota {dimensions = array<i32: 0>} : vector<16xi32>
    %add3A_20 = arith.constant 100000 : i32
    %add3A_21 = vector.broadcast %add3A_20 : i32 to vector<16xi32>
    %add3A_22 = arith.addi %add3A_21, %iota3A : vector<16xi32>
    %scan3A_23 = arith.constant 0 : i32
    %scan3A_24 = arith.constant 257 : i32
    %scan3A_25 = arith.addi %scan3A_23, %scan3A_24 : i32
    %scan3A_26 = arith.constant 1 : i32
    scf.for %scan3A_90 = %scan3A_23 to %scan3A_25 step %scan3A_26  : i32 {
      %mul3A_91 = arith.constant 16 : i32
      %mul3A_92 = arith.muli %scan3A_90, %mul3A_91 : i32
      %swap3A = arith.index_cast %mul3A_92 : i32 to index
      %swap3A_93 = tpu.vector_load %arg14[%swap3A] {strides = array<i32>} : memref<4112xi32, #tpu.memory_space<vmem>>, vector<16xi32>,
      tpu.vector_store %arg14[%swap3A], %add3A_22 {strides = array<i32>} : memref<4112xi32, #tpu.memory_space<vmem>>, vector<16xi32>,
    }
    %scan3A_27 = arith.constant 257 : i32
    %barrier3A = arith.constant 0 : index
    tpu.barrier barrier_id(%barrier3A)
    %lt3A = arith.constant 21 : i32
    %lt3A_28 = arith.cmpi slt, %add3A, %lt3A : i32
    %jit3A = arith.constant 1 : i32
    %jit3A_29 = arith.constant 0 : i32
    %select_n3A = arith.select %lt3A_28, %jit3A, %jit3A_29 : i32
    %add3A_30 = arith.constant 97 : i32
    %add3A_31 = arith.addi %add3A_30, %select_n3A : i32
    %add3A_32 = arith.constant 0 : i32
    %add3A_33 = arith.addi %add3A, %add3A_32 : i32
    %mul3A_34 = arith.constant 2048 : i32
    %mul3A_35 = arith.muli %add3A_33, %mul3A_34 : i32
    %dma_start3A = arith.constant 0 : i32
    %dma_start3A_36 = tpu.memref_slice %arg3[%dma_start3A, %mul3A_35] : memref<2x6400000xi32, #tpu.memory_space<hbm>> -> memref<1x2048xi32, #tpu.memory_space<hbm>>
    %dma_start3A_37 = tpu.memref_squeeze %dma_start3A_36 : memref<1x2048xi32, #tpu.memory_space<hbm>> -> memref<2048xi32, #tpu.memory_space<hbm>>
    %dma_start3A_38 = tpu.memref_slice %arg3[%dma_start3A, %mul3A_35] : memref<2x6400000xi32, #tpu.memory_space<hbm>> -> memref<1x2048xi32, #tpu.memory_space<hbm>>
    %dma_start3A_39 = tpu.memref_squeeze %dma_start3A_38 : memref<1x2048xi32, #tpu.memory_space<hbm>> -> memref<2048xi32, #tpu.memory_space<hbm>>
    tpu.enqueue_dma source(%dma_start3A_39 : memref<2048xi32, #tpu.memory_space<hbm>>) target(%arg7 : memref<2048xi32, #tpu.memory_space<vmem>>) target_semaphore(%arg19 : memref<!tpu.dma_semaphore, #tpu.memory_space<semaphore_mem>>)
    %mul3A_40 = arith.constant 2048 : i32
    %mul3A_41 = arith.muli %add3A_33, %mul3A_40 : i32
    %dma_start3A_42 = arith.constant 1 : i32
    %dma_start3A_43 = tpu.memref_slice %arg3[%dma_start3A_42, %mul3A_41] : memref<2x6400000xi32, #tpu.memory_space<hbm>> -> memref<1x2048xi32, #tpu.memory_space<hbm>>
    %dma_start3A_44 = tpu.memref_squeeze %dma_start3A_43 : memref<1x2048xi32, #tpu.memory_space<hbm>> -> memref<2048xi32, #tpu.memory_space<hbm>>
    %dma_start3A_45 = tpu.memref_slice %arg3[%dma_start3A_42, %mul3A_41] : memref<2x6400000xi32, #tpu.memory_space<hbm>> -> memref<1x2048xi32, #tpu.memory_space<hbm>>
    %dma_start3A_46 = tpu.memref_squeeze %dma_start3A_45 : memref<1x2048xi32, #tpu.memory_space<hbm>> -> memref<2048xi32, #tpu.memory_space<hbm>>
    tpu.enqueue_dma source(%dma_start3A_46 : memref<2048xi32, #tpu.memory_space<hbm>>) target(%arg9 : memref<2048xi32, #tpu.memory_space<vmem>>) target_semaphore(%arg19 : memref<!tpu.dma_semaphore, #tpu.memory_space<semaphore_mem>>)
    %mul3A_47 = arith.constant 2048 : i32
    %mul3A_48 = arith.muli %add3A_33, %mul3A_47 : i32
    %dma_start3A_49 = tpu.memref_slice %arg4[%mul3A_48] : memref<6400000xf32, #tpu.memory_space<hbm>> -> memref<2048xf32, #tpu.memory_space<hbm>>
    %dma_start3A_50 = tpu.memref_slice %arg4[%mul3A_48] : memref<6400000xf32, #tpu.memory_space<hbm>> -> memref<2048xf32, #tpu.memory_space<hbm>>
    tpu.enqueue_dma source(%dma_start3A_50 : memref<2048xf32, #tpu.memory_space<hbm>>) target(%arg11 : memref<2048xf32, #tpu.memory_space<vmem>>) target_semaphore(%arg19 : memref<!tpu.dma_semaphore, #tpu.memory_space<semaphore_mem>>)
    %scan3A_51 = arith.constant 0 : i32
    %scan3A_52 = arith.constant 2048 : i32
    %scan3A_53 = arith.constant 0 : i32
    %scan3A_54 = arith.constant 0 : i32
    %scan3A_55 = arith.constant 0 : i32
    %scan3A_56 = arith.constant 49 : i32
    %scan3A_57 = arith.addi %scan3A_55, %scan3A_56 : i32
    %scan3A_58 = arith.constant 1 : i32
    %scan3A_59:4 = scf.for %scan3A_90 = %scan3A_55 to %scan3A_57 step %scan3A_58 iter_args(%scan3A_91 = %scan3A_51, %scan3A_92 = %scan3A_52, %scan3A_93 = %scan3A_53, %scan3A_94 = %scan3A_54) -> (i32, i32, i32, i32)  : i32 {
      %mul3A_95 = arith.constant 2 : i32
      %mul3A_96 = arith.muli %scan3A_90, %mul3A_95 : i32
      %add3A_97 = arith.constant 0 : i32
      %add3A_98 = arith.addi %mul3A_96, %add3A_97 : i32
      %lt3A_99 = arith.cmpi slt, %add3A_98, %add3A_31 : i32
      %convert_element_type3A_100 = arith.extui %lt3A_99 : i1 to i32
      %cond3A_101 = arith.constant 0 : i32
      %cond3A_102 = arith.cmpi ne, %convert_element_type3A_100, %cond3A_101 : i32
      %cond3A_103:4 = scf.if %cond3A_102 -> (i32, i32, i32, i32) {
        %dma_wait3A_113 = arith.constant 0 : i32
        %dma_wait3A_114 = arith.constant 0 : i32
        %dma_wait3A_115 = tpu.memref_slice %arg3[%dma_wait3A_113, %dma_wait3A_114] : memref<2x6400000xi32, #tpu.memory_space<hbm>> -> memref<1x2048xi32, #tpu.memory_space<hbm>>
        %dma_wait3A_116 = tpu.memref_squeeze %dma_wait3A_115 : memref<1x2048xi32, #tpu.memory_space<hbm>> -> memref<2048xi32, #tpu.memory_space<hbm>>
        %dma_wait3A_117 = arith.constant 0 : i32
        %dma_wait3A_118 = tpu.memref_slice %arg3[%dma_wait3A_113, %dma_wait3A_117] : memref<2x6400000xi32, #tpu.memory_space<hbm>> -> memref<1x2048xi32, #tpu.memory_space<hbm>>
        %dma_wait3A_119 = tpu.memref_squeeze %dma_wait3A_118 : memref<1x2048xi32, #tpu.memory_space<hbm>> -> memref<2048xi32, #tpu.memory_space<hbm>>
        tpu.wait_dma2 semaphore(%arg19 : memref<!tpu.dma_semaphore, #tpu.memory_space<semaphore_mem>>) src(%dma_wait3A_119 : memref<2048xi32, #tpu.memory_space<hbm>>) dst(%arg7 : memref<2048xi32, #tpu.memory_space<vmem>>)
        %dma_wait3A_120 = arith.constant 1 : i32
        %dma_wait3A_121 = arith.constant 0 : i32
        %dma_wait3A_122 = tpu.memref_slice %arg3[%dma_wait3A_120, %dma_wait3A_121] : memref<2x6400000xi32, #tpu.memory_space<hbm>> -> memref<1x2048xi32, #tpu.memory_space<hbm>>
        %dma_wait3A_123 = tpu.memref_squeeze %dma_wait3A_122 : memref<1x2048xi32, #tpu.memory_space<hbm>> -> memref<2048xi32, #tpu.memory_space<hbm>>
        %dma_wait3A_124 = arith.constant 0 : i32
        %dma_wait3A_125 = tpu.memref_slice %arg3[%dma_wait3A_120, %dma_wait3A_124] : memref<2x6400000xi32, #tpu.memory_space<hbm>> -> memref<1x2048xi32, #tpu.memory_space<hbm>>
        %dma_wait3A_126 = tpu.memref_squeeze %dma_wait3A_125 : memref<1x2048xi32, #tpu.memory_space<hbm>> -> memref<2048xi32, #tpu.memory_space<hbm>>
        tpu.wait_dma2 semaphore(%arg19 : memref<!tpu.dma_semaphore, #tpu.memory_space<semaphore_mem>>) src(%dma_wait3A_126 : memref<2048xi32, #tpu.memory_space<hbm>>) dst(%arg9 : memref<2048xi32, #tpu.memory_space<vmem>>)
        %dma_wait3A_127 = arith.constant 0 : i32
        %dma_wait3A_128 = tpu.memref_slice %arg4[%dma_wait3A_127] : memref<6400000xf32, #tpu.memory_space<hbm>> -> memref<2048xf32, #tpu.memory_space<hbm>>
        %dma_wait3A_129 = arith.constant 0 : i32
        %dma_wait3A_130 = tpu.memref_slice %arg4[%dma_wait3A_129] : memref<6400000xf32, #tpu.memory_space<hbm>> -> memref<2048xf32, #tpu.memory_space<hbm>>
        tpu.wait_dma2 semaphore(%arg19 : memref<!tpu.dma_semaphore, #tpu.memory_space<semaphore_mem>>) src(%dma_wait3A_130 : memref<2048xf32, #tpu.memory_space<hbm>>) dst(%arg11 : memref<2048xf32, #tpu.memory_space<vmem>>)
        %add3A_131 = arith.constant 1 : i32
        %add3A_132 = arith.addi %add3A_98, %add3A_131 : i32
        %lt3A_133 = arith.cmpi slt, %add3A_132, %add3A_31 : i32
        %convert_element_type3A_134 = arith.extui %lt3A_133 : i1 to i32
        %cond3A_135 = arith.constant 0 : i32
        %cond3A_136 = arith.cmpi ne, %convert_element_type3A_134, %cond3A_135 : i32
        scf.if %cond3A_136 {
          %add3A_161 = arith.constant 1 : i32
          %add3A_162 = arith.addi %add3A_98, %add3A_161 : i32
          %mul3A_163 = arith.constant 32 : i32
          %mul3A_164 = arith.muli %add3A_162, %mul3A_163 : i32
          %add3A_165 = arith.addi %add3A, %mul3A_164 : i32
          %mul3A_166 = arith.constant 2048 : i32
          %mul3A_167 = arith.muli %add3A_165, %mul3A_166 : i32
          %dma_start3A_168 = arith.constant 0 : i32
          %dma_start3A_169 = tpu.memref_slice %arg3[%dma_start3A_168, %mul3A_167] : memref<2x6400000xi32, #tpu.memory_space<hbm>> -> memref<1x2048xi32, #tpu.memory_space<hbm>>
          %dma_start3A_170 = tpu.memref_squeeze %dma_start3A_169 : memref<1x2048xi32, #tpu.memory_space<hbm>> -> memref<2048xi32, #tpu.memory_space<hbm>>
          %dma_start3A_171 = tpu.memref_slice %arg3[%dma_start3A_168, %mul3A_167] : memref<2x6400000xi32, #tpu.memory_space<hbm>> -> memref<1x2048xi32, #tpu.memory_space<hbm>>
          %dma_start3A_172 = tpu.memref_squeeze %dma_start3A_171 : memref<1x2048xi32, #tpu.memory_space<hbm>> -> memref<2048xi32, #tpu.memory_space<hbm>>
          tpu.enqueue_dma source(%dma_start3A_172 : memref<2048xi32, #tpu.memory_space<hbm>>) target(%arg8 : memref<2048xi32, #tpu.memory_space<vmem>>) target_semaphore(%arg20 : memref<!tpu.dma_semaphore, #tpu.memory_space<semaphore_mem>>)
          %mul3A_173 = arith.constant 2048 : i32
          %mul3A_174 = arith.muli %add3A_165, %mul3A_173 : i32
          %dma_start3A_175 = arith.constant 1 : i32
          %dma_start3A_176 = tpu.memref_slice %arg3[%dma_start3A_175, %mul3A_174] : memref<2x6400000xi32, #tpu.memory_space<hbm>> -> memref<1x2048xi32, #tpu.memory_space<hbm>>
          %dma_start3A_177 = tpu.memref_squeeze %dma_start3A_176 : memref<1x2048xi32, #tpu.memory_space<hbm>> -> memref<2048xi32, #tpu.memory_space<hbm>>
          %dma_start3A_178 = tpu.memref_slice %arg3[%dma_start3A_175, %mul3A_174] : memref<2x6400000xi32, #tpu.memory_space<hbm>> -> memref<1x2048xi32, #tpu.memory_space<hbm>>
          %dma_start3A_179 = tpu.memref_squeeze %dma_start3A_178 : memref<1x2048xi32, #tpu.memory_space<hbm>> -> memref<2048xi32, #tpu.memory_space<hbm>>
          tpu.enqueue_dma source(%dma_start3A_179 : memref<2048xi32, #tpu.memory_space<hbm>>) target(%arg10 : memref<2048xi32, #tpu.memory_space<vmem>>) target_semaphore(%arg20 : memref<!tpu.dma_semaphore, #tpu.memory_space<semaphore_mem>>)
          %mul3A_180 = arith.constant 2048 : i32
          %mul3A_181 = arith.muli %add3A_165, %mul3A_180 : i32
          %dma_start3A_182 = tpu.memref_slice %arg4[%mul3A_181] : memref<6400000xf32, #tpu.memory_space<hbm>> -> memref<2048xf32, #tpu.memory_space<hbm>>
          %dma_start3A_183 = tpu.memref_slice %arg4[%mul3A_181] : memref<6400000xf32, #tpu.memory_space<hbm>> -> memref<2048xf32, #tpu.memory_space<hbm>>
          tpu.enqueue_dma source(%dma_start3A_183 : memref<2048xf32, #tpu.memory_space<hbm>>) target(%arg12 : memref<2048xf32, #tpu.memory_space<vmem>>) target_semaphore(%arg20 : memref<!tpu.dma_semaphore, #tpu.memory_space<semaphore_mem>>)
        } else {
        }
        %scan3A_137 = arith.constant 0 : i32
        %scan3A_138 = arith.constant 8 : i32
        %scan3A_139 = arith.addi %scan3A_137, %scan3A_138 : i32
        %scan3A_140 = arith.constant 1 : i32
        %scan3A_141 = scf.for %scan3A_161 = %scan3A_137 to %scan3A_139 step %scan3A_140 iter_args(%scan3A_162 = %scan3A_91) -> (i32)  : i32 {
          %mul3A_163 = arith.constant 16 : i32
          %mul3A_164 = arith.muli %scan3A_161, %mul3A_163 : i32
          %add3A_165 = arith.constant 0 : i32
          %add3A_166 = arith.addi %mul3A_164, %add3A_165 : i32
          %mul3A_167 = arith.constant 16 : i32
          %mul3A_168 = arith.muli %add3A_166, %mul3A_167 : i32
          %get3A = arith.index_cast %mul3A_168 : i32 to index
          %get3A_169 = tpu.vector_load %arg7[%get3A] {strides = array<i32>} : memref<2048xi32, #tpu.memory_space<vmem>>, vector<16xi32>,
          %mul3A_170 = arith.constant 16 : i32
          %mul3A_171 = arith.muli %add3A_166, %mul3A_170 : i32
          %get3A_172 = arith.index_cast %mul3A_171 : i32 to index
          %get3A_173 = tpu.vector_load %arg11[%get3A_172] {strides = array<i32>} : memref<2048xf32, #tpu.memory_space<vmem>>, vector<16xf32>,
          %gather3A = tpu.vector_load_idx %arg6[%get3A_169] : memref<100096xf32, #tpu.memory_space<vmem>>[vector<16xi32>], vector<16xf32>,
          %mul3A_174 = arith.mulf %get3A_173, %gather3A : vector<16xf32>
          %sub3A_175 = arith.constant 1.000000e+00 : f32
          %sub3A_176 = vector.broadcast %sub3A_175 : f32 to vector<16xf32>
          %sub3A_177 = arith.subf %sub3A_176, %get3A_173 : vector<16xf32>
          %mul3A_178 = arith.constant 5.000000e-01 : f32
          %mul3A_179 = vector.broadcast %mul3A_178 : f32 to vector<16xf32>
          %mul3A_180 = arith.mulf %sub3A_177, %mul3A_179 : vector<16xf32>
          %add3A_181 = arith.addf %mul3A_174, %mul3A_180 : vector<16xf32>
          %gt3A = arith.constant 5.000000e-01 : f32
          %gt3A_182 = vector.broadcast %gt3A : f32 to vector<16xf32>
          %gt3A_183 = arith.cmpf ogt, %add3A_181, %gt3A_182 : vector<16xf32>
          %all_reduce_population_count3A = tpu.all_reduce %gt3A_183 {dim = 0 : i64, kind = #tpu.reduction_kind<sum>} : vector<16xi1> -> vector<16xi32>
          %slice3A = vector.extract_strided_slice %all_reduce_population_count3A {offsets = [0], sizes = [1], strides = [1]} : vector<16xi32> to vector<1xi32>
          %squeeze3A = vector.extract %slice3A[0] : i32 from vector<1xi32>
          %mul3A_184 = arith.constant 16 : i32
          %mul3A_185 = arith.muli %add3A_166, %mul3A_184 : i32
          %get3A_186 = arith.index_cast %mul3A_185 : i32 to index
          %get3A_187 = tpu.vector_load %arg9[%get3A_186] {strides = array<i32>} : memref<2048xi32, #tpu.memory_space<vmem>>, vector<16xi32>,
          %mul3A_188 = arith.constant 16 : i32
          %mul3A_189 = arith.muli %scan3A_161, %mul3A_188 : i32
          %add3A_190 = arith.constant 1 : i32
          %add3A_191 = arith.addi %mul3A_189, %add3A_190 : i32
          %mul3A_192 = arith.constant 16 : i32
          %mul3A_193 = arith.muli %add3A_191, %mul3A_192 : i32
          %get3A_194 = arith.index_cast %mul3A_193 : i32 to index
          %get3A_195 = tpu.vector_load %arg7[%get3A_194] {strides = array<i32>} : memref<2048xi32, #tpu.memory_space<vmem>>, vector<16xi32>,
          %mul3A_196 = arith.constant 16 : i32
          %mul3A_197 = arith.muli %add3A_191, %mul3A_196 : i32
          %get3A_198 = arith.index_cast %mul3A_197 : i32 to index
          %get3A_199 = tpu.vector_load %arg11[%get3A_198] {strides = array<i32>} : memref<2048xf32, #tpu.memory_space<vmem>>, vector<16xf32>,
          %gather3A_200 = tpu.vector_load_idx %arg6[%get3A_195] : memref<100096xf32, #tpu.memory_space<vmem>>[vector<16xi32>], vector<16xf32>,
          %mul3A_201 = arith.mulf %get3A_199, %gather3A_200 : vector<16xf32>
          %sub3A_202 = arith.constant 1.000000e+00 : f32
          %sub3A_203 = vector.broadcast %sub3A_202 : f32 to vector<16xf32>
          %sub3A_204 = arith.subf %sub3A_203, %get3A_199 : vector<16xf32>
          %mul3A_205 = arith.constant 5.000000e-01 : f32
          %mul3A_206 = vector.broadcast %mul3A_205 : f32 to vector<16xf32>
          %mul3A_207 = arith.mulf %sub3A_204, %mul3A_206 : vector<16xf32>
          %add3A_208 = arith.addf %mul3A_201, %mul3A_207 : vector<16xf32>
          %gt3A_209 = arith.constant 5.000000e-01 : f32
          %gt3A_210 = vector.broadcast %gt3A_209 : f32 to vector<16xf32>
          %gt3A_211 = arith.cmpf ogt, %add3A_208, %gt3A_210 : vector<16xf32>
          %all_reduce_population_count3A_212 = tpu.all_reduce %gt3A_211 {dim = 0 : i64, kind = #tpu.reduction_kind<sum>} : vector<16xi1> -> vector<16xi32>
          %slice3A_213 = vector.extract_strided_slice %all_reduce_population_count3A_212 {offsets = [0], sizes = [1], strides = [1]} : vector<16xi32> to vector<1xi32>
          %squeeze3A_214 = vector.extract %slice3A_213[0] : i32 from vector<1xi32>
          %mul3A_215 = arith.constant 16 : i32
          %mul3A_216 = arith.muli %add3A_191, %mul3A_215 : i32
          %get3A_217 = arith.index_cast %mul3A_216 : i32 to index
          %get3A_218 = tpu.vector_load %arg9[%get3A_217] {strides = array<i32>} : memref<2048xi32, #tpu.memory_space<vmem>>, vector<16xi32>,
          %mul3A_219 = arith.constant 16 : i32
          %mul3A_220 = arith.muli %scan3A_161, %mul3A_219 : i32
          %add3A_221 = arith.constant 2 : i32
          %add3A_222 = arith.addi %mul3A_220, %add3A_221 : i32
          %mul3A_223 = arith.constant 16 : i32
          %mul3A_224 = arith.muli %add3A_222, %mul3A_223 : i32
          %get3A_225 = arith.index_cast %mul3A_224 : i32 to index
          %get3A_226 = tpu.vector_load %arg7[%get3A_225] {strides = array<i32>} : memref<2048xi32, #tpu.memory_space<vmem>>, vector<16xi32>,
          %mul3A_227 = arith.constant 16 : i32
          %mul3A_228 = arith.muli %add3A_222, %mul3A_227 : i32
          %get3A_229 = arith.index_cast %mul3A_228 : i32 to index
          %get3A_230 = tpu.vector_load %arg11[%get3A_229] {strides = array<i32>} : memref<2048xf32, #tpu.memory_space<vmem>>, vector<16xf32>,
          %gather3A_231 = tpu.vector_load_idx %arg6[%get3A_226] : memref<100096xf32, #tpu.memory_space<vmem>>[vector<16xi32>], vector<16xf32>,
          %mul3A_232 = arith.mulf %get3A_230, %gather3A_231 : vector<16xf32>
          %sub3A_233 = arith.constant 1.000000e+00 : f32
          %sub3A_234 = vector.broadcast %sub3A_233 : f32 to vector<16xf32>
          %sub3A_235 = arith.subf %sub3A_234, %get3A_230 : vector<16xf32>
          %mul3A_236 = arith.constant 5.000000e-01 : f32
          %mul3A_237 = vector.broadcast %mul3A_236 : f32 to vector<16xf32>
          %mul3A_238 = arith.mulf %sub3A_235, %mul3A_237 : vector<16xf32>
          %add3A_239 = arith.addf %mul3A_232, %mul3A_238 : vector<16xf32>
          %gt3A_240 = arith.constant 5.000000e-01 : f32
          %gt3A_241 = vector.broadcast %gt3A_240 : f32 to vector<16xf32>
          %gt3A_242 = arith.cmpf ogt, %add3A_239, %gt3A_241 : vector<16xf32>
          %all_reduce_population_count3A_243 = tpu.all_reduce %gt3A_242 {dim = 0 : i64, kind = #tpu.reduction_kind<sum>} : vector<16xi1> -> vector<16xi32>
          %slice3A_244 = vector.extract_strided_slice %all_reduce_population_count3A_243 {offsets = [0], sizes = [1], strides = [1]} : vector<16xi32> to vector<1xi32>
          %squeeze3A_245 = vector.extract %slice3A_244[0] : i32 from vector<1xi32>
          %mul3A_246 = arith.constant 16 : i32
          %mul3A_247 = arith.muli %add3A_222, %mul3A_246 : i32
          %get3A_248 = arith.index_cast %mul3A_247 : i32 to index
          %get3A_249 = tpu.vector_load %arg9[%get3A_248] {strides = array<i32>} : memref<2048xi32, #tpu.memory_space<vmem>>, vector<16xi32>,
          %mul3A_250 = arith.constant 16 : i32
          %mul3A_251 = arith.muli %scan3A_161, %mul3A_250 : i32
          %add3A_252 = arith.constant 3 : i32
          %add3A_253 = arith.addi %mul3A_251, %add3A_252 : i32
          %mul3A_254 = arith.constant 16 : i32
          %mul3A_255 = arith.muli %add3A_253, %mul3A_254 : i32
          %get3A_256 = arith.index_cast %mul3A_255 : i32 to index
          %get3A_257 = tpu.vector_load %arg7[%get3A_256] {strides = array<i32>} : memref<2048xi32, #tpu.memory_space<vmem>>, vector<16xi32>,
          %mul3A_258 = arith.constant 16 : i32
          %mul3A_259 = arith.muli %add3A_253, %mul3A_258 : i32
          %get3A_260 = arith.index_cast %mul3A_259 : i32 to index
          %get3A_261 = tpu.vector_load %arg11[%get3A_260] {strides = array<i32>} : memref<2048xf32, #tpu.memory_space<vmem>>, vector<16xf32>,
          %gather3A_262 = tpu.vector_load_idx %arg6[%get3A_257] : memref<100096xf32, #tpu.memory_space<vmem>>[vector<16xi32>], vector<16xf32>,
          %mul3A_263 = arith.mulf %get3A_261, %gather3A_262 : vector<16xf32>
          %sub3A_264 = arith.constant 1.000000e+00 : f32
          %sub3A_265 = vector.broadcast %sub3A_264 : f32 to vector<16xf32>
          %sub3A_266 = arith.subf %sub3A_265, %get3A_261 : vector<16xf32>
          %mul3A_267 = arith.constant 5.000000e-01 : f32
          %mul3A_268 = vector.broadcast %mul3A_267 : f32 to vector<16xf32>
          %mul3A_269 = arith.mulf %sub3A_266, %mul3A_268 : vector<16xf32>
          %add3A_270 = arith.addf %mul3A_263, %mul3A_269 : vector<16xf32>
          %gt3A_271 = arith.constant 5.000000e-01 : f32
          %gt3A_272 = vector.broadcast %gt3A_271 : f32 to vector<16xf32>
          %gt3A_273 = arith.cmpf ogt, %add3A_270, %gt3A_272 : vector<16xf32>
          %all_reduce_population_count3A_274 = tpu.all_reduce %gt3A_273 {dim = 0 : i64, kind = #tpu.reduction_kind<sum>} : vector<16xi1> -> vector<16xi32>
          %slice3A_275 = vector.extract_strided_slice %all_reduce_population_count3A_274 {offsets = [0], sizes = [1], strides = [1]} : vector<16xi32> to vector<1xi32>
          %squeeze3A_276 = vector.extract %slice3A_275[0] : i32 from vector<1xi32>
          %mul3A_277 = arith.constant 16 : i32
          %mul3A_278 = arith.muli %add3A_253, %mul3A_277 : i32
          %get3A_279 = arith.index_cast %mul3A_278 : i32 to index
          %get3A_280 = tpu.vector_load %arg9[%get3A_279] {strides = array<i32>} : memref<2048xi32, #tpu.memory_space<vmem>>, vector<16xi32>,
          %mul3A_281 = arith.constant 16 : i32
          %mul3A_282 = arith.muli %scan3A_161, %mul3A_281 : i32
          %add3A_283 = arith.constant 4 : i32
          %add3A_284 = arith.addi %mul3A_282, %add3A_283 : i32
          %mul3A_285 = arith.constant 16 : i32
          %mul3A_286 = arith.muli %add3A_284, %mul3A_285 : i32
          %get3A_287 = arith.index_cast %mul3A_286 : i32 to index
          %get3A_288 = tpu.vector_load %arg7[%get3A_287] {strides = array<i32>} : memref<2048xi32, #tpu.memory_space<vmem>>, vector<16xi32>,
          %mul3A_289 = arith.constant 16 : i32
          %mul3A_290 = arith.muli %add3A_284, %mul3A_289 : i32
          %get3A_291 = arith.index_cast %mul3A_290 : i32 to index
          %get3A_292 = tpu.vector_load %arg11[%get3A_291] {strides = array<i32>} : memref<2048xf32, #tpu.memory_space<vmem>>, vector<16xf32>,
          %gather3A_293 = tpu.vector_load_idx %arg6[%get3A_288] : memref<100096xf32, #tpu.memory_space<vmem>>[vector<16xi32>], vector<16xf32>,
          %mul3A_294 = arith.mulf %get3A_292, %gather3A_293 : vector<16xf32>
          %sub3A_295 = arith.constant 1.000000e+00 : f32
          %sub3A_296 = vector.broadcast %sub3A_295 : f32 to vector<16xf32>
          %sub3A_297 = arith.subf %sub3A_296, %get3A_292 : vector<16xf32>
          %mul3A_298 = arith.constant 5.000000e-01 : f32
          %mul3A_299 = vector.broadcast %mul3A_298 : f32 to vector<16xf32>
          %mul3A_300 = arith.mulf %sub3A_297, %mul3A_299 : vector<16xf32>
          %add3A_301 = arith.addf %mul3A_294, %mul3A_300 : vector<16xf32>
          %gt3A_302 = arith.constant 5.000000e-01 : f32
          %gt3A_303 = vector.broadcast %gt3A_302 : f32 to vector<16xf32>
          %gt3A_304 = arith.cmpf ogt, %add3A_301, %gt3A_303 : vector<16xf32>
          %all_reduce_population_count3A_305 = tpu.all_reduce %gt3A_304 {dim = 0 : i64, kind = #tpu.reduction_kind<sum>} : vector<16xi1> -> vector<16xi32>
          %slice3A_306 = vector.extract_strided_slice %all_reduce_population_count3A_305 {offsets = [0], sizes = [1], strides = [1]} : vector<16xi32> to vector<1xi32>
          %squeeze3A_307 = vector.extract %slice3A_306[0] : i32 from vector<1xi32>
          %mul3A_308 = arith.constant 16 : i32
          %mul3A_309 = arith.muli %add3A_284, %mul3A_308 : i32
          %get3A_310 = arith.index_cast %mul3A_309 : i32 to index
          %get3A_311 = tpu.vector_load %arg9[%get3A_310] {strides = array<i32>} : memref<2048xi32, #tpu.memory_space<vmem>>, vector<16xi32>,
          %mul3A_312 = arith.constant 16 : i32
          %mul3A_313 = arith.muli %scan3A_161, %mul3A_312 : i32
          %add3A_314 = arith.constant 5 : i32
          %add3A_315 = arith.addi %mul3A_313, %add3A_314 : i32
          %mul3A_316 = arith.constant 16 : i32
          %mul3A_317 = arith.muli %add3A_315, %mul3A_316 : i32
          %get3A_318 = arith.index_cast %mul3A_317 : i32 to index
          %get3A_319 = tpu.vector_load %arg7[%get3A_318] {strides = array<i32>} : memref<2048xi32, #tpu.memory_space<vmem>>, vector<16xi32>,
          %mul3A_320 = arith.constant 16 : i32
          %mul3A_321 = arith.muli %add3A_315, %mul3A_320 : i32
          %get3A_322 = arith.index_cast %mul3A_321 : i32 to index
          %get3A_323 = tpu.vector_load %arg11[%get3A_322] {strides = array<i32>} : memref<2048xf32, #tpu.memory_space<vmem>>, vector<16xf32>,
          %gather3A_324 = tpu.vector_load_idx %arg6[%get3A_319] : memref<100096xf32, #tpu.memory_space<vmem>>[vector<16xi32>], vector<16xf32>,
          %mul3A_325 = arith.mulf %get3A_323, %gather3A_324 : vector<16xf32>
          %sub3A_326 = arith.constant 1.000000e+00 : f32
          %sub3A_327 = vector.broadcast %sub3A_326 : f32 to vector<16xf32>
          %sub3A_328 = arith.subf %sub3A_327, %get3A_323 : vector<16xf32>
          %mul3A_329 = arith.constant 5.000000e-01 : f32
          %mul3A_330 = vector.broadcast %mul3A_329 : f32 to vector<16xf32>
          %mul3A_331 = arith.mulf %sub3A_328, %mul3A_330 : vector<16xf32>
          %add3A_332 = arith.addf %mul3A_325, %mul3A_331 : vector<16xf32>
          %gt3A_333 = arith.constant 5.000000e-01 : f32
          %gt3A_334 = vector.broadcast %gt3A_333 : f32 to vector<16xf32>
          %gt3A_335 = arith.cmpf ogt, %add3A_332, %gt3A_334 : vector<16xf32>
          %all_reduce_population_count3A_336 = tpu.all_reduce %gt3A_335 {dim = 0 : i64, kind = #tpu.reduction_kind<sum>} : vector<16xi1> -> vector<16xi32>
          %slice3A_337 = vector.extract_strided_slice %all_reduce_population_count3A_336 {offsets = [0], sizes = [1], strides = [1]} : vector<16xi32> to vector<1xi32>
          %squeeze3A_338 = vector.extract %slice3A_337[0] : i32 from vector<1xi32>
          %mul3A_339 = arith.constant 16 : i32
          %mul3A_340 = arith.muli %add3A_315, %mul3A_339 : i32
          %get3A_341 = arith.index_cast %mul3A_340 : i32 to index
          %get3A_342 = tpu.vector_load %arg9[%get3A_341] {strides = array<i32>} : memref<2048xi32, #tpu.memory_space<vmem>>, vector<16xi32>,
          %mul3A_343 = arith.constant 16 : i32
          %mul3A_344 = arith.muli %scan3A_161, %mul3A_343 : i32
          %add3A_345 = arith.constant 6 : i32
          %add3A_346 = arith.addi %mul3A_344, %add3A_345 : i32
          %mul3A_347 = arith.constant 16 : i32
          %mul3A_348 = arith.muli %add3A_346, %mul3A_347 : i32
          %get3A_349 = arith.index_cast %mul3A_348 : i32 to index
          %get3A_350 = tpu.vector_load %arg7[%get3A_349] {strides = array<i32>} : memref<2048xi32, #tpu.memory_space<vmem>>, vector<16xi32>,
          %mul3A_351 = arith.constant 16 : i32
          %mul3A_352 = arith.muli %add3A_346, %mul3A_351 : i32
          %get3A_353 = arith.index_cast %mul3A_352 : i32 to index
          %get3A_354 = tpu.vector_load %arg11[%get3A_353] {strides = array<i32>} : memref<2048xf32, #tpu.memory_space<vmem>>, vector<16xf32>,
          %gather3A_355 = tpu.vector_load_idx %arg6[%get3A_350] : memref<100096xf32, #tpu.memory_space<vmem>>[vector<16xi32>], vector<16xf32>,
          %mul3A_356 = arith.mulf %get3A_354, %gather3A_355 : vector<16xf32>
          %sub3A_357 = arith.constant 1.000000e+00 : f32
          %sub3A_358 = vector.broadcast %sub3A_357 : f32 to vector<16xf32>
          %sub3A_359 = arith.subf %sub3A_358, %get3A_354 : vector<16xf32>
          %mul3A_360 = arith.constant 5.000000e-01 : f32
          %mul3A_361 = vector.broadcast %mul3A_360 : f32 to vector<16xf32>
          %mul3A_362 = arith.mulf %sub3A_359, %mul3A_361 : vector<16xf32>
          %add3A_363 = arith.addf %mul3A_356, %mul3A_362 : vector<16xf32>
          %gt3A_364 = arith.constant 5.000000e-01 : f32
          %gt3A_365 = vector.broadcast %gt3A_364 : f32 to vector<16xf32>
          %gt3A_366 = arith.cmpf ogt, %add3A_363, %gt3A_365 : vector<16xf32>
          %all_reduce_population_count3A_367 = tpu.all_reduce %gt3A_366 {dim = 0 : i64, kind = #tpu.reduction_kind<sum>} : vector<16xi1> -> vector<16xi32>
          %slice3A_368 = vector.extract_strided_slice %all_reduce_population_count3A_367 {offsets = [0], sizes = [1], strides = [1]} : vector<16xi32> to vector<1xi32>
          %squeeze3A_369 = vector.extract %slice3A_368[0] : i32 from vector<1xi32>
          %mul3A_370 = arith.constant 16 : i32
          %mul3A_371 = arith.muli %add3A_346, %mul3A_370 : i32
          %get3A_372 = arith.index_cast %mul3A_371 : i32 to index
          %get3A_373 = tpu.vector_load %arg9[%get3A_372] {strides = array<i32>} : memref<2048xi32, #tpu.memory_space<vmem>>, vector<16xi32>,
          %mul3A_374 = arith.constant 16 : i32
          %mul3A_375 = arith.muli %scan3A_161, %mul3A_374 : i32
          %add3A_376 = arith.constant 7 : i32
          %add3A_377 = arith.addi %mul3A_375, %add3A_376 : i32
          %mul3A_378 = arith.constant 16 : i32
          %mul3A_379 = arith.muli %add3A_377, %mul3A_378 : i32
          %get3A_380 = arith.index_cast %mul3A_379 : i32 to index
          %get3A_381 = tpu.vector_load %arg7[%get3A_380] {strides = array<i32>} : memref<2048xi32, #tpu.memory_space<vmem>>, vector<16xi32>,
          %mul3A_382 = arith.constant 16 : i32
          %mul3A_383 = arith.muli %add3A_377, %mul3A_382 : i32
          %get3A_384 = arith.index_cast %mul3A_383 : i32 to index
          %get3A_385 = tpu.vector_load %arg11[%get3A_384] {strides = array<i32>} : memref<2048xf32, #tpu.memory_space<vmem>>, vector<16xf32>,
          %gather3A_386 = tpu.vector_load_idx %arg6[%get3A_381] : memref<100096xf32, #tpu.memory_space<vmem>>[vector<16xi32>], vector<16xf32>,
          %mul3A_387 = arith.mulf %get3A_385, %gather3A_386 : vector<16xf32>
          %sub3A_388 = arith.constant 1.000000e+00 : f32
          %sub3A_389 = vector.broadcast %sub3A_388 : f32 to vector<16xf32>
          %sub3A_390 = arith.subf %sub3A_389, %get3A_385 : vector<16xf32>
          %mul3A_391 = arith.constant 5.000000e-01 : f32
          %mul3A_392 = vector.broadcast %mul3A_391 : f32 to vector<16xf32>
          %mul3A_393 = arith.mulf %sub3A_390, %mul3A_392 : vector<16xf32>
          %add3A_394 = arith.addf %mul3A_387, %mul3A_393 : vector<16xf32>
          %gt3A_395 = arith.constant 5.000000e-01 : f32
          %gt3A_396 = vector.broadcast %gt3A_395 : f32 to vector<16xf32>
          %gt3A_397 = arith.cmpf ogt, %add3A_394, %gt3A_396 : vector<16xf32>
          %all_reduce_population_count3A_398 = tpu.all_reduce %gt3A_397 {dim = 0 : i64, kind = #tpu.reduction_kind<sum>} : vector<16xi1> -> vector<16xi32>
          %slice3A_399 = vector.extract_strided_slice %all_reduce_population_count3A_398 {offsets = [0], sizes = [1], strides = [1]} : vector<16xi32> to vector<1xi32>
          %squeeze3A_400 = vector.extract %slice3A_399[0] : i32 from vector<1xi32>
          %mul3A_401 = arith.constant 16 : i32
          %mul3A_402 = arith.muli %add3A_377, %mul3A_401 : i32
          %get3A_403 = arith.index_cast %mul3A_402 : i32 to index
          %get3A_404 = tpu.vector_load %arg9[%get3A_403] {strides = array<i32>} : memref<2048xi32, #tpu.memory_space<vmem>>, vector<16xi32>,
          %mul3A_405 = arith.constant 16 : i32
          %mul3A_406 = arith.muli %scan3A_161, %mul3A_405 : i32
          %add3A_407 = arith.constant 8 : i32
          %add3A_408 = arith.addi %mul3A_406, %add3A_407 : i32
          %mul3A_409 = arith.constant 16 : i32
          %mul3A_410 = arith.muli %add3A_408, %mul3A_409 : i32
          %get3A_411 = arith.index_cast %mul3A_410 : i32 to index
          %get3A_412 = tpu.vector_load %arg7[%get3A_411] {strides = array<i32>} : memref<2048xi32, #tpu.memory_space<vmem>>, vector<16xi32>,
          %mul3A_413 = arith.constant 16 : i32
          %mul3A_414 = arith.muli %add3A_408, %mul3A_413 : i32
          %get3A_415 = arith.index_cast %mul3A_414 : i32 to index
          %get3A_416 = tpu.vector_load %arg11[%get3A_415] {strides = array<i32>} : memref<2048xf32, #tpu.memory_space<vmem>>, vector<16xf32>,
          %gather3A_417 = tpu.vector_load_idx %arg6[%get3A_412] : memref<100096xf32, #tpu.memory_space<vmem>>[vector<16xi32>], vector<16xf32>,
          %mul3A_418 = arith.mulf %get3A_416, %gather3A_417 : vector<16xf32>
          %sub3A_419 = arith.constant 1.000000e+00 : f32
          %sub3A_420 = vector.broadcast %sub3A_419 : f32 to vector<16xf32>
          %sub3A_421 = arith.subf %sub3A_420, %get3A_416 : vector<16xf32>
          %mul3A_422 = arith.constant 5.000000e-01 : f32
          %mul3A_423 = vector.broadcast %mul3A_422 : f32 to vector<16xf32>
          %mul3A_424 = arith.mulf %sub3A_421, %mul3A_423 : vector<16xf32>
          %add3A_425 = arith.addf %mul3A_418, %mul3A_424 : vector<16xf32>
          %gt3A_426 = arith.constant 5.000000e-01 : f32
          %gt3A_427 = vector.broadcast %gt3A_426 : f32 to vector<16xf32>
          %gt3A_428 = arith.cmpf ogt, %add3A_425, %gt3A_427 : vector<16xf32>
          %all_reduce_population_count3A_429 = tpu.all_reduce %gt3A_428 {dim = 0 : i64, kind = #tpu.reduction_kind<sum>} : vector<16xi1> -> vector<16xi32>
          %slice3A_430 = vector.extract_strided_slice %all_reduce_population_count3A_429 {offsets = [0], sizes = [1], strides = [1]} : vector<16xi32> to vector<1xi32>
          %squeeze3A_431 = vector.extract %slice3A_430[0] : i32 from vector<1xi32>
          %mul3A_432 = arith.constant 16 : i32
          %mul3A_433 = arith.muli %add3A_408, %mul3A_432 : i32
          %get3A_434 = arith.index_cast %mul3A_433 : i32 to index
          %get3A_435 = tpu.vector_load %arg9[%get3A_434] {strides = array<i32>} : memref<2048xi32, #tpu.memory_space<vmem>>, vector<16xi32>,
          %mul3A_436 = arith.constant 16 : i32
          %mul3A_437 = arith.muli %scan3A_161, %mul3A_436 : i32
          %add3A_438 = arith.constant 9 : i32
          %add3A_439 = arith.addi %mul3A_437, %add3A_438 : i32
          %mul3A_440 = arith.constant 16 : i32
          %mul3A_441 = arith.muli %add3A_439, %mul3A_440 : i32
          %get3A_442 = arith.index_cast %mul3A_441 : i32 to index
          %get3A_443 = tpu.vector_load %arg7[%get3A_442] {strides = array<i32>} : memref<2048xi32, #tpu.memory_space<vmem>>, vector<16xi32>,
          %mul3A_444 = arith.constant 16 : i32
          %mul3A_445 = arith.muli %add3A_439, %mul3A_444 : i32
          %get3A_446 = arith.index_cast %mul3A_445 : i32 to index
          %get3A_447 = tpu.vector_load %arg11[%get3A_446] {strides = array<i32>} : memref<2048xf32, #tpu.memory_space<vmem>>, vector<16xf32>,
          %gather3A_448 = tpu.vector_load_idx %arg6[%get3A_443] : memref<100096xf32, #tpu.memory_space<vmem>>[vector<16xi32>], vector<16xf32>,
          %mul3A_449 = arith.mulf %get3A_447, %gather3A_448 : vector<16xf32>
          %sub3A_450 = arith.constant 1.000000e+00 : f32
          %sub3A_451 = vector.broadcast %sub3A_450 : f32 to vector<16xf32>
          %sub3A_452 = arith.subf %sub3A_451, %get3A_447 : vector<16xf32>
          %mul3A_453 = arith.constant 5.000000e-01 : f32
          %mul3A_454 = vector.broadcast %mul3A_453 : f32 to vector<16xf32>
          %mul3A_455 = arith.mulf %sub3A_452, %mul3A_454 : vector<16xf32>
          %add3A_456 = arith.addf %mul3A_449, %mul3A_455 : vector<16xf32>
          %gt3A_457 = arith.constant 5.000000e-01 : f32
          %gt3A_458 = vector.broadcast %gt3A_457 : f32 to vector<16xf32>
          %gt3A_459 = arith.cmpf ogt, %add3A_456, %gt3A_458 : vector<16xf32>
          %all_reduce_population_count3A_460 = tpu.all_reduce %gt3A_459 {dim = 0 : i64, kind = #tpu.reduction_kind<sum>} : vector<16xi1> -> vector<16xi32>
          %slice3A_461 = vector.extract_strided_slice %all_reduce_population_count3A_460 {offsets = [0], sizes = [1], strides = [1]} : vector<16xi32> to vector<1xi32>
          %squeeze3A_462 = vector.extract %slice3A_461[0] : i32 from vector<1xi32>
          %mul3A_463 = arith.constant 16 : i32
          %mul3A_464 = arith.muli %add3A_439, %mul3A_463 : i32
          %get3A_465 = arith.index_cast %mul3A_464 : i32 to index
          %get3A_466 = tpu.vector_load %arg9[%get3A_465] {strides = array<i32>} : memref<2048xi32, #tpu.memory_space<vmem>>, vector<16xi32>,
          %mul3A_467 = arith.constant 16 : i32
          %mul3A_468 = arith.muli %scan3A_161, %mul3A_467 : i32
          %add3A_469 = arith.constant 10 : i32
          %add3A_470 = arith.addi %mul3A_468, %add3A_469 : i32
          %mul3A_471 = arith.constant 16 : i32
          %mul3A_472 = arith.muli %add3A_470, %mul3A_471 : i32
          %get3A_473 = arith.index_cast %mul3A_472 : i32 to index
          %get3A_474 = tpu.vector_load %arg7[%get3A_473] {strides = array<i32>} : memref<2048xi32, #tpu.memory_space<vmem>>, vector<16xi32>,
          %mul3A_475 = arith.constant 16 : i32
          %mul3A_476 = arith.muli %add3A_470, %mul3A_475 : i32
          %get3A_477 = arith.index_cast %mul3A_476 : i32 to index
          %get3A_478 = tpu.vector_load %arg11[%get3A_477] {strides = array<i32>} : memref<2048xf32, #tpu.memory_space<vmem>>, vector<16xf32>,
          %gather3A_479 = tpu.vector_load_idx %arg6[%get3A_474] : memref<100096xf32, #tpu.memory_space<vmem>>[vector<16xi32>], vector<16xf32>,
          %mul3A_480 = arith.mulf %get3A_478, %gather3A_479 : vector<16xf32>
          %sub3A_481 = arith.constant 1.000000e+00 : f32
          %sub3A_482 = vector.broadcast %sub3A_481 : f32 to vector<16xf32>
          %sub3A_483 = arith.subf %sub3A_482, %get3A_478 : vector<16xf32>
          %mul3A_484 = arith.constant 5.000000e-01 : f32
          %mul3A_485 = vector.broadcast %mul3A_484 : f32 to vector<16xf32>
          %mul3A_486 = arith.mulf %sub3A_483, %mul3A_485 : vector<16xf32>
          %add3A_487 = arith.addf %mul3A_480, %mul3A_486 : vector<16xf32>
          %gt3A_488 = arith.constant 5.000000e-01 : f32
          %gt3A_489 = vector.broadcast %gt3A_488 : f32 to vector<16xf32>
          %gt3A_490 = arith.cmpf ogt, %add3A_487, %gt3A_489 : vector<16xf32>
          %all_reduce_population_count3A_491 = tpu.all_reduce %gt3A_490 {dim = 0 : i64, kind = #tpu.reduction_kind<sum>} : vector<16xi1> -> vector<16xi32>
          %slice3A_492 = vector.extract_strided_slice %all_reduce_population_count3A_491 {offsets = [0], sizes = [1], strides = [1]} : vector<16xi32> to vector<1xi32>
          %squeeze3A_493 = vector.extract %slice3A_492[0] : i32 from vector<1xi32>
          %mul3A_494 = arith.constant 16 : i32
          %mul3A_495 = arith.muli %add3A_470, %mul3A_494 : i32
          %get3A_496 = arith.index_cast %mul3A_495 : i32 to index
          %get3A_497 = tpu.vector_load %arg9[%get3A_496] {strides = array<i32>} : memref<2048xi32, #tpu.memory_space<vmem>>, vector<16xi32>,
          %mul3A_498 = arith.constant 16 : i32
          %mul3A_499 = arith.muli %scan3A_161, %mul3A_498 : i32
          %add3A_500 = arith.constant 11 : i32
          %add3A_501 = arith.addi %mul3A_499, %add3A_500 : i32
          %mul3A_502 = arith.constant 16 : i32
          %mul3A_503 = arith.muli %add3A_501, %mul3A_502 : i32
          %get3A_504 = arith.index_cast %mul3A_503 : i32 to index
          %get3A_505 = tpu.vector_load %arg7[%get3A_504] {strides = array<i32>} : memref<2048xi32, #tpu.memory_space<vmem>>, vector<16xi32>,
          %mul3A_506 = arith.constant 16 : i32
          %mul3A_507 = arith.muli %add3A_501, %mul3A_506 : i32
          %get3A_508 = arith.index_cast %mul3A_507 : i32 to index
          %get3A_509 = tpu.vector_load %arg11[%get3A_508] {strides = array<i32>} : memref<2048xf32, #tpu.memory_space<vmem>>, vector<16xf32>,
          %gather3A_510 = tpu.vector_load_idx %arg6[%get3A_505] : memref<100096xf32, #tpu.memory_space<vmem>>[vector<16xi32>], vector<16xf32>,
          %mul3A_511 = arith.mulf %get3A_509, %gather3A_510 : vector<16xf32>
          %sub3A_512 = arith.constant 1.000000e+00 : f32
          %sub3A_513 = vector.broadcast %sub3A_512 : f32 to vector<16xf32>
          %sub3A_514 = arith.subf %sub3A_513, %get3A_509 : vector<16xf32>
          %mul3A_515 = arith.constant 5.000000e-01 : f32
          %mul3A_516 = vector.broadcast %mul3A_515 : f32 to vector<16xf32>
          %mul3A_517 = arith.mulf %sub3A_514, %mul3A_516 : vector<16xf32>
          %add3A_518 = arith.addf %mul3A_511, %mul3A_517 : vector<16xf32>
          %gt3A_519 = arith.constant 5.000000e-01 : f32
          %gt3A_520 = vector.broadcast %gt3A_519 : f32 to vector<16xf32>
          %gt3A_521 = arith.cmpf ogt, %add3A_518, %gt3A_520 : vector<16xf32>
          %all_reduce_population_count3A_522 = tpu.all_reduce %gt3A_521 {dim = 0 : i64, kind = #tpu.reduction_kind<sum>} : vector<16xi1> -> vector<16xi32>
          %slice3A_523 = vector.extract_strided_slice %all_reduce_population_count3A_522 {offsets = [0], sizes = [1], strides = [1]} : vector<16xi32> to vector<1xi32>
          %squeeze3A_524 = vector.extract %slice3A_523[0] : i32 from vector<1xi32>
          %mul3A_525 = arith.constant 16 : i32
          %mul3A_526 = arith.muli %add3A_501, %mul3A_525 : i32
          %get3A_527 = arith.index_cast %mul3A_526 : i32 to index
          %get3A_528 = tpu.vector_load %arg9[%get3A_527] {strides = array<i32>} : memref<2048xi32, #tpu.memory_space<vmem>>, vector<16xi32>,
          %mul3A_529 = arith.constant 16 : i32
          %mul3A_530 = arith.muli %scan3A_161, %mul3A_529 : i32
          %add3A_531 = arith.constant 12 : i32
          %add3A_532 = arith.addi %mul3A_530, %add3A_531 : i32
          %mul3A_533 = arith.constant 16 : i32
          %mul3A_534 = arith.muli %add3A_532, %mul3A_533 : i32
          %get3A_535 = arith.index_cast %mul3A_534 : i32 to index
          %get3A_536 = tpu.vector_load %arg7[%get3A_535] {strides = array<i32>} : memref<2048xi32, #tpu.memory_space<vmem>>, vector<16xi32>,
          %mul3A_537 = arith.constant 16 : i32
          %mul3A_538 = arith.muli %add3A_532, %mul3A_537 : i32
          %get3A_539 = arith.index_cast %mul3A_538 : i32 to index
          %get3A_540 = tpu.vector_load %arg11[%get3A_539] {strides = array<i32>} : memref<2048xf32, #tpu.memory_space<vmem>>, vector<16xf32>,
          %gather3A_541 = tpu.vector_load_idx %arg6[%get3A_536] : memref<100096xf32, #tpu.memory_space<vmem>>[vector<16xi32>], vector<16xf32>,
          %mul3A_542 = arith.mulf %get3A_540, %gather3A_541 : vector<16xf32>
          %sub3A_543 = arith.constant 1.000000e+00 : f32
          %sub3A_544 = vector.broadcast %sub3A_543 : f32 to vector<16xf32>
          %sub3A_545 = arith.subf %sub3A_544, %get3A_540 : vector<16xf32>
          %mul3A_546 = arith.constant 5.000000e-01 : f32
          %mul3A_547 = vector.broadcast %mul3A_546 : f32 to vector<16xf32>
          %mul3A_548 = arith.mulf %sub3A_545, %mul3A_547 : vector<16xf32>
          %add3A_549 = arith.addf %mul3A_542, %mul3A_548 : vector<16xf32>
          %gt3A_550 = arith.constant 5.000000e-01 : f32
          %gt3A_551 = vector.broadcast %gt3A_550 : f32 to vector<16xf32>
          %gt3A_552 = arith.cmpf ogt, %add3A_549, %gt3A_551 : vector<16xf32>
          %all_reduce_population_count3A_553 = tpu.all_reduce %gt3A_552 {dim = 0 : i64, kind = #tpu.reduction_kind<sum>} : vector<16xi1> -> vector<16xi32>
          %slice3A_554 = vector.extract_strided_slice %all_reduce_population_count3A_553 {offsets = [0], sizes = [1], strides = [1]} : vector<16xi32> to vector<1xi32>
          %squeeze3A_555 = vector.extract %slice3A_554[0] : i32 from vector<1xi32>
          %mul3A_556 = arith.constant 16 : i32
          %mul3A_557 = arith.muli %add3A_532, %mul3A_556 : i32
          %get3A_558 = arith.index_cast %mul3A_557 : i32 to index
          %get3A_559 = tpu.vector_load %arg9[%get3A_558] {strides = array<i32>} : memref<2048xi32, #tpu.memory_space<vmem>>, vector<16xi32>,
          %mul3A_560 = arith.constant 16 : i32
          %mul3A_561 = arith.muli %scan3A_161, %mul3A_560 : i32
          %add3A_562 = arith.constant 13 : i32
          %add3A_563 = arith.addi %mul3A_561, %add3A_562 : i32
          %mul3A_564 = arith.constant 16 : i32
          %mul3A_565 = arith.muli %add3A_563, %mul3A_564 : i32
          %get3A_566 = arith.index_cast %mul3A_565 : i32 to index
          %get3A_567 = tpu.vector_load %arg7[%get3A_566] {strides = array<i32>} : memref<2048xi32, #tpu.memory_space<vmem>>, vector<16xi32>,
          %mul3A_568 = arith.constant 16 : i32
          %mul3A_569 = arith.muli %add3A_563, %mul3A_568 : i32
          %get3A_570 = arith.index_cast %mul3A_569 : i32 to index
          %get3A_571 = tpu.vector_load %arg11[%get3A_570] {strides = array<i32>} : memref<2048xf32, #tpu.memory_space<vmem>>, vector<16xf32>,
          %gather3A_572 = tpu.vector_load_idx %arg6[%get3A_567] : memref<100096xf32, #tpu.memory_space<vmem>>[vector<16xi32>], vector<16xf32>,
          %mul3A_573 = arith.mulf %get3A_571, %gather3A_572 : vector<16xf32>
          %sub3A_574 = arith.constant 1.000000e+00 : f32
          %sub3A_575 = vector.broadcast %sub3A_574 : f32 to vector<16xf32>
          %sub3A_576 = arith.subf %sub3A_575, %get3A_571 : vector<16xf32>
          %mul3A_577 = arith.constant 5.000000e-01 : f32
          %mul3A_578 = vector.broadcast %mul3A_577 : f32 to vector<16xf32>
          %mul3A_579 = arith.mulf %sub3A_576, %mul3A_578 : vector<16xf32>
          %add3A_580 = arith.addf %mul3A_573, %mul3A_579 : vector<16xf32>
          %gt3A_581 = arith.constant 5.000000e-01 : f32
          %gt3A_582 = vector.broadcast %gt3A_581 : f32 to vector<16xf32>
          %gt3A_583 = arith.cmpf ogt, %add3A_580, %gt3A_582 : vector<16xf32>
          %all_reduce_population_count3A_584 = tpu.all_reduce %gt3A_583 {dim = 0 : i64, kind = #tpu.reduction_kind<sum>} : vector<16xi1> -> vector<16xi32>
          %slice3A_585 = vector.extract_strided_slice %all_reduce_population_count3A_584 {offsets = [0], sizes = [1], strides = [1]} : vector<16xi32> to vector<1xi32>
          %squeeze3A_586 = vector.extract %slice3A_585[0] : i32 from vector<1xi32>
          %mul3A_587 = arith.constant 16 : i32
          %mul3A_588 = arith.muli %add3A_563, %mul3A_587 : i32
          %get3A_589 = arith.index_cast %mul3A_588 : i32 to index
          %get3A_590 = tpu.vector_load %arg9[%get3A_589] {strides = array<i32>} : memref<2048xi32, #tpu.memory_space<vmem>>, vector<16xi32>,
          %mul3A_591 = arith.constant 16 : i32
          %mul3A_592 = arith.muli %scan3A_161, %mul3A_591 : i32
          %add3A_593 = arith.constant 14 : i32
          %add3A_594 = arith.addi %mul3A_592, %add3A_593 : i32
          %mul3A_595 = arith.constant 16 : i32
          %mul3A_596 = arith.muli %add3A_594, %mul3A_595 : i32
          %get3A_597 = arith.index_cast %mul3A_596 : i32 to index
          %get3A_598 = tpu.vector_load %arg7[%get3A_597] {strides = array<i32>} : memref<2048xi32, #tpu.memory_space<vmem>>, vector<16xi32>,
          %mul3A_599 = arith.constant 16 : i32
          %mul3A_600 = arith.muli %add3A_594, %mul3A_599 : i32
          %get3A_601 = arith.index_cast %mul3A_600 : i32 to index
          %get3A_602 = tpu.vector_load %arg11[%get3A_601] {strides = array<i32>} : memref<2048xf32, #tpu.memory_space<vmem>>, vector<16xf32>,
          %gather3A_603 = tpu.vector_load_idx %arg6[%get3A_598] : memref<100096xf32, #tpu.memory_space<vmem>>[vector<16xi32>], vector<16xf32>,
          %mul3A_604 = arith.mulf %get3A_602, %gather3A_603 : vector<16xf32>
          %sub3A_605 = arith.constant 1.000000e+00 : f32
          %sub3A_606 = vector.broadcast %sub3A_605 : f32 to vector<16xf32>
          %sub3A_607 = arith.subf %sub3A_606, %get3A_602 : vector<16xf32>
          %mul3A_608 = arith.constant 5.000000e-01 : f32
          %mul3A_609 = vector.broadcast %mul3A_608 : f32 to vector<16xf32>
          %mul3A_610 = arith.mulf %sub3A_607, %mul3A_609 : vector<16xf32>
          %add3A_611 = arith.addf %mul3A_604, %mul3A_610 : vector<16xf32>
          %gt3A_612 = arith.constant 5.000000e-01 : f32
          %gt3A_613 = vector.broadcast %gt3A_612 : f32 to vector<16xf32>
          %gt3A_614 = arith.cmpf ogt, %add3A_611, %gt3A_613 : vector<16xf32>
          %all_reduce_population_count3A_615 = tpu.all_reduce %gt3A_614 {dim = 0 : i64, kind = #tpu.reduction_kind<sum>} : vector<16xi1> -> vector<16xi32>
          %slice3A_616 = vector.extract_strided_slice %all_reduce_population_count3A_615 {offsets = [0], sizes = [1], strides = [1]} : vector<16xi32> to vector<1xi32>
          %squeeze3A_617 = vector.extract %slice3A_616[0] : i32 from vector<1xi32>
          %mul3A_618 = arith.constant 16 : i32
          %mul3A_619 = arith.muli %add3A_594, %mul3A_618 : i32
          %get3A_620 = arith.index_cast %mul3A_619 : i32 to index
          %get3A_621 = tpu.vector_load %arg9[%get3A_620] {strides = array<i32>} : memref<2048xi32, #tpu.memory_space<vmem>>, vector<16xi32>,
          %mul3A_622 = arith.constant 16 : i32
          %mul3A_623 = arith.muli %scan3A_161, %mul3A_622 : i32
          %add3A_624 = arith.constant 15 : i32
          %add3A_625 = arith.addi %mul3A_623, %add3A_624 : i32
          %mul3A_626 = arith.constant 16 : i32
          %mul3A_627 = arith.muli %add3A_625, %mul3A_626 : i32
          %get3A_628 = arith.index_cast %mul3A_627 : i32 to index
          %get3A_629 = tpu.vector_load %arg7[%get3A_628] {strides = array<i32>} : memref<2048xi32, #tpu.memory_space<vmem>>, vector<16xi32>,
          %mul3A_630 = arith.constant 16 : i32
          %mul3A_631 = arith.muli %add3A_625, %mul3A_630 : i32
          %get3A_632 = arith.index_cast %mul3A_631 : i32 to index
          %get3A_633 = tpu.vector_load %arg11[%get3A_632] {strides = array<i32>} : memref<2048xf32, #tpu.memory_space<vmem>>, vector<16xf32>,
          %gather3A_634 = tpu.vector_load_idx %arg6[%get3A_629] : memref<100096xf32, #tpu.memory_space<vmem>>[vector<16xi32>], vector<16xf32>,
          %mul3A_635 = arith.mulf %get3A_633, %gather3A_634 : vector<16xf32>
          %sub3A_636 = arith.constant 1.000000e+00 : f32
          %sub3A_637 = vector.broadcast %sub3A_636 : f32 to vector<16xf32>
          %sub3A_638 = arith.subf %sub3A_637, %get3A_633 : vector<16xf32>
          %mul3A_639 = arith.constant 5.000000e-01 : f32
          %mul3A_640 = vector.broadcast %mul3A_639 : f32 to vector<16xf32>
          %mul3A_641 = arith.mulf %sub3A_638, %mul3A_640 : vector<16xf32>
          %add3A_642 = arith.addf %mul3A_635, %mul3A_641 : vector<16xf32>
          %gt3A_643 = arith.constant 5.000000e-01 : f32
          %gt3A_644 = vector.broadcast %gt3A_643 : f32 to vector<16xf32>
          %gt3A_645 = arith.cmpf ogt, %add3A_642, %gt3A_644 : vector<16xf32>
          %all_reduce_population_count3A_646 = tpu.all_reduce %gt3A_645 {dim = 0 : i64, kind = #tpu.reduction_kind<sum>} : vector<16xi1> -> vector<16xi32>
          %slice3A_647 = vector.extract_strided_slice %all_reduce_population_count3A_646 {offsets = [0], sizes = [1], strides = [1]} : vector<16xi32> to vector<1xi32>
          %squeeze3A_648 = vector.extract %slice3A_647[0] : i32 from vector<1xi32>
          %mul3A_649 = arith.constant 16 : i32
          %mul3A_650 = arith.muli %add3A_625, %mul3A_649 : i32
          %get3A_651 = arith.index_cast %mul3A_650 : i32 to index
          %get3A_652 = tpu.vector_load %arg9[%get3A_651] {strides = array<i32>} : memref<2048xi32, #tpu.memory_space<vmem>>, vector<16xi32>,
          %and3A_653 = arith.constant 4095 : i32
          %and3A_654 = arith.andi %scan3A_162, %and3A_653 : i32
          %swap3A = arith.index_cast %and3A_654 : i32 to index
          %swap3A_655 = tpu.vector_load %arg14[%swap3A] masked %gt3A_183 {strides = array<i32>} : memref<4112xi32, #tpu.memory_space<vmem>>, vector<16xi32>, vector<16xi1>
          tpu.vector_store %arg14[%swap3A], %get3A_187 masked %gt3A_183 {strides = array<i32>} : memref<4112xi32, #tpu.memory_space<vmem>>, vector<16xi32>, vector<16xi1>
          %ge3A_656 = arith.constant 4081 : i32
          %ge3A_657 = arith.cmpi sge, %and3A_654, %ge3A_656 : i32
          %convert_element_type3A_658 = arith.extui %ge3A_657 : i1 to i32
          %cond3A_659 = arith.constant 0 : i32
          %cond3A_660 = arith.cmpi ne, %convert_element_type3A_658, %cond3A_659 : i32
          scf.if %cond3A_660 {
            %get3A_812 = arith.constant 4096 : index
            %get3A_813 = tpu.vector_load %arg14[%get3A_812] {strides = array<i32>} : memref<4112xi32, #tpu.memory_space<vmem>>, vector<16xi32>,
            %swap3A_814 = arith.constant 0 : index
            %swap3A_815 = tpu.vector_load %arg14[%swap3A_814] {strides = array<i32>} : memref<4112xi32, #tpu.memory_space<vmem>>, vector<16xi32>,
            tpu.vector_store %arg14[%swap3A_814], %get3A_813 {strides = array<i32>} : memref<4112xi32, #tpu.memory_space<vmem>>, vector<16xi32>,
          } else {
          }
          %add3A_661 = arith.addi %scan3A_162, %squeeze3A : i32
          %and3A_662 = arith.constant 4095 : i32
          %and3A_663 = arith.andi %add3A_661, %and3A_662 : i32
          %swap3A_664 = arith.index_cast %and3A_663 : i32 to index
          %swap3A_665 = tpu.vector_load %arg14[%swap3A_664] masked %gt3A_211 {strides = array<i32>} : memref<4112xi32, #tpu.memory_space<vmem>>, vector<16xi32>, vector<16xi1>
          tpu.vector_store %arg14[%swap3A_664], %get3A_218 masked %gt3A_211 {strides = array<i32>} : memref<4112xi32, #tpu.memory_space<vmem>>, vector<16xi32>, vector<16xi1>
          %ge3A_666 = arith.constant 4081 : i32
          %ge3A_667 = arith.cmpi sge, %and3A_663, %ge3A_666 : i32
          %convert_element_type3A_668 = arith.extui %ge3A_667 : i1 to i32
          %cond3A_669 = arith.constant 0 : i32
          %cond3A_670 = arith.cmpi ne, %convert_element_type3A_668, %cond3A_669 : i32
          scf.if %cond3A_670 {
            %get3A_812 = arith.constant 4096 : index
            %get3A_813 = tpu.vector_load %arg14[%get3A_812] {strides = array<i32>} : memref<4112xi32, #tpu.memory_space<vmem>>, vector<16xi32>,
            %swap3A_814 = arith.constant 0 : index
            %swap3A_815 = tpu.vector_load %arg14[%swap3A_814] {strides = array<i32>} : memref<4112xi32, #tpu.memory_space<vmem>>, vector<16xi32>,
            tpu.vector_store %arg14[%swap3A_814], %get3A_813 {strides = array<i32>} : memref<4112xi32, #tpu.memory_space<vmem>>, vector<16xi32>,
          } else {
          }
          %add3A_671 = arith.addi %add3A_661, %squeeze3A_214 : i32
          %and3A_672 = arith.constant 4095 : i32
          %and3A_673 = arith.andi %add3A_671, %and3A_672 : i32
          %swap3A_674 = arith.index_cast %and3A_673 : i32 to index
          %swap3A_675 = tpu.vector_load %arg14[%swap3A_674] masked %gt3A_242 {strides = array<i32>} : memref<4112xi32, #tpu.memory_space<vmem>>, vector<16xi32>, vector<16xi1>
          tpu.vector_store %arg14[%swap3A_674], %get3A_249 masked %gt3A_242 {strides = array<i32>} : memref<4112xi32, #tpu.memory_space<vmem>>, vector<16xi32>, vector<16xi1>
          %ge3A_676 = arith.constant 4081 : i32
          %ge3A_677 = arith.cmpi sge, %and3A_673, %ge3A_676 : i32
          %convert_element_type3A_678 = arith.extui %ge3A_677 : i1 to i32
          %cond3A_679 = arith.constant 0 : i32
          %cond3A_680 = arith.cmpi ne, %convert_element_type3A_678, %cond3A_679 : i32
          scf.if %cond3A_680 {
            %get3A_812 = arith.constant 4096 : index
            %get3A_813 = tpu.vector_load %arg14[%get3A_812] {strides = array<i32>} : memref<4112xi32, #tpu.memory_space<vmem>>, vector<16xi32>,
            %swap3A_814 = arith.constant 0 : index
            %swap3A_815 = tpu.vector_load %arg14[%swap3A_814] {strides = array<i32>} : memref<4112xi32, #tpu.memory_space<vmem>>, vector<16xi32>,
            tpu.vector_store %arg14[%swap3A_814], %get3A_813 {strides = array<i32>} : memref<4112xi32, #tpu.memory_space<vmem>>, vector<16xi32>,
          } else {
          }
          %add3A_681 = arith.addi %add3A_671, %squeeze3A_245 : i32
          %and3A_682 = arith.constant 4095 : i32
          %and3A_683 = arith.andi %add3A_681, %and3A_682 : i32
          %swap3A_684 = arith.index_cast %and3A_683 : i32 to index
          %swap3A_685 = tpu.vector_load %arg14[%swap3A_684] masked %gt3A_273 {strides = array<i32>} : memref<4112xi32, #tpu.memory_space<vmem>>, vector<16xi32>, vector<16xi1>
          tpu.vector_store %arg14[%swap3A_684], %get3A_280 masked %gt3A_273 {strides = array<i32>} : memref<4112xi32, #tpu.memory_space<vmem>>, vector<16xi32>, vector<16xi1>
          %ge3A_686 = arith.constant 4081 : i32
          %ge3A_687 = arith.cmpi sge, %and3A_683, %ge3A_686 : i32
          %convert_element_type3A_688 = arith.extui %ge3A_687 : i1 to i32
          %cond3A_689 = arith.constant 0 : i32
          %cond3A_690 = arith.cmpi ne, %convert_element_type3A_688, %cond3A_689 : i32
          scf.if %cond3A_690 {
            %get3A_812 = arith.constant 4096 : index
            %get3A_813 = tpu.vector_load %arg14[%get3A_812] {strides = array<i32>} : memref<4112xi32, #tpu.memory_space<vmem>>, vector<16xi32>,
            %swap3A_814 = arith.constant 0 : index
            %swap3A_815 = tpu.vector_load %arg14[%swap3A_814] {strides = array<i32>} : memref<4112xi32, #tpu.memory_space<vmem>>, vector<16xi32>,
            tpu.vector_store %arg14[%swap3A_814], %get3A_813 {strides = array<i32>} : memref<4112xi32, #tpu.memory_space<vmem>>, vector<16xi32>,
          } else {
          }
          %add3A_691 = arith.addi %add3A_681, %squeeze3A_276 : i32
          %and3A_692 = arith.constant 4095 : i32
          %and3A_693 = arith.andi %add3A_691, %and3A_692 : i32
          %swap3A_694 = arith.index_cast %and3A_693 : i32 to index
          %swap3A_695 = tpu.vector_load %arg14[%swap3A_694] masked %gt3A_304 {strides = array<i32>} : memref<4112xi32, #tpu.memory_space<vmem>>, vector<16xi32>, vector<16xi1>
          tpu.vector_store %arg14[%swap3A_694], %get3A_311 masked %gt3A_304 {strides = array<i32>} : memref<4112xi32, #tpu.memory_space<vmem>>, vector<16xi32>, vector<16xi1>
          %ge3A_696 = arith.constant 4081 : i32
          %ge3A_697 = arith.cmpi sge, %and3A_693, %ge3A_696 : i32
          %convert_element_type3A_698 = arith.extui %ge3A_697 : i1 to i32
          %cond3A_699 = arith.constant 0 : i32
          %cond3A_700 = arith.cmpi ne, %convert_element_type3A_698, %cond3A_699 : i32
          scf.if %cond3A_700 {
            %get3A_812 = arith.constant 4096 : index
            %get3A_813 = tpu.vector_load %arg14[%get3A_812] {strides = array<i32>} : memref<4112xi32, #tpu.memory_space<vmem>>, vector<16xi32>,
            %swap3A_814 = arith.constant 0 : index
            %swap3A_815 = tpu.vector_load %arg14[%swap3A_814] {strides = array<i32>} : memref<4112xi32, #tpu.memory_space<vmem>>, vector<16xi32>,
            tpu.vector_store %arg14[%swap3A_814], %get3A_813 {strides = array<i32>} : memref<4112xi32, #tpu.memory_space<vmem>>, vector<16xi32>,
          } else {
          }
          %add3A_701 = arith.addi %add3A_691, %squeeze3A_307 : i32
          %and3A_702 = arith.constant 4095 : i32
          %and3A_703 = arith.andi %add3A_701, %and3A_702 : i32
          %swap3A_704 = arith.index_cast %and3A_703 : i32 to index
          %swap3A_705 = tpu.vector_load %arg14[%swap3A_704] masked %gt3A_335 {strides = array<i32>} : memref<4112xi32, #tpu.memory_space<vmem>>, vector<16xi32>, vector<16xi1>
          tpu.vector_store %arg14[%swap3A_704], %get3A_342 masked %gt3A_335 {strides = array<i32>} : memref<4112xi32, #tpu.memory_space<vmem>>, vector<16xi32>, vector<16xi1>
          %ge3A_706 = arith.constant 4081 : i32
          %ge3A_707 = arith.cmpi sge, %and3A_703, %ge3A_706 : i32
          %convert_element_type3A_708 = arith.extui %ge3A_707 : i1 to i32
          %cond3A_709 = arith.constant 0 : i32
          %cond3A_710 = arith.cmpi ne, %convert_element_type3A_708, %cond3A_709 : i32
          scf.if %cond3A_710 {
            %get3A_812 = arith.constant 4096 : index
            %get3A_813 = tpu.vector_load %arg14[%get3A_812] {strides = array<i32>} : memref<4112xi32, #tpu.memory_space<vmem>>, vector<16xi32>,
            %swap3A_814 = arith.constant 0 : index
            %swap3A_815 = tpu.vector_load %arg14[%swap3A_814] {strides = array<i32>} : memref<4112xi32, #tpu.memory_space<vmem>>, vector<16xi32>,
            tpu.vector_store %arg14[%swap3A_814], %get3A_813 {strides = array<i32>} : memref<4112xi32, #tpu.memory_space<vmem>>, vector<16xi32>,
          } else {
          }
          %add3A_711 = arith.addi %add3A_701, %squeeze3A_338 : i32
          %and3A_712 = arith.constant 4095 : i32
          %and3A_713 = arith.andi %add3A_711, %and3A_712 : i32
          %swap3A_714 = arith.index_cast %and3A_713 : i32 to index
          %swap3A_715 = tpu.vector_load %arg14[%swap3A_714] masked %gt3A_366 {strides = array<i32>} : memref<4112xi32, #tpu.memory_space<vmem>>, vector<16xi32>, vector<16xi1>
          tpu.vector_store %arg14[%swap3A_714], %get3A_373 masked %gt3A_366 {strides = array<i32>} : memref<4112xi32, #tpu.memory_space<vmem>>, vector<16xi32>, vector<16xi1>
          %ge3A_716 = arith.constant 4081 : i32
          %ge3A_717 = arith.cmpi sge, %and3A_713, %ge3A_716 : i32
          %convert_element_type3A_718 = arith.extui %ge3A_717 : i1 to i32
          %cond3A_719 = arith.constant 0 : i32
          %cond3A_720 = arith.cmpi ne, %convert_element_type3A_718, %cond3A_719 : i32
          scf.if %cond3A_720 {
            %get3A_812 = arith.constant 4096 : index
            %get3A_813 = tpu.vector_load %arg14[%get3A_812] {strides = array<i32>} : memref<4112xi32, #tpu.memory_space<vmem>>, vector<16xi32>,
            %swap3A_814 = arith.constant 0 : index
            %swap3A_815 = tpu.vector_load %arg14[%swap3A_814] {strides = array<i32>} : memref<4112xi32, #tpu.memory_space<vmem>>, vector<16xi32>,
            tpu.vector_store %arg14[%swap3A_814], %get3A_813 {strides = array<i32>} : memref<4112xi32, #tpu.memory_space<vmem>>, vector<16xi32>,
          } else {
          }
          %add3A_721 = arith.addi %add3A_711, %squeeze3A_369 : i32
          %and3A_722 = arith.constant 4095 : i32
          %and3A_723 = arith.andi %add3A_721, %and3A_722 : i32
          %swap3A_724 = arith.index_cast %and3A_723 : i32 to index
          %swap3A_725 = tpu.vector_load %arg14[%swap3A_724] masked %gt3A_397 {strides = array<i32>} : memref<4112xi32, #tpu.memory_space<vmem>>, vector<16xi32>, vector<16xi1>
          tpu.vector_store %arg14[%swap3A_724], %get3A_404 masked %gt3A_397 {strides = array<i32>} : memref<4112xi32, #tpu.memory_space<vmem>>, vector<16xi32>, vector<16xi1>
          %ge3A_726 = arith.constant 4081 : i32
          %ge3A_727 = arith.cmpi sge, %and3A_723, %ge3A_726 : i32
          %convert_element_type3A_728 = arith.extui %ge3A_727 : i1 to i32
          %cond3A_729 = arith.constant 0 : i32
          %cond3A_730 = arith.cmpi ne, %convert_element_type3A_728, %cond3A_729 : i32
          scf.if %cond3A_730 {
            %get3A_812 = arith.constant 4096 : index
            %get3A_813 = tpu.vector_load %arg14[%get3A_812] {strides = array<i32>} : memref<4112xi32, #tpu.memory_space<vmem>>, vector<16xi32>,
            %swap3A_814 = arith.constant 0 : index
            %swap3A_815 = tpu.vector_load %arg14[%swap3A_814] {strides = array<i32>} : memref<4112xi32, #tpu.memory_space<vmem>>, vector<16xi32>,
            tpu.vector_store %arg14[%swap3A_814], %get3A_813 {strides = array<i32>} : memref<4112xi32, #tpu.memory_space<vmem>>, vector<16xi32>,
          } else {
          }
          %add3A_731 = arith.addi %add3A_721, %squeeze3A_400 : i32
          %and3A_732 = arith.constant 4095 : i32
          %and3A_733 = arith.andi %add3A_731, %and3A_732 : i32
          %swap3A_734 = arith.index_cast %and3A_733 : i32 to index
          %swap3A_735 = tpu.vector_load %arg14[%swap3A_734] masked %gt3A_428 {strides = array<i32>} : memref<4112xi32, #tpu.memory_space<vmem>>, vector<16xi32>, vector<16xi1>
          tpu.vector_store %arg14[%swap3A_734], %get3A_435 masked %gt3A_428 {strides = array<i32>} : memref<4112xi32, #tpu.memory_space<vmem>>, vector<16xi32>, vector<16xi1>
          %ge3A_736 = arith.constant 4081 : i32
          %ge3A_737 = arith.cmpi sge, %and3A_733, %ge3A_736 : i32
          %convert_element_type3A_738 = arith.extui %ge3A_737 : i1 to i32
          %cond3A_739 = arith.constant 0 : i32
          %cond3A_740 = arith.cmpi ne, %convert_element_type3A_738, %cond3A_739 : i32
          scf.if %cond3A_740 {
            %get3A_812 = arith.constant 4096 : index
            %get3A_813 = tpu.vector_load %arg14[%get3A_812] {strides = array<i32>} : memref<4112xi32, #tpu.memory_space<vmem>>, vector<16xi32>,
            %swap3A_814 = arith.constant 0 : index
            %swap3A_815 = tpu.vector_load %arg14[%swap3A_814] {strides = array<i32>} : memref<4112xi32, #tpu.memory_space<vmem>>, vector<16xi32>,
            tpu.vector_store %arg14[%swap3A_814], %get3A_813 {strides = array<i32>} : memref<4112xi32, #tpu.memory_space<vmem>>, vector<16xi32>,
          } else {
          }
          %add3A_741 = arith.addi %add3A_731, %squeeze3A_431 : i32
          %and3A_742 = arith.constant 4095 : i32
          %and3A_743 = arith.andi %add3A_741, %and3A_742 : i32
          %swap3A_744 = arith.index_cast %and3A_743 : i32 to index
          %swap3A_745 = tpu.vector_load %arg14[%swap3A_744] masked %gt3A_459 {strides = array<i32>} : memref<4112xi32, #tpu.memory_space<vmem>>, vector<16xi32>, vector<16xi1>
          tpu.vector_store %arg14[%swap3A_744], %get3A_466 masked %gt3A_459 {strides = array<i32>} : memref<4112xi32, #tpu.memory_space<vmem>>, vector<16xi32>, vector<16xi1>
          %ge3A_746 = arith.constant 4081 : i32
          %ge3A_747 = arith.cmpi sge, %and3A_743, %ge3A_746 : i32
          %convert_element_type3A_748 = arith.extui %ge3A_747 : i1 to i32
          %cond3A_749 = arith.constant 0 : i32
          %cond3A_750 = arith.cmpi ne, %convert_element_type3A_748, %cond3A_749 : i32
          scf.if %cond3A_750 {
            %get3A_812 = arith.constant 4096 : index
            %get3A_813 = tpu.vector_load %arg14[%get3A_812] {strides = array<i32>} : memref<4112xi32, #tpu.memory_space<vmem>>, vector<16xi32>,
            %swap3A_814 = arith.constant 0 : index
            %swap3A_815 = tpu.vector_load %arg14[%swap3A_814] {strides = array<i32>} : memref<4112xi32, #tpu.memory_space<vmem>>, vector<16xi32>,
            tpu.vector_store %arg14[%swap3A_814], %get3A_813 {strides = array<i32>} : memref<4112xi32, #tpu.memory_space<vmem>>, vector<16xi32>,
          } else {
          }
          %add3A_751 = arith.addi %add3A_741, %squeeze3A_462 : i32
          %and3A_752 = arith.constant 4095 : i32
          %and3A_753 = arith.andi %add3A_751, %and3A_752 : i32
          %swap3A_754 = arith.index_cast %and3A_753 : i32 to index
          %swap3A_755 = tpu.vector_load %arg14[%swap3A_754] masked %gt3A_490 {strides = array<i32>} : memref<4112xi32, #tpu.memory_space<vmem>>, vector<16xi32>, vector<16xi1>
          tpu.vector_store %arg14[%swap3A_754], %get3A_497 masked %gt3A_490 {strides = array<i32>} : memref<4112xi32, #tpu.memory_space<vmem>>, vector<16xi32>, vector<16xi1>
          %ge3A_756 = arith.constant 4081 : i32
          %ge3A_757 = arith.cmpi sge, %and3A_753, %ge3A_756 : i32
          %convert_element_type3A_758 = arith.extui %ge3A_757 : i1 to i32
          %cond3A_759 = arith.constant 0 : i32
          %cond3A_760 = arith.cmpi ne, %convert_element_type3A_758, %cond3A_759 : i32
          scf.if %cond3A_760 {
            %get3A_812 = arith.constant 4096 : index
            %get3A_813 = tpu.vector_load %arg14[%get3A_812] {strides = array<i32>} : memref<4112xi32, #tpu.memory_space<vmem>>, vector<16xi32>,
            %swap3A_814 = arith.constant 0 : index
            %swap3A_815 = tpu.vector_load %arg14[%swap3A_814] {strides = array<i32>} : memref<4112xi32, #tpu.memory_space<vmem>>, vector<16xi32>,
            tpu.vector_store %arg14[%swap3A_814], %get3A_813 {strides = array<i32>} : memref<4112xi32, #tpu.memory_space<vmem>>, vector<16xi32>,
          } else {
          }
          %add3A_761 = arith.addi %add3A_751, %squeeze3A_493 : i32
          %and3A_762 = arith.constant 4095 : i32
          %and3A_763 = arith.andi %add3A_761, %and3A_762 : i32
          %swap3A_764 = arith.index_cast %and3A_763 : i32 to index
          %swap3A_765 = tpu.vector_load %arg14[%swap3A_764] masked %gt3A_521 {strides = array<i32>} : memref<4112xi32, #tpu.memory_space<vmem>>, vector<16xi32>, vector<16xi1>
          tpu.vector_store %arg14[%swap3A_764], %get3A_528 masked %gt3A_521 {strides = array<i32>} : memref<4112xi32, #tpu.memory_space<vmem>>, vector<16xi32>, vector<16xi1>
          %ge3A_766 = arith.constant 4081 : i32
          %ge3A_767 = arith.cmpi sge, %and3A_763, %ge3A_766 : i32
          %convert_element_type3A_768 = arith.extui %ge3A_767 : i1 to i32
          %cond3A_769 = arith.constant 0 : i32
          %cond3A_770 = arith.cmpi ne, %convert_element_type3A_768, %cond3A_769 : i32
          scf.if %cond3A_770 {
            %get3A_812 = arith.constant 4096 : index
            %get3A_813 = tpu.vector_load %arg14[%get3A_812] {strides = array<i32>} : memref<4112xi32, #tpu.memory_space<vmem>>, vector<16xi32>,
            %swap3A_814 = arith.constant 0 : index
            %swap3A_815 = tpu.vector_load %arg14[%swap3A_814] {strides = array<i32>} : memref<4112xi32, #tpu.memory_space<vmem>>, vector<16xi32>,
            tpu.vector_store %arg14[%swap3A_814], %get3A_813 {strides = array<i32>} : memref<4112xi32, #tpu.memory_space<vmem>>, vector<16xi32>,
          } else {
          }
          %add3A_771 = arith.addi %add3A_761, %squeeze3A_524 : i32
          %and3A_772 = arith.constant 4095 : i32
          %and3A_773 = arith.andi %add3A_771, %and3A_772 : i32
          %swap3A_774 = arith.index_cast %and3A_773 : i32 to index
          %swap3A_775 = tpu.vector_load %arg14[%swap3A_774] masked %gt3A_552 {strides = array<i32>} : memref<4112xi32, #tpu.memory_space<vmem>>, vector<16xi32>, vector<16xi1>
          tpu.vector_store %arg14[%swap3A_774], %get3A_559 masked %gt3A_552 {strides = array<i32>} : memref<4112xi32, #tpu.memory_space<vmem>>, vector<16xi32>, vector<16xi1>
          %ge3A_776 = arith.constant 4081 : i32
          %ge3A_777 = arith.cmpi sge, %and3A_773, %ge3A_776 : i32
          %convert_element_type3A_778 = arith.extui %ge3A_777 : i1 to i32
          %cond3A_779 = arith.constant 0 : i32
          %cond3A_780 = arith.cmpi ne, %convert_element_type3A_778, %cond3A_779 : i32
          scf.if %cond3A_780 {
            %get3A_812 = arith.constant 4096 : index
            %get3A_813 = tpu.vector_load %arg14[%get3A_812] {strides = array<i32>} : memref<4112xi32, #tpu.memory_space<vmem>>, vector<16xi32>,
            %swap3A_814 = arith.constant 0 : index
            %swap3A_815 = tpu.vector_load %arg14[%swap3A_814] {strides = array<i32>} : memref<4112xi32, #tpu.memory_space<vmem>>, vector<16xi32>,
            tpu.vector_store %arg14[%swap3A_814], %get3A_813 {strides = array<i32>} : memref<4112xi32, #tpu.memory_space<vmem>>, vector<16xi32>,
          } else {
          }
          %add3A_781 = arith.addi %add3A_771, %squeeze3A_555 : i32
          %and3A_782 = arith.constant 4095 : i32
          %and3A_783 = arith.andi %add3A_781, %and3A_782 : i32
          %swap3A_784 = arith.index_cast %and3A_783 : i32 to index
          %swap3A_785 = tpu.vector_load %arg14[%swap3A_784] masked %gt3A_583 {strides = array<i32>} : memref<4112xi32, #tpu.memory_space<vmem>>, vector<16xi32>, vector<16xi1>
          tpu.vector_store %arg14[%swap3A_784], %get3A_590 masked %gt3A_583 {strides = array<i32>} : memref<4112xi32, #tpu.memory_space<vmem>>, vector<16xi32>, vector<16xi1>
          %ge3A_786 = arith.constant 4081 : i32
          %ge3A_787 = arith.cmpi sge, %and3A_783, %ge3A_786 : i32
          %convert_element_type3A_788 = arith.extui %ge3A_787 : i1 to i32
          %cond3A_789 = arith.constant 0 : i32
          %cond3A_790 = arith.cmpi ne, %convert_element_type3A_788, %cond3A_789 : i32
          scf.if %cond3A_790 {
            %get3A_812 = arith.constant 4096 : index
            %get3A_813 = tpu.vector_load %arg14[%get3A_812] {strides = array<i32>} : memref<4112xi32, #tpu.memory_space<vmem>>, vector<16xi32>,
            %swap3A_814 = arith.constant 0 : index
            %swap3A_815 = tpu.vector_load %arg14[%swap3A_814] {strides = array<i32>} : memref<4112xi32, #tpu.memory_space<vmem>>, vector<16xi32>,
            tpu.vector_store %arg14[%swap3A_814], %get3A_813 {strides = array<i32>} : memref<4112xi32, #tpu.memory_space<vmem>>, vector<16xi32>,
          } else {
          }
          %add3A_791 = arith.addi %add3A_781, %squeeze3A_586 : i32
          %and3A_792 = arith.constant 4095 : i32
          %and3A_793 = arith.andi %add3A_791, %and3A_792 : i32
          %swap3A_794 = arith.index_cast %and3A_793 : i32 to index
          %swap3A_795 = tpu.vector_load %arg14[%swap3A_794] masked %gt3A_614 {strides = array<i32>} : memref<4112xi32, #tpu.memory_space<vmem>>, vector<16xi32>, vector<16xi1>
          tpu.vector_store %arg14[%swap3A_794], %get3A_621 masked %gt3A_614 {strides = array<i32>} : memref<4112xi32, #tpu.memory_space<vmem>>, vector<16xi32>, vector<16xi1>
          %ge3A_796 = arith.constant 4081 : i32
          %ge3A_797 = arith.cmpi sge, %and3A_793, %ge3A_796 : i32
          %convert_element_type3A_798 = arith.extui %ge3A_797 : i1 to i32
          %cond3A_799 = arith.constant 0 : i32
          %cond3A_800 = arith.cmpi ne, %convert_element_type3A_798, %cond3A_799 : i32
          scf.if %cond3A_800 {
            %get3A_812 = arith.constant 4096 : index
            %get3A_813 = tpu.vector_load %arg14[%get3A_812] {strides = array<i32>} : memref<4112xi32, #tpu.memory_space<vmem>>, vector<16xi32>,
            %swap3A_814 = arith.constant 0 : index
            %swap3A_815 = tpu.vector_load %arg14[%swap3A_814] {strides = array<i32>} : memref<4112xi32, #tpu.memory_space<vmem>>, vector<16xi32>,
            tpu.vector_store %arg14[%swap3A_814], %get3A_813 {strides = array<i32>} : memref<4112xi32, #tpu.memory_space<vmem>>, vector<16xi32>,
          } else {
          }
          %add3A_801 = arith.addi %add3A_791, %squeeze3A_617 : i32
          %and3A_802 = arith.constant 4095 : i32
          %and3A_803 = arith.andi %add3A_801, %and3A_802 : i32
          %swap3A_804 = arith.index_cast %and3A_803 : i32 to index
          %swap3A_805 = tpu.vector_load %arg14[%swap3A_804] masked %gt3A_645 {strides = array<i32>} : memref<4112xi32, #tpu.memory_space<vmem>>, vector<16xi32>, vector<16xi1>
          tpu.vector_store %arg14[%swap3A_804], %get3A_652 masked %gt3A_645 {strides = array<i32>} : memref<4112xi32, #tpu.memory_space<vmem>>, vector<16xi32>, vector<16xi1>
          %ge3A_806 = arith.constant 4081 : i32
          %ge3A_807 = arith.cmpi sge, %and3A_803, %ge3A_806 : i32
          %convert_element_type3A_808 = arith.extui %ge3A_807 : i1 to i32
          %cond3A_809 = arith.constant 0 : i32
          %cond3A_810 = arith.cmpi ne, %convert_element_type3A_808, %cond3A_809 : i32
          scf.if %cond3A_810 {
            %get3A_812 = arith.constant 4096 : index
            %get3A_813 = tpu.vector_load %arg14[%get3A_812] {strides = array<i32>} : memref<4112xi32, #tpu.memory_space<vmem>>, vector<16xi32>,
            %swap3A_814 = arith.constant 0 : index
            %swap3A_815 = tpu.vector_load %arg14[%swap3A_814] {strides = array<i32>} : memref<4112xi32, #tpu.memory_space<vmem>>, vector<16xi32>,
            tpu.vector_store %arg14[%swap3A_814], %get3A_813 {strides = array<i32>} : memref<4112xi32, #tpu.memory_space<vmem>>, vector<16xi32>,
          } else {
          }
          %add3A_811 = arith.addi %add3A_801, %squeeze3A_648 : i32
          scf.yield %add3A_811 : i32
        }
        %scan3A_142 = arith.constant 8 : i32
        %ge3A_143 = arith.cmpi sge, %scan3A_141, %scan3A_92 : i32
        %eq3A = arith.constant 0 : i32
        %eq3A_144 = arith.cmpi eq, %scan3A_93, %eq3A : i32
        %and3A = arith.andi %ge3A_143, %eq3A_144 : i1
        %convert_element_type3A_145 = arith.extui %and3A : i1 to i32
        %cond3A_146 = arith.constant 0 : i32
        %cond3A_147 = arith.cmpi ne, %convert_element_type3A_145, %cond3A_146 : i32
        scf.if %cond3A_147 {
          %ge3A_161 = arith.constant 2 : i32
          %ge3A_162 = arith.cmpi sge, %scan3A_94, %ge3A_161 : i32
          %convert_element_type3A_163 = arith.extui %ge3A_162 : i1 to i32
          %cond3A_164 = arith.constant 0 : i32
          %cond3A_165 = arith.cmpi ne, %convert_element_type3A_163, %cond3A_164 : i32
          scf.if %cond3A_165 {
            %dma_wait3A_173 = arith.constant 0 : i32
            %dma_wait3A_174 = tpu.memref_slice %arg18[%dma_wait3A_173] : memref<100352xf32, #tpu.memory_space<vmem_shared>> -> memref<100352xf32, #tpu.memory_space<vmem_shared>>
            tpu.wait_indirect_dma semaphore(%arg21 : memref<!tpu.dma_semaphore, #tpu.memory_space<semaphore_mem>>) src(%arg13 : memref<2048xf32, #tpu.memory_space<vmem>>) dst(%dma_wait3A_174 : memref<100352xf32, #tpu.memory_space<vmem_shared>>)
          } else {
          }
          %scan3A_166 = arith.constant 0 : i32
          %scan3A_167 = arith.constant 128 : i32
          %scan3A_168 = arith.addi %scan3A_166, %scan3A_167 : i32
          %scan3A_169 = arith.constant 1 : i32
          scf.for %scan3A_173 = %scan3A_166 to %scan3A_168 step %scan3A_169  : i32 {
            %mul3A_174 = arith.constant 16 : i32
            %mul3A_175 = arith.muli %scan3A_173, %mul3A_174 : i32
            %add3A_176 = arith.constant 0 : i32
            %add3A_177 = arith.addi %add3A_176, %mul3A_175 : i32
            %get3A = arith.index_cast %add3A_177 : i32 to index
            %get3A_178 = tpu.vector_load %arg14[%get3A] {strides = array<i32>} : memref<4112xi32, #tpu.memory_space<vmem>>, vector<16xi32>,
            %mul3A_179 = arith.constant 16 : i32
            %mul3A_180 = arith.muli %scan3A_173, %mul3A_179 : i32
            %swap3A = arith.index_cast %mul3A_180 : i32 to index
            %swap3A_181 = tpu.vector_load %arg15[%swap3A] {strides = array<i32>} : memref<2048xi32, #tpu.memory_space<vmem>>, vector<16xi32>,
            tpu.vector_store %arg15[%swap3A], %get3A_178 {strides = array<i32>} : memref<2048xi32, #tpu.memory_space<vmem>>, vector<16xi32>,
          }
          %scan3A_170 = arith.constant 128 : i32
          %dma_start3A_171 = arith.constant 0 : i32
          %dma_start3A_172 = tpu.memref_slice %arg18[%dma_start3A_171] : memref<100352xf32, #tpu.memory_space<vmem_shared>> -> memref<100352xf32, #tpu.memory_space<vmem_shared>>
          tpu.enqueue_indirect_dma source(%arg13 : memref<2048xf32, #tpu.memory_space<vmem>>) target(%dma_start3A_172 : memref<100352xf32, #tpu.memory_space<vmem_shared>>) offsets(%arg15 : memref<2048xi32, #tpu.memory_space<vmem>>) semaphore(%arg21 : memref<!tpu.dma_semaphore, #tpu.memory_space<semaphore_mem>>) {add = true}
        } else {
        }
        %eq3A_148 = arith.constant 1 : i32
        %eq3A_149 = arith.cmpi eq, %scan3A_93, %eq3A_148 : i32
        %and3A_150 = arith.andi %ge3A_143, %eq3A_149 : i1
        %convert_element_type3A_151 = arith.extui %and3A_150 : i1 to i32
        %cond3A_152 = arith.constant 0 : i32
        %cond3A_153 = arith.cmpi ne, %convert_element_type3A_151, %cond3A_152 : i32
        scf.if %cond3A_153 {
          %ge3A_161 = arith.constant 2 : i32
          %ge3A_162 = arith.cmpi sge, %scan3A_94, %ge3A_161 : i32
          %convert_element_type3A_163 = arith.extui %ge3A_162 : i1 to i32
          %cond3A_164 = arith.constant 0 : i32
          %cond3A_165 = arith.cmpi ne, %convert_element_type3A_163, %cond3A_164 : i32
          scf.if %cond3A_165 {
            %dma_wait3A_173 = arith.constant 0 : i32
            %dma_wait3A_174 = tpu.memref_slice %arg18[%dma_wait3A_173] : memref<100352xf32, #tpu.memory_space<vmem_shared>> -> memref<100352xf32, #tpu.memory_space<vmem_shared>>
            tpu.wait_indirect_dma semaphore(%arg22 : memref<!tpu.dma_semaphore, #tpu.memory_space<semaphore_mem>>) src(%arg13 : memref<2048xf32, #tpu.memory_space<vmem>>) dst(%dma_wait3A_174 : memref<100352xf32, #tpu.memory_space<vmem_shared>>)
          } else {
          }
          %scan3A_166 = arith.constant 0 : i32
          %scan3A_167 = arith.constant 128 : i32
          %scan3A_168 = arith.addi %scan3A_166, %scan3A_167 : i32
          %scan3A_169 = arith.constant 1 : i32
          scf.for %scan3A_173 = %scan3A_166 to %scan3A_168 step %scan3A_169  : i32 {
            %mul3A_174 = arith.constant 16 : i32
            %mul3A_175 = arith.muli %scan3A_173, %mul3A_174 : i32
            %add3A_176 = arith.constant 2048 : i32
            %add3A_177 = arith.addi %add3A_176, %mul3A_175 : i32
            %get3A = arith.index_cast %add3A_177 : i32 to index
            %get3A_178 = tpu.vector_load %arg14[%get3A] {strides = array<i32>} : memref<4112xi32, #tpu.memory_space<vmem>>, vector<16xi32>,
            %mul3A_179 = arith.constant 16 : i32
            %mul3A_180 = arith.muli %scan3A_173, %mul3A_179 : i32
            %swap3A = arith.index_cast %mul3A_180 : i32 to index
            %swap3A_181 = tpu.vector_load %arg16[%swap3A] {strides = array<i32>} : memref<2048xi32, #tpu.memory_space<vmem>>, vector<16xi32>,
            tpu.vector_store %arg16[%swap3A], %get3A_178 {strides = array<i32>} : memref<2048xi32, #tpu.memory_space<vmem>>, vector<16xi32>,
          }
          %scan3A_170 = arith.constant 128 : i32
          %dma_start3A_171 = arith.constant 0 : i32
          %dma_start3A_172 = tpu.memref_slice %arg18[%dma_start3A_171] : memref<100352xf32, #tpu.memory_space<vmem_shared>> -> memref<100352xf32, #tpu.memory_space<vmem_shared>>
          tpu.enqueue_indirect_dma source(%arg13 : memref<2048xf32, #tpu.memory_space<vmem>>) target(%dma_start3A_172 : memref<100352xf32, #tpu.memory_space<vmem_shared>>) offsets(%arg16 : memref<2048xi32, #tpu.memory_space<vmem>>) semaphore(%arg22 : memref<!tpu.dma_semaphore, #tpu.memory_space<semaphore_mem>>) {add = true}
        } else {
        }
        %add3A_154 = arith.constant 2048 : i32
        %add3A_155 = arith.addi %scan3A_92, %add3A_154 : i32
        %select_n3A_156 = arith.select %ge3A_143, %add3A_155, %scan3A_92 : i32
        %sub3A = arith.constant 1 : i32
        %sub3A_157 = arith.subi %sub3A, %scan3A_93 : i32
        %select_n3A_158 = arith.select %ge3A_143, %sub3A_157, %scan3A_93 : i32
        %convert_element_type3A_159 = arith.extui %ge3A_143 : i1 to i32
        %add3A_160 = arith.addi %scan3A_94, %convert_element_type3A_159 : i32
        scf.yield %scan3A_141, %select_n3A_156, %select_n3A_158, %add3A_160 : i32, i32, i32, i32
      } else {
        scf.yield %scan3A_91, %scan3A_92, %scan3A_93, %scan3A_94 : i32, i32, i32, i32
      }
      %mul3A_104 = arith.constant 2 : i32
      %mul3A_105 = arith.muli %scan3A_90, %mul3A_104 : i32
      %add3A_106 = arith.constant 1 : i32
      %add3A_107 = arith.addi %mul3A_105, %add3A_106 : i32
      %lt3A_108 = arith.cmpi slt, %add3A_107, %add3A_31 : i32
      %convert_element_type3A_109 = arith.extui %lt3A_108 : i1 to i32
      %cond3A_110 = arith.constant 0 : i32
      %cond3A_111 = arith.cmpi ne, %convert_element_type3A_109, %cond3A_110 : i32
      %cond3A_112:4 = scf.if %cond3A_111 -> (i32, i32, i32, i32) {
        %dma_wait3A_113 = arith.constant 0 : i32
        %dma_wait3A_114 = arith.constant 0 : i32
        %dma_wait3A_115 = tpu.memref_slice %arg3[%dma_wait3A_113, %dma_wait3A_114] : memref<2x6400000xi32, #tpu.memory_space<hbm>> -> memref<1x2048xi32, #tpu.memory_space<hbm>>
        %dma_wait3A_116 = tpu.memref_squeeze %dma_wait3A_115 : memref<1x2048xi32, #tpu.memory_space<hbm>> -> memref<2048xi32, #tpu.memory_space<hbm>>
        %dma_wait3A_117 = arith.constant 0 : i32
        %dma_wait3A_118 = tpu.memref_slice %arg3[%dma_wait3A_113, %dma_wait3A_117] : memref<2x6400000xi32, #tpu.memory_space<hbm>> -> memref<1x2048xi32, #tpu.memory_space<hbm>>
        %dma_wait3A_119 = tpu.memref_squeeze %dma_wait3A_118 : memref<1x2048xi32, #tpu.memory_space<hbm>> -> memref<2048xi32, #tpu.memory_space<hbm>>
        tpu.wait_dma2 semaphore(%arg20 : memref<!tpu.dma_semaphore, #tpu.memory_space<semaphore_mem>>) src(%dma_wait3A_119 : memref<2048xi32, #tpu.memory_space<hbm>>) dst(%arg8 : memref<2048xi32, #tpu.memory_space<vmem>>)
        %dma_wait3A_120 = arith.constant 1 : i32
        %dma_wait3A_121 = arith.constant 0 : i32
        %dma_wait3A_122 = tpu.memref_slice %arg3[%dma_wait3A_120, %dma_wait3A_121] : memref<2x6400000xi32, #tpu.memory_space<hbm>> -> memref<1x2048xi32, #tpu.memory_space<hbm>>
        %dma_wait3A_123 = tpu.memref_squeeze %dma_wait3A_122 : memref<1x2048xi32, #tpu.memory_space<hbm>> -> memref<2048xi32, #tpu.memory_space<hbm>>
        %dma_wait3A_124 = arith.constant 0 : i32
        %dma_wait3A_125 = tpu.memref_slice %arg3[%dma_wait3A_120, %dma_wait3A_124] : memref<2x6400000xi32, #tpu.memory_space<hbm>> -> memref<1x2048xi32, #tpu.memory_space<hbm>>
        %dma_wait3A_126 = tpu.memref_squeeze %dma_wait3A_125 : memref<1x2048xi32, #tpu.memory_space<hbm>> -> memref<2048xi32, #tpu.memory_space<hbm>>
        tpu.wait_dma2 semaphore(%arg20 : memref<!tpu.dma_semaphore, #tpu.memory_space<semaphore_mem>>) src(%dma_wait3A_126 : memref<2048xi32, #tpu.memory_space<hbm>>) dst(%arg10 : memref<2048xi32, #tpu.memory_space<vmem>>)
        %dma_wait3A_127 = arith.constant 0 : i32
        %dma_wait3A_128 = tpu.memref_slice %arg4[%dma_wait3A_127] : memref<6400000xf32, #tpu.memory_space<hbm>> -> memref<2048xf32, #tpu.memory_space<hbm>>
        %dma_wait3A_129 = arith.constant 0 : i32
        %dma_wait3A_130 = tpu.memref_slice %arg4[%dma_wait3A_129] : memref<6400000xf32, #tpu.memory_space<hbm>> -> memref<2048xf32, #tpu.memory_space<hbm>>
        tpu.wait_dma2 semaphore(%arg20 : memref<!tpu.dma_semaphore, #tpu.memory_space<semaphore_mem>>) src(%dma_wait3A_130 : memref<2048xf32, #tpu.memory_space<hbm>>) dst(%arg12 : memref<2048xf32, #tpu.memory_space<vmem>>)
        %add3A_131 = arith.constant 1 : i32
        %add3A_132 = arith.addi %add3A_107, %add3A_131 : i32
        %lt3A_133 = arith.cmpi slt, %add3A_132, %add3A_31 : i32
        %convert_element_type3A_134 = arith.extui %lt3A_133 : i1 to i32
        %cond3A_135 = arith.constant 0 : i32
        %cond3A_136 = arith.cmpi ne, %convert_element_type3A_134, %cond3A_135 : i32
        scf.if %cond3A_136 {
          %add3A_161 = arith.constant 1 : i32
          %add3A_162 = arith.addi %add3A_107, %add3A_161 : i32
          %mul3A_163 = arith.constant 32 : i32
          %mul3A_164 = arith.muli %add3A_162, %mul3A_163 : i32
          %add3A_165 = arith.addi %add3A, %mul3A_164 : i32
          %mul3A_166 = arith.constant 2048 : i32
          %mul3A_167 = arith.muli %add3A_165, %mul3A_166 : i32
          %dma_start3A_168 = arith.constant 0 : i32
          %dma_start3A_169 = tpu.memref_slice %arg3[%dma_start3A_168, %mul3A_167] : memref<2x6400000xi32, #tpu.memory_space<hbm>> -> memref<1x2048xi32, #tpu.memory_space<hbm>>
          %dma_start3A_170 = tpu.memref_squeeze %dma_start3A_169 : memref<1x2048xi32, #tpu.memory_space<hbm>> -> memref<2048xi32, #tpu.memory_space<hbm>>
          %dma_start3A_171 = tpu.memref_slice %arg3[%dma_start3A_168, %mul3A_167] : memref<2x6400000xi32, #tpu.memory_space<hbm>> -> memref<1x2048xi32, #tpu.memory_space<hbm>>
          %dma_start3A_172 = tpu.memref_squeeze %dma_start3A_171 : memref<1x2048xi32, #tpu.memory_space<hbm>> -> memref<2048xi32, #tpu.memory_space<hbm>>
          tpu.enqueue_dma source(%dma_start3A_172 : memref<2048xi32, #tpu.memory_space<hbm>>) target(%arg7 : memref<2048xi32, #tpu.memory_space<vmem>>) target_semaphore(%arg19 : memref<!tpu.dma_semaphore, #tpu.memory_space<semaphore_mem>>)
          %mul3A_173 = arith.constant 2048 : i32
          %mul3A_174 = arith.muli %add3A_165, %mul3A_173 : i32
          %dma_start3A_175 = arith.constant 1 : i32
          %dma_start3A_176 = tpu.memref_slice %arg3[%dma_start3A_175, %mul3A_174] : memref<2x6400000xi32, #tpu.memory_space<hbm>> -> memref<1x2048xi32, #tpu.memory_space<hbm>>
          %dma_start3A_177 = tpu.memref_squeeze %dma_start3A_176 : memref<1x2048xi32, #tpu.memory_space<hbm>> -> memref<2048xi32, #tpu.memory_space<hbm>>
          %dma_start3A_178 = tpu.memref_slice %arg3[%dma_start3A_175, %mul3A_174] : memref<2x6400000xi32, #tpu.memory_space<hbm>> -> memref<1x2048xi32, #tpu.memory_space<hbm>>
          %dma_start3A_179 = tpu.memref_squeeze %dma_start3A_178 : memref<1x2048xi32, #tpu.memory_space<hbm>> -> memref<2048xi32, #tpu.memory_space<hbm>>
          tpu.enqueue_dma source(%dma_start3A_179 : memref<2048xi32, #tpu.memory_space<hbm>>) target(%arg9 : memref<2048xi32, #tpu.memory_space<vmem>>) target_semaphore(%arg19 : memref<!tpu.dma_semaphore, #tpu.memory_space<semaphore_mem>>)
          %mul3A_180 = arith.constant 2048 : i32
          %mul3A_181 = arith.muli %add3A_165, %mul3A_180 : i32
          %dma_start3A_182 = tpu.memref_slice %arg4[%mul3A_181] : memref<6400000xf32, #tpu.memory_space<hbm>> -> memref<2048xf32, #tpu.memory_space<hbm>>
          %dma_start3A_183 = tpu.memref_slice %arg4[%mul3A_181] : memref<6400000xf32, #tpu.memory_space<hbm>> -> memref<2048xf32, #tpu.memory_space<hbm>>
          tpu.enqueue_dma source(%dma_start3A_183 : memref<2048xf32, #tpu.memory_space<hbm>>) target(%arg11 : memref<2048xf32, #tpu.memory_space<vmem>>) target_semaphore(%arg19 : memref<!tpu.dma_semaphore, #tpu.memory_space<semaphore_mem>>)
        } else {
        }
        %scan3A_137 = arith.constant 0 : i32
        %scan3A_138 = arith.constant 8 : i32
        %scan3A_139 = arith.addi %scan3A_137, %scan3A_138 : i32
        %scan3A_140 = arith.constant 1 : i32
        %scan3A_141 = scf.for %scan3A_161 = %scan3A_137 to %scan3A_139 step %scan3A_140 iter_args(%scan3A_162 = %cond3A_103#0) -> (i32)  : i32 {
          %mul3A_163 = arith.constant 16 : i32
          %mul3A_164 = arith.muli %scan3A_161, %mul3A_163 : i32
          %add3A_165 = arith.constant 0 : i32
          %add3A_166 = arith.addi %mul3A_164, %add3A_165 : i32
          %mul3A_167 = arith.constant 16 : i32
          %mul3A_168 = arith.muli %add3A_166, %mul3A_167 : i32
          %get3A = arith.index_cast %mul3A_168 : i32 to index
          %get3A_169 = tpu.vector_load %arg8[%get3A] {strides = array<i32>} : memref<2048xi32, #tpu.memory_space<vmem>>, vector<16xi32>,
          %mul3A_170 = arith.constant 16 : i32
          %mul3A_171 = arith.muli %add3A_166, %mul3A_170 : i32
          %get3A_172 = arith.index_cast %mul3A_171 : i32 to index
          %get3A_173 = tpu.vector_load %arg12[%get3A_172] {strides = array<i32>} : memref<2048xf32, #tpu.memory_space<vmem>>, vector<16xf32>,
          %gather3A = tpu.vector_load_idx %arg6[%get3A_169] : memref<100096xf32, #tpu.memory_space<vmem>>[vector<16xi32>], vector<16xf32>,
          %mul3A_174 = arith.mulf %get3A_173, %gather3A : vector<16xf32>
          %sub3A_175 = arith.constant 1.000000e+00 : f32
          %sub3A_176 = vector.broadcast %sub3A_175 : f32 to vector<16xf32>
          %sub3A_177 = arith.subf %sub3A_176, %get3A_173 : vector<16xf32>
          %mul3A_178 = arith.constant 5.000000e-01 : f32
          %mul3A_179 = vector.broadcast %mul3A_178 : f32 to vector<16xf32>
          %mul3A_180 = arith.mulf %sub3A_177, %mul3A_179 : vector<16xf32>
          %add3A_181 = arith.addf %mul3A_174, %mul3A_180 : vector<16xf32>
          %gt3A = arith.constant 5.000000e-01 : f32
          %gt3A_182 = vector.broadcast %gt3A : f32 to vector<16xf32>
          %gt3A_183 = arith.cmpf ogt, %add3A_181, %gt3A_182 : vector<16xf32>
          %all_reduce_population_count3A = tpu.all_reduce %gt3A_183 {dim = 0 : i64, kind = #tpu.reduction_kind<sum>} : vector<16xi1> -> vector<16xi32>
          %slice3A = vector.extract_strided_slice %all_reduce_population_count3A {offsets = [0], sizes = [1], strides = [1]} : vector<16xi32> to vector<1xi32>
          %squeeze3A = vector.extract %slice3A[0] : i32 from vector<1xi32>
          %mul3A_184 = arith.constant 16 : i32
          %mul3A_185 = arith.muli %add3A_166, %mul3A_184 : i32
          %get3A_186 = arith.index_cast %mul3A_185 : i32 to index
          %get3A_187 = tpu.vector_load %arg10[%get3A_186] {strides = array<i32>} : memref<2048xi32, #tpu.memory_space<vmem>>, vector<16xi32>,
          %mul3A_188 = arith.constant 16 : i32
          %mul3A_189 = arith.muli %scan3A_161, %mul3A_188 : i32
          %add3A_190 = arith.constant 1 : i32
          %add3A_191 = arith.addi %mul3A_189, %add3A_190 : i32
          %mul3A_192 = arith.constant 16 : i32
          %mul3A_193 = arith.muli %add3A_191, %mul3A_192 : i32
          %get3A_194 = arith.index_cast %mul3A_193 : i32 to index
          %get3A_195 = tpu.vector_load %arg8[%get3A_194] {strides = array<i32>} : memref<2048xi32, #tpu.memory_space<vmem>>, vector<16xi32>,
          %mul3A_196 = arith.constant 16 : i32
          %mul3A_197 = arith.muli %add3A_191, %mul3A_196 : i32
          %get3A_198 = arith.index_cast %mul3A_197 : i32 to index
          %get3A_199 = tpu.vector_load %arg12[%get3A_198] {strides = array<i32>} : memref<2048xf32, #tpu.memory_space<vmem>>, vector<16xf32>,
          %gather3A_200 = tpu.vector_load_idx %arg6[%get3A_195] : memref<100096xf32, #tpu.memory_space<vmem>>[vector<16xi32>], vector<16xf32>,
          %mul3A_201 = arith.mulf %get3A_199, %gather3A_200 : vector<16xf32>
          %sub3A_202 = arith.constant 1.000000e+00 : f32
          %sub3A_203 = vector.broadcast %sub3A_202 : f32 to vector<16xf32>
          %sub3A_204 = arith.subf %sub3A_203, %get3A_199 : vector<16xf32>
          %mul3A_205 = arith.constant 5.000000e-01 : f32
          %mul3A_206 = vector.broadcast %mul3A_205 : f32 to vector<16xf32>
          %mul3A_207 = arith.mulf %sub3A_204, %mul3A_206 : vector<16xf32>
          %add3A_208 = arith.addf %mul3A_201, %mul3A_207 : vector<16xf32>
          %gt3A_209 = arith.constant 5.000000e-01 : f32
          %gt3A_210 = vector.broadcast %gt3A_209 : f32 to vector<16xf32>
          %gt3A_211 = arith.cmpf ogt, %add3A_208, %gt3A_210 : vector<16xf32>
          %all_reduce_population_count3A_212 = tpu.all_reduce %gt3A_211 {dim = 0 : i64, kind = #tpu.reduction_kind<sum>} : vector<16xi1> -> vector<16xi32>
          %slice3A_213 = vector.extract_strided_slice %all_reduce_population_count3A_212 {offsets = [0], sizes = [1], strides = [1]} : vector<16xi32> to vector<1xi32>
          %squeeze3A_214 = vector.extract %slice3A_213[0] : i32 from vector<1xi32>
          %mul3A_215 = arith.constant 16 : i32
          %mul3A_216 = arith.muli %add3A_191, %mul3A_215 : i32
          %get3A_217 = arith.index_cast %mul3A_216 : i32 to index
          %get3A_218 = tpu.vector_load %arg10[%get3A_217] {strides = array<i32>} : memref<2048xi32, #tpu.memory_space<vmem>>, vector<16xi32>,
          %mul3A_219 = arith.constant 16 : i32
          %mul3A_220 = arith.muli %scan3A_161, %mul3A_219 : i32
          %add3A_221 = arith.constant 2 : i32
          %add3A_222 = arith.addi %mul3A_220, %add3A_221 : i32
          %mul3A_223 = arith.constant 16 : i32
          %mul3A_224 = arith.muli %add3A_222, %mul3A_223 : i32
          %get3A_225 = arith.index_cast %mul3A_224 : i32 to index
          %get3A_226 = tpu.vector_load %arg8[%get3A_225] {strides = array<i32>} : memref<2048xi32, #tpu.memory_space<vmem>>, vector<16xi32>,
          %mul3A_227 = arith.constant 16 : i32
          %mul3A_228 = arith.muli %add3A_222, %mul3A_227 : i32
          %get3A_229 = arith.index_cast %mul3A_228 : i32 to index
          %get3A_230 = tpu.vector_load %arg12[%get3A_229] {strides = array<i32>} : memref<2048xf32, #tpu.memory_space<vmem>>, vector<16xf32>,
          %gather3A_231 = tpu.vector_load_idx %arg6[%get3A_226] : memref<100096xf32, #tpu.memory_space<vmem>>[vector<16xi32>], vector<16xf32>,
          %mul3A_232 = arith.mulf %get3A_230, %gather3A_231 : vector<16xf32>
          %sub3A_233 = arith.constant 1.000000e+00 : f32
          %sub3A_234 = vector.broadcast %sub3A_233 : f32 to vector<16xf32>
          %sub3A_235 = arith.subf %sub3A_234, %get3A_230 : vector<16xf32>
          %mul3A_236 = arith.constant 5.000000e-01 : f32
          %mul3A_237 = vector.broadcast %mul3A_236 : f32 to vector<16xf32>
          %mul3A_238 = arith.mulf %sub3A_235, %mul3A_237 : vector<16xf32>
          %add3A_239 = arith.addf %mul3A_232, %mul3A_238 : vector<16xf32>
          %gt3A_240 = arith.constant 5.000000e-01 : f32
          %gt3A_241 = vector.broadcast %gt3A_240 : f32 to vector<16xf32>
          %gt3A_242 = arith.cmpf ogt, %add3A_239, %gt3A_241 : vector<16xf32>
          %all_reduce_population_count3A_243 = tpu.all_reduce %gt3A_242 {dim = 0 : i64, kind = #tpu.reduction_kind<sum>} : vector<16xi1> -> vector<16xi32>
          %slice3A_244 = vector.extract_strided_slice %all_reduce_population_count3A_243 {offsets = [0], sizes = [1], strides = [1]} : vector<16xi32> to vector<1xi32>
          %squeeze3A_245 = vector.extract %slice3A_244[0] : i32 from vector<1xi32>
          %mul3A_246 = arith.constant 16 : i32
          %mul3A_247 = arith.muli %add3A_222, %mul3A_246 : i32
          %get3A_248 = arith.index_cast %mul3A_247 : i32 to index
          %get3A_249 = tpu.vector_load %arg10[%get3A_248] {strides = array<i32>} : memref<2048xi32, #tpu.memory_space<vmem>>, vector<16xi32>,
          %mul3A_250 = arith.constant 16 : i32
          %mul3A_251 = arith.muli %scan3A_161, %mul3A_250 : i32
          %add3A_252 = arith.constant 3 : i32
          %add3A_253 = arith.addi %mul3A_251, %add3A_252 : i32
          %mul3A_254 = arith.constant 16 : i32
          %mul3A_255 = arith.muli %add3A_253, %mul3A_254 : i32
          %get3A_256 = arith.index_cast %mul3A_255 : i32 to index
          %get3A_257 = tpu.vector_load %arg8[%get3A_256] {strides = array<i32>} : memref<2048xi32, #tpu.memory_space<vmem>>, vector<16xi32>,
          %mul3A_258 = arith.constant 16 : i32
          %mul3A_259 = arith.muli %add3A_253, %mul3A_258 : i32
          %get3A_260 = arith.index_cast %mul3A_259 : i32 to index
          %get3A_261 = tpu.vector_load %arg12[%get3A_260] {strides = array<i32>} : memref<2048xf32, #tpu.memory_space<vmem>>, vector<16xf32>,
          %gather3A_262 = tpu.vector_load_idx %arg6[%get3A_257] : memref<100096xf32, #tpu.memory_space<vmem>>[vector<16xi32>], vector<16xf32>,
          %mul3A_263 = arith.mulf %get3A_261, %gather3A_262 : vector<16xf32>
          %sub3A_264 = arith.constant 1.000000e+00 : f32
          %sub3A_265 = vector.broadcast %sub3A_264 : f32 to vector<16xf32>
          %sub3A_266 = arith.subf %sub3A_265, %get3A_261 : vector<16xf32>
          %mul3A_267 = arith.constant 5.000000e-01 : f32
          %mul3A_268 = vector.broadcast %mul3A_267 : f32 to vector<16xf32>
          %mul3A_269 = arith.mulf %sub3A_266, %mul3A_268 : vector<16xf32>
          %add3A_270 = arith.addf %mul3A_263, %mul3A_269 : vector<16xf32>
          %gt3A_271 = arith.constant 5.000000e-01 : f32
          %gt3A_272 = vector.broadcast %gt3A_271 : f32 to vector<16xf32>
          %gt3A_273 = arith.cmpf ogt, %add3A_270, %gt3A_272 : vector<16xf32>
          %all_reduce_population_count3A_274 = tpu.all_reduce %gt3A_273 {dim = 0 : i64, kind = #tpu.reduction_kind<sum>} : vector<16xi1> -> vector<16xi32>
          %slice3A_275 = vector.extract_strided_slice %all_reduce_population_count3A_274 {offsets = [0], sizes = [1], strides = [1]} : vector<16xi32> to vector<1xi32>
          %squeeze3A_276 = vector.extract %slice3A_275[0] : i32 from vector<1xi32>
          %mul3A_277 = arith.constant 16 : i32
          %mul3A_278 = arith.muli %add3A_253, %mul3A_277 : i32
          %get3A_279 = arith.index_cast %mul3A_278 : i32 to index
          %get3A_280 = tpu.vector_load %arg10[%get3A_279] {strides = array<i32>} : memref<2048xi32, #tpu.memory_space<vmem>>, vector<16xi32>,
          %mul3A_281 = arith.constant 16 : i32
          %mul3A_282 = arith.muli %scan3A_161, %mul3A_281 : i32
          %add3A_283 = arith.constant 4 : i32
          %add3A_284 = arith.addi %mul3A_282, %add3A_283 : i32
          %mul3A_285 = arith.constant 16 : i32
          %mul3A_286 = arith.muli %add3A_284, %mul3A_285 : i32
          %get3A_287 = arith.index_cast %mul3A_286 : i32 to index
          %get3A_288 = tpu.vector_load %arg8[%get3A_287] {strides = array<i32>} : memref<2048xi32, #tpu.memory_space<vmem>>, vector<16xi32>,
          %mul3A_289 = arith.constant 16 : i32
          %mul3A_290 = arith.muli %add3A_284, %mul3A_289 : i32
          %get3A_291 = arith.index_cast %mul3A_290 : i32 to index
          %get3A_292 = tpu.vector_load %arg12[%get3A_291] {strides = array<i32>} : memref<2048xf32, #tpu.memory_space<vmem>>, vector<16xf32>,
          %gather3A_293 = tpu.vector_load_idx %arg6[%get3A_288] : memref<100096xf32, #tpu.memory_space<vmem>>[vector<16xi32>], vector<16xf32>,
          %mul3A_294 = arith.mulf %get3A_292, %gather3A_293 : vector<16xf32>
          %sub3A_295 = arith.constant 1.000000e+00 : f32
          %sub3A_296 = vector.broadcast %sub3A_295 : f32 to vector<16xf32>
          %sub3A_297 = arith.subf %sub3A_296, %get3A_292 : vector<16xf32>
          %mul3A_298 = arith.constant 5.000000e-01 : f32
          %mul3A_299 = vector.broadcast %mul3A_298 : f32 to vector<16xf32>
          %mul3A_300 = arith.mulf %sub3A_297, %mul3A_299 : vector<16xf32>
          %add3A_301 = arith.addf %mul3A_294, %mul3A_300 : vector<16xf32>
          %gt3A_302 = arith.constant 5.000000e-01 : f32
          %gt3A_303 = vector.broadcast %gt3A_302 : f32 to vector<16xf32>
          %gt3A_304 = arith.cmpf ogt, %add3A_301, %gt3A_303 : vector<16xf32>
          %all_reduce_population_count3A_305 = tpu.all_reduce %gt3A_304 {dim = 0 : i64, kind = #tpu.reduction_kind<sum>} : vector<16xi1> -> vector<16xi32>
          %slice3A_306 = vector.extract_strided_slice %all_reduce_population_count3A_305 {offsets = [0], sizes = [1], strides = [1]} : vector<16xi32> to vector<1xi32>
          %squeeze3A_307 = vector.extract %slice3A_306[0] : i32 from vector<1xi32>
          %mul3A_308 = arith.constant 16 : i32
          %mul3A_309 = arith.muli %add3A_284, %mul3A_308 : i32
          %get3A_310 = arith.index_cast %mul3A_309 : i32 to index
          %get3A_311 = tpu.vector_load %arg10[%get3A_310] {strides = array<i32>} : memref<2048xi32, #tpu.memory_space<vmem>>, vector<16xi32>,
          %mul3A_312 = arith.constant 16 : i32
          %mul3A_313 = arith.muli %scan3A_161, %mul3A_312 : i32
          %add3A_314 = arith.constant 5 : i32
          %add3A_315 = arith.addi %mul3A_313, %add3A_314 : i32
          %mul3A_316 = arith.constant 16 : i32
          %mul3A_317 = arith.muli %add3A_315, %mul3A_316 : i32
          %get3A_318 = arith.index_cast %mul3A_317 : i32 to index
          %get3A_319 = tpu.vector_load %arg8[%get3A_318] {strides = array<i32>} : memref<2048xi32, #tpu.memory_space<vmem>>, vector<16xi32>,
          %mul3A_320 = arith.constant 16 : i32
          %mul3A_321 = arith.muli %add3A_315, %mul3A_320 : i32
          %get3A_322 = arith.index_cast %mul3A_321 : i32 to index
          %get3A_323 = tpu.vector_load %arg12[%get3A_322] {strides = array<i32>} : memref<2048xf32, #tpu.memory_space<vmem>>, vector<16xf32>,
          %gather3A_324 = tpu.vector_load_idx %arg6[%get3A_319] : memref<100096xf32, #tpu.memory_space<vmem>>[vector<16xi32>], vector<16xf32>,
          %mul3A_325 = arith.mulf %get3A_323, %gather3A_324 : vector<16xf32>
          %sub3A_326 = arith.constant 1.000000e+00 : f32
          %sub3A_327 = vector.broadcast %sub3A_326 : f32 to vector<16xf32>
          %sub3A_328 = arith.subf %sub3A_327, %get3A_323 : vector<16xf32>
          %mul3A_329 = arith.constant 5.000000e-01 : f32
          %mul3A_330 = vector.broadcast %mul3A_329 : f32 to vector<16xf32>
          %mul3A_331 = arith.mulf %sub3A_328, %mul3A_330 : vector<16xf32>
          %add3A_332 = arith.addf %mul3A_325, %mul3A_331 : vector<16xf32>
          %gt3A_333 = arith.constant 5.000000e-01 : f32
          %gt3A_334 = vector.broadcast %gt3A_333 : f32 to vector<16xf32>
          %gt3A_335 = arith.cmpf ogt, %add3A_332, %gt3A_334 : vector<16xf32>
          %all_reduce_population_count3A_336 = tpu.all_reduce %gt3A_335 {dim = 0 : i64, kind = #tpu.reduction_kind<sum>} : vector<16xi1> -> vector<16xi32>
          %slice3A_337 = vector.extract_strided_slice %all_reduce_population_count3A_336 {offsets = [0], sizes = [1], strides = [1]} : vector<16xi32> to vector<1xi32>
          %squeeze3A_338 = vector.extract %slice3A_337[0] : i32 from vector<1xi32>
          %mul3A_339 = arith.constant 16 : i32
          %mul3A_340 = arith.muli %add3A_315, %mul3A_339 : i32
          %get3A_341 = arith.index_cast %mul3A_340 : i32 to index
          %get3A_342 = tpu.vector_load %arg10[%get3A_341] {strides = array<i32>} : memref<2048xi32, #tpu.memory_space<vmem>>, vector<16xi32>,
          %mul3A_343 = arith.constant 16 : i32
          %mul3A_344 = arith.muli %scan3A_161, %mul3A_343 : i32
          %add3A_345 = arith.constant 6 : i32
          %add3A_346 = arith.addi %mul3A_344, %add3A_345 : i32
          %mul3A_347 = arith.constant 16 : i32
          %mul3A_348 = arith.muli %add3A_346, %mul3A_347 : i32
          %get3A_349 = arith.index_cast %mul3A_348 : i32 to index
          %get3A_350 = tpu.vector_load %arg8[%get3A_349] {strides = array<i32>} : memref<2048xi32, #tpu.memory_space<vmem>>, vector<16xi32>,
          %mul3A_351 = arith.constant 16 : i32
          %mul3A_352 = arith.muli %add3A_346, %mul3A_351 : i32
          %get3A_353 = arith.index_cast %mul3A_352 : i32 to index
          %get3A_354 = tpu.vector_load %arg12[%get3A_353] {strides = array<i32>} : memref<2048xf32, #tpu.memory_space<vmem>>, vector<16xf32>,
          %gather3A_355 = tpu.vector_load_idx %arg6[%get3A_350] : memref<100096xf32, #tpu.memory_space<vmem>>[vector<16xi32>], vector<16xf32>,
          %mul3A_356 = arith.mulf %get3A_354, %gather3A_355 : vector<16xf32>
          %sub3A_357 = arith.constant 1.000000e+00 : f32
          %sub3A_358 = vector.broadcast %sub3A_357 : f32 to vector<16xf32>
          %sub3A_359 = arith.subf %sub3A_358, %get3A_354 : vector<16xf32>
          %mul3A_360 = arith.constant 5.000000e-01 : f32
          %mul3A_361 = vector.broadcast %mul3A_360 : f32 to vector<16xf32>
          %mul3A_362 = arith.mulf %sub3A_359, %mul3A_361 : vector<16xf32>
          %add3A_363 = arith.addf %mul3A_356, %mul3A_362 : vector<16xf32>
          %gt3A_364 = arith.constant 5.000000e-01 : f32
          %gt3A_365 = vector.broadcast %gt3A_364 : f32 to vector<16xf32>
          %gt3A_366 = arith.cmpf ogt, %add3A_363, %gt3A_365 : vector<16xf32>
          %all_reduce_population_count3A_367 = tpu.all_reduce %gt3A_366 {dim = 0 : i64, kind = #tpu.reduction_kind<sum>} : vector<16xi1> -> vector<16xi32>
          %slice3A_368 = vector.extract_strided_slice %all_reduce_population_count3A_367 {offsets = [0], sizes = [1], strides = [1]} : vector<16xi32> to vector<1xi32>
          %squeeze3A_369 = vector.extract %slice3A_368[0] : i32 from vector<1xi32>
          %mul3A_370 = arith.constant 16 : i32
          %mul3A_371 = arith.muli %add3A_346, %mul3A_370 : i32
          %get3A_372 = arith.index_cast %mul3A_371 : i32 to index
          %get3A_373 = tpu.vector_load %arg10[%get3A_372] {strides = array<i32>} : memref<2048xi32, #tpu.memory_space<vmem>>, vector<16xi32>,
          %mul3A_374 = arith.constant 16 : i32
          %mul3A_375 = arith.muli %scan3A_161, %mul3A_374 : i32
          %add3A_376 = arith.constant 7 : i32
          %add3A_377 = arith.addi %mul3A_375, %add3A_376 : i32
          %mul3A_378 = arith.constant 16 : i32
          %mul3A_379 = arith.muli %add3A_377, %mul3A_378 : i32
          %get3A_380 = arith.index_cast %mul3A_379 : i32 to index
          %get3A_381 = tpu.vector_load %arg8[%get3A_380] {strides = array<i32>} : memref<2048xi32, #tpu.memory_space<vmem>>, vector<16xi32>,
          %mul3A_382 = arith.constant 16 : i32
          %mul3A_383 = arith.muli %add3A_377, %mul3A_382 : i32
          %get3A_384 = arith.index_cast %mul3A_383 : i32 to index
          %get3A_385 = tpu.vector_load %arg12[%get3A_384] {strides = array<i32>} : memref<2048xf32, #tpu.memory_space<vmem>>, vector<16xf32>,
          %gather3A_386 = tpu.vector_load_idx %arg6[%get3A_381] : memref<100096xf32, #tpu.memory_space<vmem>>[vector<16xi32>], vector<16xf32>,
          %mul3A_387 = arith.mulf %get3A_385, %gather3A_386 : vector<16xf32>
          %sub3A_388 = arith.constant 1.000000e+00 : f32
          %sub3A_389 = vector.broadcast %sub3A_388 : f32 to vector<16xf32>
          %sub3A_390 = arith.subf %sub3A_389, %get3A_385 : vector<16xf32>
          %mul3A_391 = arith.constant 5.000000e-01 : f32
          %mul3A_392 = vector.broadcast %mul3A_391 : f32 to vector<16xf32>
          %mul3A_393 = arith.mulf %sub3A_390, %mul3A_392 : vector<16xf32>
          %add3A_394 = arith.addf %mul3A_387, %mul3A_393 : vector<16xf32>
          %gt3A_395 = arith.constant 5.000000e-01 : f32
          %gt3A_396 = vector.broadcast %gt3A_395 : f32 to vector<16xf32>
          %gt3A_397 = arith.cmpf ogt, %add3A_394, %gt3A_396 : vector<16xf32>
          %all_reduce_population_count3A_398 = tpu.all_reduce %gt3A_397 {dim = 0 : i64, kind = #tpu.reduction_kind<sum>} : vector<16xi1> -> vector<16xi32>
          %slice3A_399 = vector.extract_strided_slice %all_reduce_population_count3A_398 {offsets = [0], sizes = [1], strides = [1]} : vector<16xi32> to vector<1xi32>
          %squeeze3A_400 = vector.extract %slice3A_399[0] : i32 from vector<1xi32>
          %mul3A_401 = arith.constant 16 : i32
          %mul3A_402 = arith.muli %add3A_377, %mul3A_401 : i32
          %get3A_403 = arith.index_cast %mul3A_402 : i32 to index
          %get3A_404 = tpu.vector_load %arg10[%get3A_403] {strides = array<i32>} : memref<2048xi32, #tpu.memory_space<vmem>>, vector<16xi32>,
          %mul3A_405 = arith.constant 16 : i32
          %mul3A_406 = arith.muli %scan3A_161, %mul3A_405 : i32
          %add3A_407 = arith.constant 8 : i32
          %add3A_408 = arith.addi %mul3A_406, %add3A_407 : i32
          %mul3A_409 = arith.constant 16 : i32
          %mul3A_410 = arith.muli %add3A_408, %mul3A_409 : i32
          %get3A_411 = arith.index_cast %mul3A_410 : i32 to index
          %get3A_412 = tpu.vector_load %arg8[%get3A_411] {strides = array<i32>} : memref<2048xi32, #tpu.memory_space<vmem>>, vector<16xi32>,
          %mul3A_413 = arith.constant 16 : i32
          %mul3A_414 = arith.muli %add3A_408, %mul3A_413 : i32
          %get3A_415 = arith.index_cast %mul3A_414 : i32 to index
          %get3A_416 = tpu.vector_load %arg12[%get3A_415] {strides = array<i32>} : memref<2048xf32, #tpu.memory_space<vmem>>, vector<16xf32>,
          %gather3A_417 = tpu.vector_load_idx %arg6[%get3A_412] : memref<100096xf32, #tpu.memory_space<vmem>>[vector<16xi32>], vector<16xf32>,
          %mul3A_418 = arith.mulf %get3A_416, %gather3A_417 : vector<16xf32>
          %sub3A_419 = arith.constant 1.000000e+00 : f32
          %sub3A_420 = vector.broadcast %sub3A_419 : f32 to vector<16xf32>
          %sub3A_421 = arith.subf %sub3A_420, %get3A_416 : vector<16xf32>
          %mul3A_422 = arith.constant 5.000000e-01 : f32
          %mul3A_423 = vector.broadcast %mul3A_422 : f32 to vector<16xf32>
          %mul3A_424 = arith.mulf %sub3A_421, %mul3A_423 : vector<16xf32>
          %add3A_425 = arith.addf %mul3A_418, %mul3A_424 : vector<16xf32>
          %gt3A_426 = arith.constant 5.000000e-01 : f32
          %gt3A_427 = vector.broadcast %gt3A_426 : f32 to vector<16xf32>
          %gt3A_428 = arith.cmpf ogt, %add3A_425, %gt3A_427 : vector<16xf32>
          %all_reduce_population_count3A_429 = tpu.all_reduce %gt3A_428 {dim = 0 : i64, kind = #tpu.reduction_kind<sum>} : vector<16xi1> -> vector<16xi32>
          %slice3A_430 = vector.extract_strided_slice %all_reduce_population_count3A_429 {offsets = [0], sizes = [1], strides = [1]} : vector<16xi32> to vector<1xi32>
          %squeeze3A_431 = vector.extract %slice3A_430[0] : i32 from vector<1xi32>
          %mul3A_432 = arith.constant 16 : i32
          %mul3A_433 = arith.muli %add3A_408, %mul3A_432 : i32
          %get3A_434 = arith.index_cast %mul3A_433 : i32 to index
          %get3A_435 = tpu.vector_load %arg10[%get3A_434] {strides = array<i32>} : memref<2048xi32, #tpu.memory_space<vmem>>, vector<16xi32>,
          %mul3A_436 = arith.constant 16 : i32
          %mul3A_437 = arith.muli %scan3A_161, %mul3A_436 : i32
          %add3A_438 = arith.constant 9 : i32
          %add3A_439 = arith.addi %mul3A_437, %add3A_438 : i32
          %mul3A_440 = arith.constant 16 : i32
          %mul3A_441 = arith.muli %add3A_439, %mul3A_440 : i32
          %get3A_442 = arith.index_cast %mul3A_441 : i32 to index
          %get3A_443 = tpu.vector_load %arg8[%get3A_442] {strides = array<i32>} : memref<2048xi32, #tpu.memory_space<vmem>>, vector<16xi32>,
          %mul3A_444 = arith.constant 16 : i32
          %mul3A_445 = arith.muli %add3A_439, %mul3A_444 : i32
          %get3A_446 = arith.index_cast %mul3A_445 : i32 to index
          %get3A_447 = tpu.vector_load %arg12[%get3A_446] {strides = array<i32>} : memref<2048xf32, #tpu.memory_space<vmem>>, vector<16xf32>,
          %gather3A_448 = tpu.vector_load_idx %arg6[%get3A_443] : memref<100096xf32, #tpu.memory_space<vmem>>[vector<16xi32>], vector<16xf32>,
          %mul3A_449 = arith.mulf %get3A_447, %gather3A_448 : vector<16xf32>
          %sub3A_450 = arith.constant 1.000000e+00 : f32
          %sub3A_451 = vector.broadcast %sub3A_450 : f32 to vector<16xf32>
          %sub3A_452 = arith.subf %sub3A_451, %get3A_447 : vector<16xf32>
          %mul3A_453 = arith.constant 5.000000e-01 : f32
          %mul3A_454 = vector.broadcast %mul3A_453 : f32 to vector<16xf32>
          %mul3A_455 = arith.mulf %sub3A_452, %mul3A_454 : vector<16xf32>
          %add3A_456 = arith.addf %mul3A_449, %mul3A_455 : vector<16xf32>
          %gt3A_457 = arith.constant 5.000000e-01 : f32
          %gt3A_458 = vector.broadcast %gt3A_457 : f32 to vector<16xf32>
          %gt3A_459 = arith.cmpf ogt, %add3A_456, %gt3A_458 : vector<16xf32>
          %all_reduce_population_count3A_460 = tpu.all_reduce %gt3A_459 {dim = 0 : i64, kind = #tpu.reduction_kind<sum>} : vector<16xi1> -> vector<16xi32>
          %slice3A_461 = vector.extract_strided_slice %all_reduce_population_count3A_460 {offsets = [0], sizes = [1], strides = [1]} : vector<16xi32> to vector<1xi32>
          %squeeze3A_462 = vector.extract %slice3A_461[0] : i32 from vector<1xi32>
          %mul3A_463 = arith.constant 16 : i32
          %mul3A_464 = arith.muli %add3A_439, %mul3A_463 : i32
          %get3A_465 = arith.index_cast %mul3A_464 : i32 to index
          %get3A_466 = tpu.vector_load %arg10[%get3A_465] {strides = array<i32>} : memref<2048xi32, #tpu.memory_space<vmem>>, vector<16xi32>,
          %mul3A_467 = arith.constant 16 : i32
          %mul3A_468 = arith.muli %scan3A_161, %mul3A_467 : i32
          %add3A_469 = arith.constant 10 : i32
          %add3A_470 = arith.addi %mul3A_468, %add3A_469 : i32
          %mul3A_471 = arith.constant 16 : i32
          %mul3A_472 = arith.muli %add3A_470, %mul3A_471 : i32
          %get3A_473 = arith.index_cast %mul3A_472 : i32 to index
          %get3A_474 = tpu.vector_load %arg8[%get3A_473] {strides = array<i32>} : memref<2048xi32, #tpu.memory_space<vmem>>, vector<16xi32>,
          %mul3A_475 = arith.constant 16 : i32
          %mul3A_476 = arith.muli %add3A_470, %mul3A_475 : i32
          %get3A_477 = arith.index_cast %mul3A_476 : i32 to index
          %get3A_478 = tpu.vector_load %arg12[%get3A_477] {strides = array<i32>} : memref<2048xf32, #tpu.memory_space<vmem>>, vector<16xf32>,
          %gather3A_479 = tpu.vector_load_idx %arg6[%get3A_474] : memref<100096xf32, #tpu.memory_space<vmem>>[vector<16xi32>], vector<16xf32>,
          %mul3A_480 = arith.mulf %get3A_478, %gather3A_479 : vector<16xf32>
          %sub3A_481 = arith.constant 1.000000e+00 : f32
          %sub3A_482 = vector.broadcast %sub3A_481 : f32 to vector<16xf32>
          %sub3A_483 = arith.subf %sub3A_482, %get3A_478 : vector<16xf32>
          %mul3A_484 = arith.constant 5.000000e-01 : f32
          %mul3A_485 = vector.broadcast %mul3A_484 : f32 to vector<16xf32>
          %mul3A_486 = arith.mulf %sub3A_483, %mul3A_485 : vector<16xf32>
          %add3A_487 = arith.addf %mul3A_480, %mul3A_486 : vector<16xf32>
          %gt3A_488 = arith.constant 5.000000e-01 : f32
          %gt3A_489 = vector.broadcast %gt3A_488 : f32 to vector<16xf32>
          %gt3A_490 = arith.cmpf ogt, %add3A_487, %gt3A_489 : vector<16xf32>
          %all_reduce_population_count3A_491 = tpu.all_reduce %gt3A_490 {dim = 0 : i64, kind = #tpu.reduction_kind<sum>} : vector<16xi1> -> vector<16xi32>
          %slice3A_492 = vector.extract_strided_slice %all_reduce_population_count3A_491 {offsets = [0], sizes = [1], strides = [1]} : vector<16xi32> to vector<1xi32>
          %squeeze3A_493 = vector.extract %slice3A_492[0] : i32 from vector<1xi32>
          %mul3A_494 = arith.constant 16 : i32
          %mul3A_495 = arith.muli %add3A_470, %mul3A_494 : i32
          %get3A_496 = arith.index_cast %mul3A_495 : i32 to index
          %get3A_497 = tpu.vector_load %arg10[%get3A_496] {strides = array<i32>} : memref<2048xi32, #tpu.memory_space<vmem>>, vector<16xi32>,
          %mul3A_498 = arith.constant 16 : i32
          %mul3A_499 = arith.muli %scan3A_161, %mul3A_498 : i32
          %add3A_500 = arith.constant 11 : i32
          %add3A_501 = arith.addi %mul3A_499, %add3A_500 : i32
          %mul3A_502 = arith.constant 16 : i32
          %mul3A_503 = arith.muli %add3A_501, %mul3A_502 : i32
          %get3A_504 = arith.index_cast %mul3A_503 : i32 to index
          %get3A_505 = tpu.vector_load %arg8[%get3A_504] {strides = array<i32>} : memref<2048xi32, #tpu.memory_space<vmem>>, vector<16xi32>,
          %mul3A_506 = arith.constant 16 : i32
          %mul3A_507 = arith.muli %add3A_501, %mul3A_506 : i32
          %get3A_508 = arith.index_cast %mul3A_507 : i32 to index
          %get3A_509 = tpu.vector_load %arg12[%get3A_508] {strides = array<i32>} : memref<2048xf32, #tpu.memory_space<vmem>>, vector<16xf32>,
          %gather3A_510 = tpu.vector_load_idx %arg6[%get3A_505] : memref<100096xf32, #tpu.memory_space<vmem>>[vector<16xi32>], vector<16xf32>,
          %mul3A_511 = arith.mulf %get3A_509, %gather3A_510 : vector<16xf32>
          %sub3A_512 = arith.constant 1.000000e+00 : f32
          %sub3A_513 = vector.broadcast %sub3A_512 : f32 to vector<16xf32>
          %sub3A_514 = arith.subf %sub3A_513, %get3A_509 : vector<16xf32>
          %mul3A_515 = arith.constant 5.000000e-01 : f32
          %mul3A_516 = vector.broadcast %mul3A_515 : f32 to vector<16xf32>
          %mul3A_517 = arith.mulf %sub3A_514, %mul3A_516 : vector<16xf32>
          %add3A_518 = arith.addf %mul3A_511, %mul3A_517 : vector<16xf32>
          %gt3A_519 = arith.constant 5.000000e-01 : f32
          %gt3A_520 = vector.broadcast %gt3A_519 : f32 to vector<16xf32>
          %gt3A_521 = arith.cmpf ogt, %add3A_518, %gt3A_520 : vector<16xf32>
          %all_reduce_population_count3A_522 = tpu.all_reduce %gt3A_521 {dim = 0 : i64, kind = #tpu.reduction_kind<sum>} : vector<16xi1> -> vector<16xi32>
          %slice3A_523 = vector.extract_strided_slice %all_reduce_population_count3A_522 {offsets = [0], sizes = [1], strides = [1]} : vector<16xi32> to vector<1xi32>
          %squeeze3A_524 = vector.extract %slice3A_523[0] : i32 from vector<1xi32>
          %mul3A_525 = arith.constant 16 : i32
          %mul3A_526 = arith.muli %add3A_501, %mul3A_525 : i32
          %get3A_527 = arith.index_cast %mul3A_526 : i32 to index
          %get3A_528 = tpu.vector_load %arg10[%get3A_527] {strides = array<i32>} : memref<2048xi32, #tpu.memory_space<vmem>>, vector<16xi32>,
          %mul3A_529 = arith.constant 16 : i32
          %mul3A_530 = arith.muli %scan3A_161, %mul3A_529 : i32
          %add3A_531 = arith.constant 12 : i32
          %add3A_532 = arith.addi %mul3A_530, %add3A_531 : i32
          %mul3A_533 = arith.constant 16 : i32
          %mul3A_534 = arith.muli %add3A_532, %mul3A_533 : i32
          %get3A_535 = arith.index_cast %mul3A_534 : i32 to index
          %get3A_536 = tpu.vector_load %arg8[%get3A_535] {strides = array<i32>} : memref<2048xi32, #tpu.memory_space<vmem>>, vector<16xi32>,
          %mul3A_537 = arith.constant 16 : i32
          %mul3A_538 = arith.muli %add3A_532, %mul3A_537 : i32
          %get3A_539 = arith.index_cast %mul3A_538 : i32 to index
          %get3A_540 = tpu.vector_load %arg12[%get3A_539] {strides = array<i32>} : memref<2048xf32, #tpu.memory_space<vmem>>, vector<16xf32>,
          %gather3A_541 = tpu.vector_load_idx %arg6[%get3A_536] : memref<100096xf32, #tpu.memory_space<vmem>>[vector<16xi32>], vector<16xf32>,
          %mul3A_542 = arith.mulf %get3A_540, %gather3A_541 : vector<16xf32>
          %sub3A_543 = arith.constant 1.000000e+00 : f32
          %sub3A_544 = vector.broadcast %sub3A_543 : f32 to vector<16xf32>
          %sub3A_545 = arith.subf %sub3A_544, %get3A_540 : vector<16xf32>
          %mul3A_546 = arith.constant 5.000000e-01 : f32
          %mul3A_547 = vector.broadcast %mul3A_546 : f32 to vector<16xf32>
          %mul3A_548 = arith.mulf %sub3A_545, %mul3A_547 : vector<16xf32>
          %add3A_549 = arith.addf %mul3A_542, %mul3A_548 : vector<16xf32>
          %gt3A_550 = arith.constant 5.000000e-01 : f32
          %gt3A_551 = vector.broadcast %gt3A_550 : f32 to vector<16xf32>
          %gt3A_552 = arith.cmpf ogt, %add3A_549, %gt3A_551 : vector<16xf32>
          %all_reduce_population_count3A_553 = tpu.all_reduce %gt3A_552 {dim = 0 : i64, kind = #tpu.reduction_kind<sum>} : vector<16xi1> -> vector<16xi32>
          %slice3A_554 = vector.extract_strided_slice %all_reduce_population_count3A_553 {offsets = [0], sizes = [1], strides = [1]} : vector<16xi32> to vector<1xi32>
          %squeeze3A_555 = vector.extract %slice3A_554[0] : i32 from vector<1xi32>
          %mul3A_556 = arith.constant 16 : i32
          %mul3A_557 = arith.muli %add3A_532, %mul3A_556 : i32
          %get3A_558 = arith.index_cast %mul3A_557 : i32 to index
          %get3A_559 = tpu.vector_load %arg10[%get3A_558] {strides = array<i32>} : memref<2048xi32, #tpu.memory_space<vmem>>, vector<16xi32>,
          %mul3A_560 = arith.constant 16 : i32
          %mul3A_561 = arith.muli %scan3A_161, %mul3A_560 : i32
          %add3A_562 = arith.constant 13 : i32
          %add3A_563 = arith.addi %mul3A_561, %add3A_562 : i32
          %mul3A_564 = arith.constant 16 : i32
          %mul3A_565 = arith.muli %add3A_563, %mul3A_564 : i32
          %get3A_566 = arith.index_cast %mul3A_565 : i32 to index
          %get3A_567 = tpu.vector_load %arg8[%get3A_566] {strides = array<i32>} : memref<2048xi32, #tpu.memory_space<vmem>>, vector<16xi32>,
          %mul3A_568 = arith.constant 16 : i32
          %mul3A_569 = arith.muli %add3A_563, %mul3A_568 : i32
          %get3A_570 = arith.index_cast %mul3A_569 : i32 to index
          %get3A_571 = tpu.vector_load %arg12[%get3A_570] {strides = array<i32>} : memref<2048xf32, #tpu.memory_space<vmem>>, vector<16xf32>,
          %gather3A_572 = tpu.vector_load_idx %arg6[%get3A_567] : memref<100096xf32, #tpu.memory_space<vmem>>[vector<16xi32>], vector<16xf32>,
          %mul3A_573 = arith.mulf %get3A_571, %gather3A_572 : vector<16xf32>
          %sub3A_574 = arith.constant 1.000000e+00 : f32
          %sub3A_575 = vector.broadcast %sub3A_574 : f32 to vector<16xf32>
          %sub3A_576 = arith.subf %sub3A_575, %get3A_571 : vector<16xf32>
          %mul3A_577 = arith.constant 5.000000e-01 : f32
          %mul3A_578 = vector.broadcast %mul3A_577 : f32 to vector<16xf32>
          %mul3A_579 = arith.mulf %sub3A_576, %mul3A_578 : vector<16xf32>
          %add3A_580 = arith.addf %mul3A_573, %mul3A_579 : vector<16xf32>
          %gt3A_581 = arith.constant 5.000000e-01 : f32
          %gt3A_582 = vector.broadcast %gt3A_581 : f32 to vector<16xf32>
          %gt3A_583 = arith.cmpf ogt, %add3A_580, %gt3A_582 : vector<16xf32>
          %all_reduce_population_count3A_584 = tpu.all_reduce %gt3A_583 {dim = 0 : i64, kind = #tpu.reduction_kind<sum>} : vector<16xi1> -> vector<16xi32>
          %slice3A_585 = vector.extract_strided_slice %all_reduce_population_count3A_584 {offsets = [0], sizes = [1], strides = [1]} : vector<16xi32> to vector<1xi32>
          %squeeze3A_586 = vector.extract %slice3A_585[0] : i32 from vector<1xi32>
          %mul3A_587 = arith.constant 16 : i32
          %mul3A_588 = arith.muli %add3A_563, %mul3A_587 : i32
          %get3A_589 = arith.index_cast %mul3A_588 : i32 to index
          %get3A_590 = tpu.vector_load %arg10[%get3A_589] {strides = array<i32>} : memref<2048xi32, #tpu.memory_space<vmem>>, vector<16xi32>,
          %mul3A_591 = arith.constant 16 : i32
          %mul3A_592 = arith.muli %scan3A_161, %mul3A_591 : i32
          %add3A_593 = arith.constant 14 : i32
          %add3A_594 = arith.addi %mul3A_592, %add3A_593 : i32
          %mul3A_595 = arith.constant 16 : i32
          %mul3A_596 = arith.muli %add3A_594, %mul3A_595 : i32
          %get3A_597 = arith.index_cast %mul3A_596 : i32 to index
          %get3A_598 = tpu.vector_load %arg8[%get3A_597] {strides = array<i32>} : memref<2048xi32, #tpu.memory_space<vmem>>, vector<16xi32>,
          %mul3A_599 = arith.constant 16 : i32
          %mul3A_600 = arith.muli %add3A_594, %mul3A_599 : i32
          %get3A_601 = arith.index_cast %mul3A_600 : i32 to index
          %get3A_602 = tpu.vector_load %arg12[%get3A_601] {strides = array<i32>} : memref<2048xf32, #tpu.memory_space<vmem>>, vector<16xf32>,
          %gather3A_603 = tpu.vector_load_idx %arg6[%get3A_598] : memref<100096xf32, #tpu.memory_space<vmem>>[vector<16xi32>], vector<16xf32>,
          %mul3A_604 = arith.mulf %get3A_602, %gather3A_603 : vector<16xf32>
          %sub3A_605 = arith.constant 1.000000e+00 : f32
          %sub3A_606 = vector.broadcast %sub3A_605 : f32 to vector<16xf32>
          %sub3A_607 = arith.subf %sub3A_606, %get3A_602 : vector<16xf32>
          %mul3A_608 = arith.constant 5.000000e-01 : f32
          %mul3A_609 = vector.broadcast %mul3A_608 : f32 to vector<16xf32>
          %mul3A_610 = arith.mulf %sub3A_607, %mul3A_609 : vector<16xf32>
          %add3A_611 = arith.addf %mul3A_604, %mul3A_610 : vector<16xf32>
          %gt3A_612 = arith.constant 5.000000e-01 : f32
          %gt3A_613 = vector.broadcast %gt3A_612 : f32 to vector<16xf32>
          %gt3A_614 = arith.cmpf ogt, %add3A_611, %gt3A_613 : vector<16xf32>
          %all_reduce_population_count3A_615 = tpu.all_reduce %gt3A_614 {dim = 0 : i64, kind = #tpu.reduction_kind<sum>} : vector<16xi1> -> vector<16xi32>
          %slice3A_616 = vector.extract_strided_slice %all_reduce_population_count3A_615 {offsets = [0], sizes = [1], strides = [1]} : vector<16xi32> to vector<1xi32>
          %squeeze3A_617 = vector.extract %slice3A_616[0] : i32 from vector<1xi32>
          %mul3A_618 = arith.constant 16 : i32
          %mul3A_619 = arith.muli %add3A_594, %mul3A_618 : i32
          %get3A_620 = arith.index_cast %mul3A_619 : i32 to index
          %get3A_621 = tpu.vector_load %arg10[%get3A_620] {strides = array<i32>} : memref<2048xi32, #tpu.memory_space<vmem>>, vector<16xi32>,
          %mul3A_622 = arith.constant 16 : i32
          %mul3A_623 = arith.muli %scan3A_161, %mul3A_622 : i32
          %add3A_624 = arith.constant 15 : i32
          %add3A_625 = arith.addi %mul3A_623, %add3A_624 : i32
          %mul3A_626 = arith.constant 16 : i32
          %mul3A_627 = arith.muli %add3A_625, %mul3A_626 : i32
          %get3A_628 = arith.index_cast %mul3A_627 : i32 to index
          %get3A_629 = tpu.vector_load %arg8[%get3A_628] {strides = array<i32>} : memref<2048xi32, #tpu.memory_space<vmem>>, vector<16xi32>,
          %mul3A_630 = arith.constant 16 : i32
          %mul3A_631 = arith.muli %add3A_625, %mul3A_630 : i32
          %get3A_632 = arith.index_cast %mul3A_631 : i32 to index
          %get3A_633 = tpu.vector_load %arg12[%get3A_632] {strides = array<i32>} : memref<2048xf32, #tpu.memory_space<vmem>>, vector<16xf32>,
          %gather3A_634 = tpu.vector_load_idx %arg6[%get3A_629] : memref<100096xf32, #tpu.memory_space<vmem>>[vector<16xi32>], vector<16xf32>,
          %mul3A_635 = arith.mulf %get3A_633, %gather3A_634 : vector<16xf32>
          %sub3A_636 = arith.constant 1.000000e+00 : f32
          %sub3A_637 = vector.broadcast %sub3A_636 : f32 to vector<16xf32>
          %sub3A_638 = arith.subf %sub3A_637, %get3A_633 : vector<16xf32>
          %mul3A_639 = arith.constant 5.000000e-01 : f32
          %mul3A_640 = vector.broadcast %mul3A_639 : f32 to vector<16xf32>
          %mul3A_641 = arith.mulf %sub3A_638, %mul3A_640 : vector<16xf32>
          %add3A_642 = arith.addf %mul3A_635, %mul3A_641 : vector<16xf32>
          %gt3A_643 = arith.constant 5.000000e-01 : f32
          %gt3A_644 = vector.broadcast %gt3A_643 : f32 to vector<16xf32>
          %gt3A_645 = arith.cmpf ogt, %add3A_642, %gt3A_644 : vector<16xf32>
          %all_reduce_population_count3A_646 = tpu.all_reduce %gt3A_645 {dim = 0 : i64, kind = #tpu.reduction_kind<sum>} : vector<16xi1> -> vector<16xi32>
          %slice3A_647 = vector.extract_strided_slice %all_reduce_population_count3A_646 {offsets = [0], sizes = [1], strides = [1]} : vector<16xi32> to vector<1xi32>
          %squeeze3A_648 = vector.extract %slice3A_647[0] : i32 from vector<1xi32>
          %mul3A_649 = arith.constant 16 : i32
          %mul3A_650 = arith.muli %add3A_625, %mul3A_649 : i32
          %get3A_651 = arith.index_cast %mul3A_650 : i32 to index
          %get3A_652 = tpu.vector_load %arg10[%get3A_651] {strides = array<i32>} : memref<2048xi32, #tpu.memory_space<vmem>>, vector<16xi32>,
          %and3A_653 = arith.constant 4095 : i32
          %and3A_654 = arith.andi %scan3A_162, %and3A_653 : i32
          %swap3A = arith.index_cast %and3A_654 : i32 to index
          %swap3A_655 = tpu.vector_load %arg14[%swap3A] masked %gt3A_183 {strides = array<i32>} : memref<4112xi32, #tpu.memory_space<vmem>>, vector<16xi32>, vector<16xi1>
          tpu.vector_store %arg14[%swap3A], %get3A_187 masked %gt3A_183 {strides = array<i32>} : memref<4112xi32, #tpu.memory_space<vmem>>, vector<16xi32>, vector<16xi1>
          %ge3A_656 = arith.constant 4081 : i32
          %ge3A_657 = arith.cmpi sge, %and3A_654, %ge3A_656 : i32
          %convert_element_type3A_658 = arith.extui %ge3A_657 : i1 to i32
          %cond3A_659 = arith.constant 0 : i32
          %cond3A_660 = arith.cmpi ne, %convert_element_type3A_658, %cond3A_659 : i32
          scf.if %cond3A_660 {
            %get3A_812 = arith.constant 4096 : index
            %get3A_813 = tpu.vector_load %arg14[%get3A_812] {strides = array<i32>} : memref<4112xi32, #tpu.memory_space<vmem>>, vector<16xi32>,
            %swap3A_814 = arith.constant 0 : index
            %swap3A_815 = tpu.vector_load %arg14[%swap3A_814] {strides = array<i32>} : memref<4112xi32, #tpu.memory_space<vmem>>, vector<16xi32>,
            tpu.vector_store %arg14[%swap3A_814], %get3A_813 {strides = array<i32>} : memref<4112xi32, #tpu.memory_space<vmem>>, vector<16xi32>,
          } else {
          }
          %add3A_661 = arith.addi %scan3A_162, %squeeze3A : i32
          %and3A_662 = arith.constant 4095 : i32
          %and3A_663 = arith.andi %add3A_661, %and3A_662 : i32
          %swap3A_664 = arith.index_cast %and3A_663 : i32 to index
          %swap3A_665 = tpu.vector_load %arg14[%swap3A_664] masked %gt3A_211 {strides = array<i32>} : memref<4112xi32, #tpu.memory_space<vmem>>, vector<16xi32>, vector<16xi1>
          tpu.vector_store %arg14[%swap3A_664], %get3A_218 masked %gt3A_211 {strides = array<i32>} : memref<4112xi32, #tpu.memory_space<vmem>>, vector<16xi32>, vector<16xi1>
          %ge3A_666 = arith.constant 4081 : i32
          %ge3A_667 = arith.cmpi sge, %and3A_663, %ge3A_666 : i32
          %convert_element_type3A_668 = arith.extui %ge3A_667 : i1 to i32
          %cond3A_669 = arith.constant 0 : i32
          %cond3A_670 = arith.cmpi ne, %convert_element_type3A_668, %cond3A_669 : i32
          scf.if %cond3A_670 {
            %get3A_812 = arith.constant 4096 : index
            %get3A_813 = tpu.vector_load %arg14[%get3A_812] {strides = array<i32>} : memref<4112xi32, #tpu.memory_space<vmem>>, vector<16xi32>,
            %swap3A_814 = arith.constant 0 : index
            %swap3A_815 = tpu.vector_load %arg14[%swap3A_814] {strides = array<i32>} : memref<4112xi32, #tpu.memory_space<vmem>>, vector<16xi32>,
            tpu.vector_store %arg14[%swap3A_814], %get3A_813 {strides = array<i32>} : memref<4112xi32, #tpu.memory_space<vmem>>, vector<16xi32>,
          } else {
          }
          %add3A_671 = arith.addi %add3A_661, %squeeze3A_214 : i32
          %and3A_672 = arith.constant 4095 : i32
          %and3A_673 = arith.andi %add3A_671, %and3A_672 : i32
          %swap3A_674 = arith.index_cast %and3A_673 : i32 to index
          %swap3A_675 = tpu.vector_load %arg14[%swap3A_674] masked %gt3A_242 {strides = array<i32>} : memref<4112xi32, #tpu.memory_space<vmem>>, vector<16xi32>, vector<16xi1>
          tpu.vector_store %arg14[%swap3A_674], %get3A_249 masked %gt3A_242 {strides = array<i32>} : memref<4112xi32, #tpu.memory_space<vmem>>, vector<16xi32>, vector<16xi1>
          %ge3A_676 = arith.constant 4081 : i32
          %ge3A_677 = arith.cmpi sge, %and3A_673, %ge3A_676 : i32
          %convert_element_type3A_678 = arith.extui %ge3A_677 : i1 to i32
          %cond3A_679 = arith.constant 0 : i32
          %cond3A_680 = arith.cmpi ne, %convert_element_type3A_678, %cond3A_679 : i32
          scf.if %cond3A_680 {
            %get3A_812 = arith.constant 4096 : index
            %get3A_813 = tpu.vector_load %arg14[%get3A_812] {strides = array<i32>} : memref<4112xi32, #tpu.memory_space<vmem>>, vector<16xi32>,
            %swap3A_814 = arith.constant 0 : index
            %swap3A_815 = tpu.vector_load %arg14[%swap3A_814] {strides = array<i32>} : memref<4112xi32, #tpu.memory_space<vmem>>, vector<16xi32>,
            tpu.vector_store %arg14[%swap3A_814], %get3A_813 {strides = array<i32>} : memref<4112xi32, #tpu.memory_space<vmem>>, vector<16xi32>,
          } else {
          }
          %add3A_681 = arith.addi %add3A_671, %squeeze3A_245 : i32
          %and3A_682 = arith.constant 4095 : i32
          %and3A_683 = arith.andi %add3A_681, %and3A_682 : i32
          %swap3A_684 = arith.index_cast %and3A_683 : i32 to index
          %swap3A_685 = tpu.vector_load %arg14[%swap3A_684] masked %gt3A_273 {strides = array<i32>} : memref<4112xi32, #tpu.memory_space<vmem>>, vector<16xi32>, vector<16xi1>
          tpu.vector_store %arg14[%swap3A_684], %get3A_280 masked %gt3A_273 {strides = array<i32>} : memref<4112xi32, #tpu.memory_space<vmem>>, vector<16xi32>, vector<16xi1>
          %ge3A_686 = arith.constant 4081 : i32
          %ge3A_687 = arith.cmpi sge, %and3A_683, %ge3A_686 : i32
          %convert_element_type3A_688 = arith.extui %ge3A_687 : i1 to i32
          %cond3A_689 = arith.constant 0 : i32
          %cond3A_690 = arith.cmpi ne, %convert_element_type3A_688, %cond3A_689 : i32
          scf.if %cond3A_690 {
            %get3A_812 = arith.constant 4096 : index
            %get3A_813 = tpu.vector_load %arg14[%get3A_812] {strides = array<i32>} : memref<4112xi32, #tpu.memory_space<vmem>>, vector<16xi32>,
            %swap3A_814 = arith.constant 0 : index
            %swap3A_815 = tpu.vector_load %arg14[%swap3A_814] {strides = array<i32>} : memref<4112xi32, #tpu.memory_space<vmem>>, vector<16xi32>,
            tpu.vector_store %arg14[%swap3A_814], %get3A_813 {strides = array<i32>} : memref<4112xi32, #tpu.memory_space<vmem>>, vector<16xi32>,
          } else {
          }
          %add3A_691 = arith.addi %add3A_681, %squeeze3A_276 : i32
          %and3A_692 = arith.constant 4095 : i32
          %and3A_693 = arith.andi %add3A_691, %and3A_692 : i32
          %swap3A_694 = arith.index_cast %and3A_693 : i32 to index
          %swap3A_695 = tpu.vector_load %arg14[%swap3A_694] masked %gt3A_304 {strides = array<i32>} : memref<4112xi32, #tpu.memory_space<vmem>>, vector<16xi32>, vector<16xi1>
          tpu.vector_store %arg14[%swap3A_694], %get3A_311 masked %gt3A_304 {strides = array<i32>} : memref<4112xi32, #tpu.memory_space<vmem>>, vector<16xi32>, vector<16xi1>
          %ge3A_696 = arith.constant 4081 : i32
          %ge3A_697 = arith.cmpi sge, %and3A_693, %ge3A_696 : i32
          %convert_element_type3A_698 = arith.extui %ge3A_697 : i1 to i32
          %cond3A_699 = arith.constant 0 : i32
          %cond3A_700 = arith.cmpi ne, %convert_element_type3A_698, %cond3A_699 : i32
          scf.if %cond3A_700 {
            %get3A_812 = arith.constant 4096 : index
            %get3A_813 = tpu.vector_load %arg14[%get3A_812] {strides = array<i32>} : memref<4112xi32, #tpu.memory_space<vmem>>, vector<16xi32>,
            %swap3A_814 = arith.constant 0 : index
            %swap3A_815 = tpu.vector_load %arg14[%swap3A_814] {strides = array<i32>} : memref<4112xi32, #tpu.memory_space<vmem>>, vector<16xi32>,
            tpu.vector_store %arg14[%swap3A_814], %get3A_813 {strides = array<i32>} : memref<4112xi32, #tpu.memory_space<vmem>>, vector<16xi32>,
          } else {
          }
          %add3A_701 = arith.addi %add3A_691, %squeeze3A_307 : i32
          %and3A_702 = arith.constant 4095 : i32
          %and3A_703 = arith.andi %add3A_701, %and3A_702 : i32
          %swap3A_704 = arith.index_cast %and3A_703 : i32 to index
          %swap3A_705 = tpu.vector_load %arg14[%swap3A_704] masked %gt3A_335 {strides = array<i32>} : memref<4112xi32, #tpu.memory_space<vmem>>, vector<16xi32>, vector<16xi1>
          tpu.vector_store %arg14[%swap3A_704], %get3A_342 masked %gt3A_335 {strides = array<i32>} : memref<4112xi32, #tpu.memory_space<vmem>>, vector<16xi32>, vector<16xi1>
          %ge3A_706 = arith.constant 4081 : i32
          %ge3A_707 = arith.cmpi sge, %and3A_703, %ge3A_706 : i32
          %convert_element_type3A_708 = arith.extui %ge3A_707 : i1 to i32
          %cond3A_709 = arith.constant 0 : i32
          %cond3A_710 = arith.cmpi ne, %convert_element_type3A_708, %cond3A_709 : i32
          scf.if %cond3A_710 {
            %get3A_812 = arith.constant 4096 : index
            %get3A_813 = tpu.vector_load %arg14[%get3A_812] {strides = array<i32>} : memref<4112xi32, #tpu.memory_space<vmem>>, vector<16xi32>,
            %swap3A_814 = arith.constant 0 : index
            %swap3A_815 = tpu.vector_load %arg14[%swap3A_814] {strides = array<i32>} : memref<4112xi32, #tpu.memory_space<vmem>>, vector<16xi32>,
            tpu.vector_store %arg14[%swap3A_814], %get3A_813 {strides = array<i32>} : memref<4112xi32, #tpu.memory_space<vmem>>, vector<16xi32>,
          } else {
          }
          %add3A_711 = arith.addi %add3A_701, %squeeze3A_338 : i32
          %and3A_712 = arith.constant 4095 : i32
          %and3A_713 = arith.andi %add3A_711, %and3A_712 : i32
          %swap3A_714 = arith.index_cast %and3A_713 : i32 to index
          %swap3A_715 = tpu.vector_load %arg14[%swap3A_714] masked %gt3A_366 {strides = array<i32>} : memref<4112xi32, #tpu.memory_space<vmem>>, vector<16xi32>, vector<16xi1>
          tpu.vector_store %arg14[%swap3A_714], %get3A_373 masked %gt3A_366 {strides = array<i32>} : memref<4112xi32, #tpu.memory_space<vmem>>, vector<16xi32>, vector<16xi1>
          %ge3A_716 = arith.constant 4081 : i32
          %ge3A_717 = arith.cmpi sge, %and3A_713, %ge3A_716 : i32
          %convert_element_type3A_718 = arith.extui %ge3A_717 : i1 to i32
          %cond3A_719 = arith.constant 0 : i32
          %cond3A_720 = arith.cmpi ne, %convert_element_type3A_718, %cond3A_719 : i32
          scf.if %cond3A_720 {
            %get3A_812 = arith.constant 4096 : index
            %get3A_813 = tpu.vector_load %arg14[%get3A_812] {strides = array<i32>} : memref<4112xi32, #tpu.memory_space<vmem>>, vector<16xi32>,
            %swap3A_814 = arith.constant 0 : index
            %swap3A_815 = tpu.vector_load %arg14[%swap3A_814] {strides = array<i32>} : memref<4112xi32, #tpu.memory_space<vmem>>, vector<16xi32>,
            tpu.vector_store %arg14[%swap3A_814], %get3A_813 {strides = array<i32>} : memref<4112xi32, #tpu.memory_space<vmem>>, vector<16xi32>,
          } else {
          }
          %add3A_721 = arith.addi %add3A_711, %squeeze3A_369 : i32
          %and3A_722 = arith.constant 4095 : i32
          %and3A_723 = arith.andi %add3A_721, %and3A_722 : i32
          %swap3A_724 = arith.index_cast %and3A_723 : i32 to index
          %swap3A_725 = tpu.vector_load %arg14[%swap3A_724] masked %gt3A_397 {strides = array<i32>} : memref<4112xi32, #tpu.memory_space<vmem>>, vector<16xi32>, vector<16xi1>
          tpu.vector_store %arg14[%swap3A_724], %get3A_404 masked %gt3A_397 {strides = array<i32>} : memref<4112xi32, #tpu.memory_space<vmem>>, vector<16xi32>, vector<16xi1>
          %ge3A_726 = arith.constant 4081 : i32
          %ge3A_727 = arith.cmpi sge, %and3A_723, %ge3A_726 : i32
          %convert_element_type3A_728 = arith.extui %ge3A_727 : i1 to i32
          %cond3A_729 = arith.constant 0 : i32
          %cond3A_730 = arith.cmpi ne, %convert_element_type3A_728, %cond3A_729 : i32
          scf.if %cond3A_730 {
            %get3A_812 = arith.constant 4096 : index
            %get3A_813 = tpu.vector_load %arg14[%get3A_812] {strides = array<i32>} : memref<4112xi32, #tpu.memory_space<vmem>>, vector<16xi32>,
            %swap3A_814 = arith.constant 0 : index
            %swap3A_815 = tpu.vector_load %arg14[%swap3A_814] {strides = array<i32>} : memref<4112xi32, #tpu.memory_space<vmem>>, vector<16xi32>,
            tpu.vector_store %arg14[%swap3A_814], %get3A_813 {strides = array<i32>} : memref<4112xi32, #tpu.memory_space<vmem>>, vector<16xi32>,
          } else {
          }
          %add3A_731 = arith.addi %add3A_721, %squeeze3A_400 : i32
          %and3A_732 = arith.constant 4095 : i32
          %and3A_733 = arith.andi %add3A_731, %and3A_732 : i32
          %swap3A_734 = arith.index_cast %and3A_733 : i32 to index
          %swap3A_735 = tpu.vector_load %arg14[%swap3A_734] masked %gt3A_428 {strides = array<i32>} : memref<4112xi32, #tpu.memory_space<vmem>>, vector<16xi32>, vector<16xi1>
          tpu.vector_store %arg14[%swap3A_734], %get3A_435 masked %gt3A_428 {strides = array<i32>} : memref<4112xi32, #tpu.memory_space<vmem>>, vector<16xi32>, vector<16xi1>
          %ge3A_736 = arith.constant 4081 : i32
          %ge3A_737 = arith.cmpi sge, %and3A_733, %ge3A_736 : i32
          %convert_element_type3A_738 = arith.extui %ge3A_737 : i1 to i32
          %cond3A_739 = arith.constant 0 : i32
          %cond3A_740 = arith.cmpi ne, %convert_element_type3A_738, %cond3A_739 : i32
          scf.if %cond3A_740 {
            %get3A_812 = arith.constant 4096 : index
            %get3A_813 = tpu.vector_load %arg14[%get3A_812] {strides = array<i32>} : memref<4112xi32, #tpu.memory_space<vmem>>, vector<16xi32>,
            %swap3A_814 = arith.constant 0 : index
            %swap3A_815 = tpu.vector_load %arg14[%swap3A_814] {strides = array<i32>} : memref<4112xi32, #tpu.memory_space<vmem>>, vector<16xi32>,
            tpu.vector_store %arg14[%swap3A_814], %get3A_813 {strides = array<i32>} : memref<4112xi32, #tpu.memory_space<vmem>>, vector<16xi32>,
          } else {
          }
          %add3A_741 = arith.addi %add3A_731, %squeeze3A_431 : i32
          %and3A_742 = arith.constant 4095 : i32
          %and3A_743 = arith.andi %add3A_741, %and3A_742 : i32
          %swap3A_744 = arith.index_cast %and3A_743 : i32 to index
          %swap3A_745 = tpu.vector_load %arg14[%swap3A_744] masked %gt3A_459 {strides = array<i32>} : memref<4112xi32, #tpu.memory_space<vmem>>, vector<16xi32>, vector<16xi1>
          tpu.vector_store %arg14[%swap3A_744], %get3A_466 masked %gt3A_459 {strides = array<i32>} : memref<4112xi32, #tpu.memory_space<vmem>>, vector<16xi32>, vector<16xi1>
          %ge3A_746 = arith.constant 4081 : i32
          %ge3A_747 = arith.cmpi sge, %and3A_743, %ge3A_746 : i32
          %convert_element_type3A_748 = arith.extui %ge3A_747 : i1 to i32
          %cond3A_749 = arith.constant 0 : i32
          %cond3A_750 = arith.cmpi ne, %convert_element_type3A_748, %cond3A_749 : i32
          scf.if %cond3A_750 {
            %get3A_812 = arith.constant 4096 : index
            %get3A_813 = tpu.vector_load %arg14[%get3A_812] {strides = array<i32>} : memref<4112xi32, #tpu.memory_space<vmem>>, vector<16xi32>,
            %swap3A_814 = arith.constant 0 : index
            %swap3A_815 = tpu.vector_load %arg14[%swap3A_814] {strides = array<i32>} : memref<4112xi32, #tpu.memory_space<vmem>>, vector<16xi32>,
            tpu.vector_store %arg14[%swap3A_814], %get3A_813 {strides = array<i32>} : memref<4112xi32, #tpu.memory_space<vmem>>, vector<16xi32>,
          } else {
          }
          %add3A_751 = arith.addi %add3A_741, %squeeze3A_462 : i32
          %and3A_752 = arith.constant 4095 : i32
          %and3A_753 = arith.andi %add3A_751, %and3A_752 : i32
          %swap3A_754 = arith.index_cast %and3A_753 : i32 to index
          %swap3A_755 = tpu.vector_load %arg14[%swap3A_754] masked %gt3A_490 {strides = array<i32>} : memref<4112xi32, #tpu.memory_space<vmem>>, vector<16xi32>, vector<16xi1>
          tpu.vector_store %arg14[%swap3A_754], %get3A_497 masked %gt3A_490 {strides = array<i32>} : memref<4112xi32, #tpu.memory_space<vmem>>, vector<16xi32>, vector<16xi1>
          %ge3A_756 = arith.constant 4081 : i32
          %ge3A_757 = arith.cmpi sge, %and3A_753, %ge3A_756 : i32
          %convert_element_type3A_758 = arith.extui %ge3A_757 : i1 to i32
          %cond3A_759 = arith.constant 0 : i32
          %cond3A_760 = arith.cmpi ne, %convert_element_type3A_758, %cond3A_759 : i32
          scf.if %cond3A_760 {
            %get3A_812 = arith.constant 4096 : index
            %get3A_813 = tpu.vector_load %arg14[%get3A_812] {strides = array<i32>} : memref<4112xi32, #tpu.memory_space<vmem>>, vector<16xi32>,
            %swap3A_814 = arith.constant 0 : index
            %swap3A_815 = tpu.vector_load %arg14[%swap3A_814] {strides = array<i32>} : memref<4112xi32, #tpu.memory_space<vmem>>, vector<16xi32>,
            tpu.vector_store %arg14[%swap3A_814], %get3A_813 {strides = array<i32>} : memref<4112xi32, #tpu.memory_space<vmem>>, vector<16xi32>,
          } else {
          }
          %add3A_761 = arith.addi %add3A_751, %squeeze3A_493 : i32
          %and3A_762 = arith.constant 4095 : i32
          %and3A_763 = arith.andi %add3A_761, %and3A_762 : i32
          %swap3A_764 = arith.index_cast %and3A_763 : i32 to index
          %swap3A_765 = tpu.vector_load %arg14[%swap3A_764] masked %gt3A_521 {strides = array<i32>} : memref<4112xi32, #tpu.memory_space<vmem>>, vector<16xi32>, vector<16xi1>
          tpu.vector_store %arg14[%swap3A_764], %get3A_528 masked %gt3A_521 {strides = array<i32>} : memref<4112xi32, #tpu.memory_space<vmem>>, vector<16xi32>, vector<16xi1>
          %ge3A_766 = arith.constant 4081 : i32
          %ge3A_767 = arith.cmpi sge, %and3A_763, %ge3A_766 : i32
          %convert_element_type3A_768 = arith.extui %ge3A_767 : i1 to i32
          %cond3A_769 = arith.constant 0 : i32
          %cond3A_770 = arith.cmpi ne, %convert_element_type3A_768, %cond3A_769 : i32
          scf.if %cond3A_770 {
            %get3A_812 = arith.constant 4096 : index
            %get3A_813 = tpu.vector_load %arg14[%get3A_812] {strides = array<i32>} : memref<4112xi32, #tpu.memory_space<vmem>>, vector<16xi32>,
            %swap3A_814 = arith.constant 0 : index
            %swap3A_815 = tpu.vector_load %arg14[%swap3A_814] {strides = array<i32>} : memref<4112xi32, #tpu.memory_space<vmem>>, vector<16xi32>,
            tpu.vector_store %arg14[%swap3A_814], %get3A_813 {strides = array<i32>} : memref<4112xi32, #tpu.memory_space<vmem>>, vector<16xi32>,
          } else {
          }
          %add3A_771 = arith.addi %add3A_761, %squeeze3A_524 : i32
          %and3A_772 = arith.constant 4095 : i32
          %and3A_773 = arith.andi %add3A_771, %and3A_772 : i32
          %swap3A_774 = arith.index_cast %and3A_773 : i32 to index
          %swap3A_775 = tpu.vector_load %arg14[%swap3A_774] masked %gt3A_552 {strides = array<i32>} : memref<4112xi32, #tpu.memory_space<vmem>>, vector<16xi32>, vector<16xi1>
          tpu.vector_store %arg14[%swap3A_774], %get3A_559 masked %gt3A_552 {strides = array<i32>} : memref<4112xi32, #tpu.memory_space<vmem>>, vector<16xi32>, vector<16xi1>
          %ge3A_776 = arith.constant 4081 : i32
          %ge3A_777 = arith.cmpi sge, %and3A_773, %ge3A_776 : i32
          %convert_element_type3A_778 = arith.extui %ge3A_777 : i1 to i32
          %cond3A_779 = arith.constant 0 : i32
          %cond3A_780 = arith.cmpi ne, %convert_element_type3A_778, %cond3A_779 : i32
          scf.if %cond3A_780 {
            %get3A_812 = arith.constant 4096 : index
            %get3A_813 = tpu.vector_load %arg14[%get3A_812] {strides = array<i32>} : memref<4112xi32, #tpu.memory_space<vmem>>, vector<16xi32>,
            %swap3A_814 = arith.constant 0 : index
            %swap3A_815 = tpu.vector_load %arg14[%swap3A_814] {strides = array<i32>} : memref<4112xi32, #tpu.memory_space<vmem>>, vector<16xi32>,
            tpu.vector_store %arg14[%swap3A_814], %get3A_813 {strides = array<i32>} : memref<4112xi32, #tpu.memory_space<vmem>>, vector<16xi32>,
          } else {
          }
          %add3A_781 = arith.addi %add3A_771, %squeeze3A_555 : i32
          %and3A_782 = arith.constant 4095 : i32
          %and3A_783 = arith.andi %add3A_781, %and3A_782 : i32
          %swap3A_784 = arith.index_cast %and3A_783 : i32 to index
          %swap3A_785 = tpu.vector_load %arg14[%swap3A_784] masked %gt3A_583 {strides = array<i32>} : memref<4112xi32, #tpu.memory_space<vmem>>, vector<16xi32>, vector<16xi1>
          tpu.vector_store %arg14[%swap3A_784], %get3A_590 masked %gt3A_583 {strides = array<i32>} : memref<4112xi32, #tpu.memory_space<vmem>>, vector<16xi32>, vector<16xi1>
          %ge3A_786 = arith.constant 4081 : i32
          %ge3A_787 = arith.cmpi sge, %and3A_783, %ge3A_786 : i32
          %convert_element_type3A_788 = arith.extui %ge3A_787 : i1 to i32
          %cond3A_789 = arith.constant 0 : i32
          %cond3A_790 = arith.cmpi ne, %convert_element_type3A_788, %cond3A_789 : i32
          scf.if %cond3A_790 {
            %get3A_812 = arith.constant 4096 : index
            %get3A_813 = tpu.vector_load %arg14[%get3A_812] {strides = array<i32>} : memref<4112xi32, #tpu.memory_space<vmem>>, vector<16xi32>,
            %swap3A_814 = arith.constant 0 : index
            %swap3A_815 = tpu.vector_load %arg14[%swap3A_814] {strides = array<i32>} : memref<4112xi32, #tpu.memory_space<vmem>>, vector<16xi32>,
            tpu.vector_store %arg14[%swap3A_814], %get3A_813 {strides = array<i32>} : memref<4112xi32, #tpu.memory_space<vmem>>, vector<16xi32>,
          } else {
          }
          %add3A_791 = arith.addi %add3A_781, %squeeze3A_586 : i32
          %and3A_792 = arith.constant 4095 : i32
          %and3A_793 = arith.andi %add3A_791, %and3A_792 : i32
          %swap3A_794 = arith.index_cast %and3A_793 : i32 to index
          %swap3A_795 = tpu.vector_load %arg14[%swap3A_794] masked %gt3A_614 {strides = array<i32>} : memref<4112xi32, #tpu.memory_space<vmem>>, vector<16xi32>, vector<16xi1>
          tpu.vector_store %arg14[%swap3A_794], %get3A_621 masked %gt3A_614 {strides = array<i32>} : memref<4112xi32, #tpu.memory_space<vmem>>, vector<16xi32>, vector<16xi1>
          %ge3A_796 = arith.constant 4081 : i32
          %ge3A_797 = arith.cmpi sge, %and3A_793, %ge3A_796 : i32
          %convert_element_type3A_798 = arith.extui %ge3A_797 : i1 to i32
          %cond3A_799 = arith.constant 0 : i32
          %cond3A_800 = arith.cmpi ne, %convert_element_type3A_798, %cond3A_799 : i32
          scf.if %cond3A_800 {
            %get3A_812 = arith.constant 4096 : index
            %get3A_813 = tpu.vector_load %arg14[%get3A_812] {strides = array<i32>} : memref<4112xi32, #tpu.memory_space<vmem>>, vector<16xi32>,
            %swap3A_814 = arith.constant 0 : index
            %swap3A_815 = tpu.vector_load %arg14[%swap3A_814] {strides = array<i32>} : memref<4112xi32, #tpu.memory_space<vmem>>, vector<16xi32>,
            tpu.vector_store %arg14[%swap3A_814], %get3A_813 {strides = array<i32>} : memref<4112xi32, #tpu.memory_space<vmem>>, vector<16xi32>,
          } else {
          }
          %add3A_801 = arith.addi %add3A_791, %squeeze3A_617 : i32
          %and3A_802 = arith.constant 4095 : i32
          %and3A_803 = arith.andi %add3A_801, %and3A_802 : i32
          %swap3A_804 = arith.index_cast %and3A_803 : i32 to index
          %swap3A_805 = tpu.vector_load %arg14[%swap3A_804] masked %gt3A_645 {strides = array<i32>} : memref<4112xi32, #tpu.memory_space<vmem>>, vector<16xi32>, vector<16xi1>
          tpu.vector_store %arg14[%swap3A_804], %get3A_652 masked %gt3A_645 {strides = array<i32>} : memref<4112xi32, #tpu.memory_space<vmem>>, vector<16xi32>, vector<16xi1>
          %ge3A_806 = arith.constant 4081 : i32
          %ge3A_807 = arith.cmpi sge, %and3A_803, %ge3A_806 : i32
          %convert_element_type3A_808 = arith.extui %ge3A_807 : i1 to i32
          %cond3A_809 = arith.constant 0 : i32
          %cond3A_810 = arith.cmpi ne, %convert_element_type3A_808, %cond3A_809 : i32
          scf.if %cond3A_810 {
            %get3A_812 = arith.constant 4096 : index
            %get3A_813 = tpu.vector_load %arg14[%get3A_812] {strides = array<i32>} : memref<4112xi32, #tpu.memory_space<vmem>>, vector<16xi32>,
            %swap3A_814 = arith.constant 0 : index
            %swap3A_815 = tpu.vector_load %arg14[%swap3A_814] {strides = array<i32>} : memref<4112xi32, #tpu.memory_space<vmem>>, vector<16xi32>,
            tpu.vector_store %arg14[%swap3A_814], %get3A_813 {strides = array<i32>} : memref<4112xi32, #tpu.memory_space<vmem>>, vector<16xi32>,
          } else {
          }
          %add3A_811 = arith.addi %add3A_801, %squeeze3A_648 : i32
          scf.yield %add3A_811 : i32
        }
        %scan3A_142 = arith.constant 8 : i32
        %ge3A_143 = arith.cmpi sge, %scan3A_141, %cond3A_103#1 : i32
        %eq3A = arith.constant 0 : i32
        %eq3A_144 = arith.cmpi eq, %cond3A_103#2, %eq3A : i32
        %and3A = arith.andi %ge3A_143, %eq3A_144 : i1
        %convert_element_type3A_145 = arith.extui %and3A : i1 to i32
        %cond3A_146 = arith.constant 0 : i32
        %cond3A_147 = arith.cmpi ne, %convert_element_type3A_145, %cond3A_146 : i32
        scf.if %cond3A_147 {
          %ge3A_161 = arith.constant 2 : i32
          %ge3A_162 = arith.cmpi sge, %cond3A_103#3, %ge3A_161 : i32
          %convert_element_type3A_163 = arith.extui %ge3A_162 : i1 to i32
          %cond3A_164 = arith.constant 0 : i32
          %cond3A_165 = arith.cmpi ne, %convert_element_type3A_163, %cond3A_164 : i32
          scf.if %cond3A_165 {
            %dma_wait3A_173 = arith.constant 0 : i32
            %dma_wait3A_174 = tpu.memref_slice %arg18[%dma_wait3A_173] : memref<100352xf32, #tpu.memory_space<vmem_shared>> -> memref<100352xf32, #tpu.memory_space<vmem_shared>>
            tpu.wait_indirect_dma semaphore(%arg21 : memref<!tpu.dma_semaphore, #tpu.memory_space<semaphore_mem>>) src(%arg13 : memref<2048xf32, #tpu.memory_space<vmem>>) dst(%dma_wait3A_174 : memref<100352xf32, #tpu.memory_space<vmem_shared>>)
          } else {
          }
          %scan3A_166 = arith.constant 0 : i32
          %scan3A_167 = arith.constant 128 : i32
          %scan3A_168 = arith.addi %scan3A_166, %scan3A_167 : i32
          %scan3A_169 = arith.constant 1 : i32
          scf.for %scan3A_173 = %scan3A_166 to %scan3A_168 step %scan3A_169  : i32 {
            %mul3A_174 = arith.constant 16 : i32
            %mul3A_175 = arith.muli %scan3A_173, %mul3A_174 : i32
            %add3A_176 = arith.constant 0 : i32
            %add3A_177 = arith.addi %add3A_176, %mul3A_175 : i32
            %get3A = arith.index_cast %add3A_177 : i32 to index
            %get3A_178 = tpu.vector_load %arg14[%get3A] {strides = array<i32>} : memref<4112xi32, #tpu.memory_space<vmem>>, vector<16xi32>,
            %mul3A_179 = arith.constant 16 : i32
            %mul3A_180 = arith.muli %scan3A_173, %mul3A_179 : i32
            %swap3A = arith.index_cast %mul3A_180 : i32 to index
            %swap3A_181 = tpu.vector_load %arg15[%swap3A] {strides = array<i32>} : memref<2048xi32, #tpu.memory_space<vmem>>, vector<16xi32>,
            tpu.vector_store %arg15[%swap3A], %get3A_178 {strides = array<i32>} : memref<2048xi32, #tpu.memory_space<vmem>>, vector<16xi32>,
          }
          %scan3A_170 = arith.constant 128 : i32
          %dma_start3A_171 = arith.constant 0 : i32
          %dma_start3A_172 = tpu.memref_slice %arg18[%dma_start3A_171] : memref<100352xf32, #tpu.memory_space<vmem_shared>> -> memref<100352xf32, #tpu.memory_space<vmem_shared>>
          tpu.enqueue_indirect_dma source(%arg13 : memref<2048xf32, #tpu.memory_space<vmem>>) target(%dma_start3A_172 : memref<100352xf32, #tpu.memory_space<vmem_shared>>) offsets(%arg15 : memref<2048xi32, #tpu.memory_space<vmem>>) semaphore(%arg21 : memref<!tpu.dma_semaphore, #tpu.memory_space<semaphore_mem>>) {add = true}
        } else {
        }
        %eq3A_148 = arith.constant 1 : i32
        %eq3A_149 = arith.cmpi eq, %cond3A_103#2, %eq3A_148 : i32
        %and3A_150 = arith.andi %ge3A_143, %eq3A_149 : i1
        %convert_element_type3A_151 = arith.extui %and3A_150 : i1 to i32
        %cond3A_152 = arith.constant 0 : i32
        %cond3A_153 = arith.cmpi ne, %convert_element_type3A_151, %cond3A_152 : i32
        scf.if %cond3A_153 {
          %ge3A_161 = arith.constant 2 : i32
          %ge3A_162 = arith.cmpi sge, %cond3A_103#3, %ge3A_161 : i32
          %convert_element_type3A_163 = arith.extui %ge3A_162 : i1 to i32
          %cond3A_164 = arith.constant 0 : i32
          %cond3A_165 = arith.cmpi ne, %convert_element_type3A_163, %cond3A_164 : i32
          scf.if %cond3A_165 {
            %dma_wait3A_173 = arith.constant 0 : i32
            %dma_wait3A_174 = tpu.memref_slice %arg18[%dma_wait3A_173] : memref<100352xf32, #tpu.memory_space<vmem_shared>> -> memref<100352xf32, #tpu.memory_space<vmem_shared>>
            tpu.wait_indirect_dma semaphore(%arg22 : memref<!tpu.dma_semaphore, #tpu.memory_space<semaphore_mem>>) src(%arg13 : memref<2048xf32, #tpu.memory_space<vmem>>) dst(%dma_wait3A_174 : memref<100352xf32, #tpu.memory_space<vmem_shared>>)
          } else {
          }
          %scan3A_166 = arith.constant 0 : i32
          %scan3A_167 = arith.constant 128 : i32
          %scan3A_168 = arith.addi %scan3A_166, %scan3A_167 : i32
          %scan3A_169 = arith.constant 1 : i32
          scf.for %scan3A_173 = %scan3A_166 to %scan3A_168 step %scan3A_169  : i32 {
            %mul3A_174 = arith.constant 16 : i32
            %mul3A_175 = arith.muli %scan3A_173, %mul3A_174 : i32
            %add3A_176 = arith.constant 2048 : i32
            %add3A_177 = arith.addi %add3A_176, %mul3A_175 : i32
            %get3A = arith.index_cast %add3A_177 : i32 to index
            %get3A_178 = tpu.vector_load %arg14[%get3A] {strides = array<i32>} : memref<4112xi32, #tpu.memory_space<vmem>>, vector<16xi32>,
            %mul3A_179 = arith.constant 16 : i32
            %mul3A_180 = arith.muli %scan3A_173, %mul3A_179 : i32
            %swap3A = arith.index_cast %mul3A_180 : i32 to index
            %swap3A_181 = tpu.vector_load %arg16[%swap3A] {strides = array<i32>} : memref<2048xi32, #tpu.memory_space<vmem>>, vector<16xi32>,
            tpu.vector_store %arg16[%swap3A], %get3A_178 {strides = array<i32>} : memref<2048xi32, #tpu.memory_space<vmem>>, vector<16xi32>,
          }
          %scan3A_170 = arith.constant 128 : i32
          %dma_start3A_171 = arith.constant 0 : i32
          %dma_start3A_172 = tpu.memref_slice %arg18[%dma_start3A_171] : memref<100352xf32, #tpu.memory_space<vmem_shared>> -> memref<100352xf32, #tpu.memory_space<vmem_shared>>
          tpu.enqueue_indirect_dma source(%arg13 : memref<2048xf32, #tpu.memory_space<vmem>>) target(%dma_start3A_172 : memref<100352xf32, #tpu.memory_space<vmem_shared>>) offsets(%arg16 : memref<2048xi32, #tpu.memory_space<vmem>>) semaphore(%arg22 : memref<!tpu.dma_semaphore, #tpu.memory_space<semaphore_mem>>) {add = true}
        } else {
        }
        %add3A_154 = arith.constant 2048 : i32
        %add3A_155 = arith.addi %cond3A_103#1, %add3A_154 : i32
        %select_n3A_156 = arith.select %ge3A_143, %add3A_155, %cond3A_103#1 : i32
        %sub3A = arith.constant 1 : i32
        %sub3A_157 = arith.subi %sub3A, %cond3A_103#2 : i32
        %select_n3A_158 = arith.select %ge3A_143, %sub3A_157, %cond3A_103#2 : i32
        %convert_element_type3A_159 = arith.extui %ge3A_143 : i1 to i32
        %add3A_160 = arith.addi %cond3A_103#3, %convert_element_type3A_159 : i32
        scf.yield %scan3A_141, %select_n3A_156, %select_n3A_158, %add3A_160 : i32, i32, i32, i32
      } else {
        scf.yield %cond3A_103#0, %cond3A_103#1, %cond3A_103#2, %cond3A_103#3 : i32, i32, i32, i32
      }
      scf.yield %cond3A_112#0, %cond3A_112#1, %cond3A_112#2, %cond3A_112#3 : i32, i32, i32, i32
    }
    %scan3A_60 = arith.constant 49 : i32
    %ge3A = arith.constant 1 : i32
    %ge3A_61 = arith.cmpi sge, %scan3A_59#3, %ge3A : i32
    %convert_element_type3A = arith.extui %ge3A_61 : i1 to i32
    %cond3A = arith.constant 0 : i32
    %cond3A_62 = arith.cmpi ne, %convert_element_type3A, %cond3A : i32
    scf.if %cond3A_62 {
      %dma_wait3A_90 = arith.constant 0 : i32
      %dma_wait3A_91 = tpu.memref_slice %arg18[%dma_wait3A_90] : memref<100352xf32, #tpu.memory_space<vmem_shared>> -> memref<100352xf32, #tpu.memory_space<vmem_shared>>
      tpu.wait_indirect_dma semaphore(%arg21 : memref<!tpu.dma_semaphore, #tpu.memory_space<semaphore_mem>>) src(%arg13 : memref<2048xf32, #tpu.memory_space<vmem>>) dst(%dma_wait3A_91 : memref<100352xf32, #tpu.memory_space<vmem_shared>>)
    } else {
    }
    %ge3A_63 = arith.constant 2 : i32
    %ge3A_64 = arith.cmpi sge, %scan3A_59#3, %ge3A_63 : i32
    %convert_element_type3A_65 = arith.extui %ge3A_64 : i1 to i32
    %cond3A_66 = arith.constant 0 : i32
    %cond3A_67 = arith.cmpi ne, %convert_element_type3A_65, %cond3A_66 : i32
    scf.if %cond3A_67 {
      %dma_wait3A_90 = arith.constant 0 : i32
      %dma_wait3A_91 = tpu.memref_slice %arg18[%dma_wait3A_90] : memref<100352xf32, #tpu.memory_space<vmem_shared>> -> memref<100352xf32, #tpu.memory_space<vmem_shared>>
      tpu.wait_indirect_dma semaphore(%arg22 : memref<!tpu.dma_semaphore, #tpu.memory_space<semaphore_mem>>) src(%arg13 : memref<2048xf32, #tpu.memory_space<vmem>>) dst(%dma_wait3A_91 : memref<100352xf32, #tpu.memory_space<vmem_shared>>)
    } else {
    }
    %scan3A_68 = arith.constant 0 : i32
    %scan3A_69 = arith.constant 128 : i32
    %scan3A_70 = arith.addi %scan3A_68, %scan3A_69 : i32
    %scan3A_71 = arith.constant 1 : i32
    scf.for %scan3A_90 = %scan3A_68 to %scan3A_70 step %scan3A_71  : i32 {
      %mul3A_91 = arith.constant 16 : i32
      %mul3A_92 = arith.muli %scan3A_90, %mul3A_91 : i32
      %add3A_93 = arith.constant 0 : i32
      %add3A_94 = arith.addi %add3A_93, %mul3A_92 : i32
      %get3A = arith.index_cast %add3A_94 : i32 to index
      %get3A_95 = tpu.vector_load %arg14[%get3A] {strides = array<i32>} : memref<4112xi32, #tpu.memory_space<vmem>>, vector<16xi32>,
      %mul3A_96 = arith.constant 16 : i32
      %mul3A_97 = arith.muli %scan3A_90, %mul3A_96 : i32
      %swap3A = arith.index_cast %mul3A_97 : i32 to index
      %swap3A_98 = tpu.vector_load %arg15[%swap3A] {strides = array<i32>} : memref<2048xi32, #tpu.memory_space<vmem>>, vector<16xi32>,
      tpu.vector_store %arg15[%swap3A], %get3A_95 {strides = array<i32>} : memref<2048xi32, #tpu.memory_space<vmem>>, vector<16xi32>,
    }
    %scan3A_72 = arith.constant 128 : i32
    %dma_start3A_73 = arith.constant 0 : i32
    %dma_start3A_74 = tpu.memref_slice %arg18[%dma_start3A_73] : memref<100352xf32, #tpu.memory_space<vmem_shared>> -> memref<100352xf32, #tpu.memory_space<vmem_shared>>
    tpu.enqueue_indirect_dma source(%arg13 : memref<2048xf32, #tpu.memory_space<vmem>>) target(%dma_start3A_74 : memref<100352xf32, #tpu.memory_space<vmem_shared>>) offsets(%arg15 : memref<2048xi32, #tpu.memory_space<vmem>>) semaphore(%arg21 : memref<!tpu.dma_semaphore, #tpu.memory_space<semaphore_mem>>) {add = true}
    %scan3A_75 = arith.constant 0 : i32
    %scan3A_76 = arith.constant 128 : i32
    %scan3A_77 = arith.addi %scan3A_75, %scan3A_76 : i32
    %scan3A_78 = arith.constant 1 : i32
    scf.for %scan3A_90 = %scan3A_75 to %scan3A_77 step %scan3A_78  : i32 {
      %mul3A_91 = arith.constant 16 : i32
      %mul3A_92 = arith.muli %scan3A_90, %mul3A_91 : i32
      %add3A_93 = arith.constant 2048 : i32
      %add3A_94 = arith.addi %add3A_93, %mul3A_92 : i32
      %get3A = arith.index_cast %add3A_94 : i32 to index
      %get3A_95 = tpu.vector_load %arg14[%get3A] {strides = array<i32>} : memref<4112xi32, #tpu.memory_space<vmem>>, vector<16xi32>,
      %mul3A_96 = arith.constant 16 : i32
      %mul3A_97 = arith.muli %scan3A_90, %mul3A_96 : i32
      %swap3A = arith.index_cast %mul3A_97 : i32 to index
      %swap3A_98 = tpu.vector_load %arg16[%swap3A] {strides = array<i32>} : memref<2048xi32, #tpu.memory_space<vmem>>, vector<16xi32>,
      tpu.vector_store %arg16[%swap3A], %get3A_95 {strides = array<i32>} : memref<2048xi32, #tpu.memory_space<vmem>>, vector<16xi32>,
    }
    %scan3A_79 = arith.constant 128 : i32
    %dma_start3A_80 = arith.constant 0 : i32
    %dma_start3A_81 = tpu.memref_slice %arg18[%dma_start3A_80] : memref<100352xf32, #tpu.memory_space<vmem_shared>> -> memref<100352xf32, #tpu.memory_space<vmem_shared>>
    tpu.enqueue_indirect_dma source(%arg13 : memref<2048xf32, #tpu.memory_space<vmem>>) target(%dma_start3A_81 : memref<100352xf32, #tpu.memory_space<vmem_shared>>) offsets(%arg16 : memref<2048xi32, #tpu.memory_space<vmem>>) semaphore(%arg22 : memref<!tpu.dma_semaphore, #tpu.memory_space<semaphore_mem>>) {add = true}
    %dma_wait3A = arith.constant 0 : i32
    %dma_wait3A_82 = tpu.memref_slice %arg18[%dma_wait3A] : memref<100352xf32, #tpu.memory_space<vmem_shared>> -> memref<100352xf32, #tpu.memory_space<vmem_shared>>
    tpu.wait_indirect_dma semaphore(%arg21 : memref<!tpu.dma_semaphore, #tpu.memory_space<semaphore_mem>>) src(%arg13 : memref<2048xf32, #tpu.memory_space<vmem>>) dst(%dma_wait3A_82 : memref<100352xf32, #tpu.memory_space<vmem_shared>>)
    %dma_wait3A_83 = arith.constant 0 : i32
    %dma_wait3A_84 = tpu.memref_slice %arg18[%dma_wait3A_83] : memref<100352xf32, #tpu.memory_space<vmem_shared>> -> memref<100352xf32, #tpu.memory_space<vmem_shared>>
    tpu.wait_indirect_dma semaphore(%arg22 : memref<!tpu.dma_semaphore, #tpu.memory_space<semaphore_mem>>) src(%arg13 : memref<2048xf32, #tpu.memory_space<vmem>>) dst(%dma_wait3A_84 : memref<100352xf32, #tpu.memory_space<vmem_shared>>)
    %barrier3A_85 = arith.constant 0 : index
    tpu.barrier barrier_id(%barrier3A_85)
    %mul3A_86 = arith.constant 6272 : i32
    %mul3A_87 = arith.muli %arg1, %mul3A_86 : i32
    %mul3A_88 = arith.constant 6272 : i32
    %mul3A_89 = arith.muli %arg1, %mul3A_88 : i32
    "tpu.region"() ({
      %run_scoped3A = tpu.sem_alloc : memref<!tpu.dma_semaphore, #tpu.memory_space<semaphore_mem>>
      %dma_start3A_90 = tpu.memref_slice %arg5[%arg0, %mul3A_89] : memref<2x100352xf32, #tpu.memory_space<hbm>> -> memref<1x6272xf32, #tpu.memory_space<hbm>>
      %dma_start3A_91 = tpu.memref_squeeze %dma_start3A_90 : memref<1x6272xf32, #tpu.memory_space<hbm>> -> memref<6272xf32, #tpu.memory_space<hbm>>
      %dma_start3A_92 = tpu.memref_slice %arg18[%mul3A_87] : memref<100352xf32, #tpu.memory_space<vmem_shared>> -> memref<6272xf32, #tpu.memory_space<vmem_shared>>
      tpu.enqueue_dma source(%dma_start3A_92 : memref<6272xf32, #tpu.memory_space<vmem_shared>>) target(%dma_start3A_91 : memref<6272xf32, #tpu.memory_space<hbm>>) target_semaphore(%run_scoped3A : memref<!tpu.dma_semaphore, #tpu.memory_space<semaphore_mem>>)
      %dma_wait3A_93 = tpu.memref_slice %arg5[%arg0, %mul3A_89] : memref<2x100352xf32, #tpu.memory_space<hbm>> -> memref<1x6272xf32, #tpu.memory_space<hbm>>
      %dma_wait3A_94 = tpu.memref_squeeze %dma_wait3A_93 : memref<1x6272xf32, #tpu.memory_space<hbm>> -> memref<6272xf32, #tpu.memory_space<hbm>>
      %dma_wait3A_95 = tpu.memref_slice %arg18[%mul3A_87] : memref<100352xf32, #tpu.memory_space<vmem_shared>> -> memref<6272xf32, #tpu.memory_space<vmem_shared>>
      tpu.wait_dma2 semaphore(%run_scoped3A : memref<!tpu.dma_semaphore, #tpu.memory_space<semaphore_mem>>) src(%dma_wait3A_95 : memref<6272xf32, #tpu.memory_space<vmem_shared>>) dst(%dma_wait3A_94 : memref<6272xf32, #tpu.memory_space<hbm>>)
      tpu.yield
    }) : () -> ()
    return
  }
}

module attributes {stable_mosaic.version = 14 : i64} {
  func.func @body(%arg0: i32, %arg1: memref<2x112x128xf32, #tpu.memory_space<vmem>>, %arg2: memref<112x128xi32, #tpu.memory_space<vmem>>, %arg3: memref<112x128xf32, #tpu.memory_space<vmem>>, %arg4: memref<16x1xf32, #tpu.memory_space<vmem>>, %arg5: memref<16x1xf32, #tpu.memory_space<vmem>>, %arg6: memref<16x128xf32, #tpu.memory_space<vmem>>, %arg7: memref<16x128xf32, #tpu.memory_space<vmem>>) attributes {dimension_semantics = [#tpu.dimension_semantics<arbitrary>], iteration_bounds = array<i64: 7>, scalar_prefetch = 0 : i64, scratch_operands = 2 : i64, tpu.core_type = #tpu.core_type<tc>, window_params = [{transform_indices = @transform_0, window_bounds = array<i64: 2, 112, 128>}, {transform_indices = @transform_1, window_bounds = array<i64: 112, 128>}, {transform_indices = @transform_2, window_bounds = array<i64: 112, 128>}, {pipeline_mode = #tpu.pipeline_mode<synchronous>, transform_indices = @transform_3, window_bounds = array<i64: 16, 1>}, {pipeline_mode = #tpu.pipeline_mode<synchronous>, transform_indices = @transform_4, window_bounds = array<i64: 16, 1>}]} {
    %eq3A = arith.constant 0 : i32
    %eq3A_0 = arith.cmpi eq, %arg0, %eq3A : i32
    %convert_element_type3A = arith.extui %eq3A_0 : i1 to i32
    %cond3A = arith.constant 0 : i32
    %cond3A_1 = arith.cmpi ne, %convert_element_type3A, %cond3A : i32
    scf.if %cond3A_1 {
      %broadcast_in_dim3A_469 = arith.constant 0.000000e+00 : f32
      %broadcast_in_dim3A_470 = vector.broadcast %broadcast_in_dim3A_469 : f32 to vector<16x128xf32>
      %swap3A_471 = arith.constant 0 : index
      %swap3A_472 = arith.constant 0 : index
      %swap3A_473 = vector.load %arg6[%swap3A_471, %swap3A_472] : memref<16x128xf32, #tpu.memory_space<vmem>>, vector<16x128xf32>
      tpu.vector_store %arg6[%swap3A_471, %swap3A_472], %broadcast_in_dim3A_470 {strides = array<i32>} : memref<16x128xf32, #tpu.memory_space<vmem>>, vector<16x128xf32>,
      %broadcast_in_dim3A_474 = arith.constant 0.000000e+00 : f32
      %broadcast_in_dim3A_475 = vector.broadcast %broadcast_in_dim3A_474 : f32 to vector<16x128xf32>
      %swap3A_476 = arith.constant 0 : index
      %swap3A_477 = arith.constant 0 : index
      %swap3A_478 = vector.load %arg7[%swap3A_476, %swap3A_477] : memref<16x128xf32, #tpu.memory_space<vmem>>, vector<16x128xf32>
      tpu.vector_store %arg7[%swap3A_476, %swap3A_477], %broadcast_in_dim3A_475 {strides = array<i32>} : memref<16x128xf32, #tpu.memory_space<vmem>>, vector<16x128xf32>,
    } else {
    }
    %get3A = arith.constant 0 : index
    %get3A_2 = arith.constant 0 : index
    %get3A_3 = arith.constant 0 : index
    %get3A_4 = vector.load %arg1[%get3A, %get3A_2, %get3A_3] : memref<2x112x128xf32, #tpu.memory_space<vmem>>, vector<1x112x128xf32>
    %get3A_5 = vector.shape_cast %get3A_4 : vector<1x112x128xf32> to vector<112x128xf32>
    %get3A_6 = arith.constant 1 : index
    %get3A_7 = arith.constant 0 : index
    %get3A_8 = arith.constant 0 : index
    %get3A_9 = vector.load %arg1[%get3A_6, %get3A_7, %get3A_8] : memref<2x112x128xf32, #tpu.memory_space<vmem>>, vector<1x112x128xf32>
    %get3A_10 = vector.shape_cast %get3A_9 : vector<1x112x128xf32> to vector<112x128xf32>
    %add3A = arith.addf %get3A_5, %get3A_10 : vector<112x128xf32>
    %gt3A = arith.constant 0.000000e+00 : f32
    %gt3A_11 = vector.broadcast %gt3A : f32 to vector<112x128xf32>
    %gt3A_12 = arith.cmpf ogt, %add3A, %gt3A_11 : vector<112x128xf32>
    %convert_element_type3A_13 = arith.extui %gt3A_12 : vector<112x128xi1> to vector<112x128xi32>
    %convert_element_type3A_14 = arith.sitofp %convert_element_type3A_13 : vector<112x128xi32> to vector<112x128xf32>
    %swap3A = arith.constant 0 : index
    %swap3A_15 = arith.constant 0 : index
    %swap3A_16 = vector.load %arg3[%swap3A, %swap3A_15] : memref<112x128xf32, #tpu.memory_space<vmem>>, vector<112x128xf32>
    tpu.vector_store %arg3[%swap3A, %swap3A_15], %convert_element_type3A_14 {strides = array<i32>} : memref<112x128xf32, #tpu.memory_space<vmem>>, vector<112x128xf32>,
    %get3A_17 = arith.constant 0 : index
    %get3A_18 = arith.constant 0 : index
    %get3A_19 = vector.load %arg2[%get3A_17, %get3A_18] : memref<112x128xi32, #tpu.memory_space<vmem>>, vector<112x128xi32>
    %eq3A_20 = arith.constant 0 : i32
    %eq3A_21 = vector.broadcast %eq3A_20 : i32 to vector<112x128xi32>
    %eq3A_22 = arith.cmpi eq, %get3A_19, %eq3A_21 : vector<112x128xi32>
    %get3A_23 = arith.constant 0 : index
    %get3A_24 = arith.constant 0 : index
    %get3A_25 = vector.load %arg6[%get3A_23, %get3A_24] : memref<16x128xf32, #tpu.memory_space<vmem>>, vector<1x128xf32>
    %jit3A = arith.constant 0.000000e+00 : f32
    %broadcast_in_dim3A = vector.broadcast %jit3A : f32 to vector<112x128xf32>
    %select_n3A = arith.select %eq3A_22, %convert_element_type3A_14, %broadcast_in_dim3A : vector<112x128xi1>, vector<112x128xf32>
    %reduce_sum3A = arith.constant dense<0.000000e+00> : vector<128xf32>
    %reduce_sum3A_26 = vector.multi_reduction <add>, %select_n3A, %reduce_sum3A [0] : vector<112x128xf32> to vector<128xf32>
    %broadcast_in_dim3A_27 = vector.shape_cast %reduce_sum3A_26 : vector<128xf32> to vector<1x128xf32>
    %add3A_28 = arith.addf %get3A_25, %broadcast_in_dim3A_27 : vector<1x128xf32>
    %swap3A_29 = arith.constant 0 : index
    %swap3A_30 = arith.constant 0 : index
    %swap3A_31 = vector.load %arg6[%swap3A_29, %swap3A_30] : memref<16x128xf32, #tpu.memory_space<vmem>>, vector<1x128xf32>
    tpu.vector_store %arg6[%swap3A_29, %swap3A_30], %add3A_28 {strides = array<i32>} : memref<16x128xf32, #tpu.memory_space<vmem>>, vector<1x128xf32>,
    %get3A_32 = arith.constant 0 : index
    %get3A_33 = arith.constant 0 : index
    %get3A_34 = vector.load %arg7[%get3A_32, %get3A_33] : memref<16x128xf32, #tpu.memory_space<vmem>>, vector<1x128xf32>
    %convert_element_type3A_35 = arith.extui %eq3A_22 : vector<112x128xi1> to vector<112x128xi32>
    %convert_element_type3A_36 = arith.sitofp %convert_element_type3A_35 : vector<112x128xi32> to vector<112x128xf32>
    %reduce_sum3A_37 = arith.constant dense<0.000000e+00> : vector<128xf32>
    %reduce_sum3A_38 = vector.multi_reduction <add>, %convert_element_type3A_36, %reduce_sum3A_37 [0] : vector<112x128xf32> to vector<128xf32>
    %broadcast_in_dim3A_39 = vector.shape_cast %reduce_sum3A_38 : vector<128xf32> to vector<1x128xf32>
    %add3A_40 = arith.addf %get3A_34, %broadcast_in_dim3A_39 : vector<1x128xf32>
    %swap3A_41 = arith.constant 0 : index
    %swap3A_42 = arith.constant 0 : index
    %swap3A_43 = vector.load %arg7[%swap3A_41, %swap3A_42] : memref<16x128xf32, #tpu.memory_space<vmem>>, vector<1x128xf32>
    tpu.vector_store %arg7[%swap3A_41, %swap3A_42], %add3A_40 {strides = array<i32>} : memref<16x128xf32, #tpu.memory_space<vmem>>, vector<1x128xf32>,
    %eq3A_44 = arith.constant 1 : i32
    %eq3A_45 = vector.broadcast %eq3A_44 : i32 to vector<112x128xi32>
    %eq3A_46 = arith.cmpi eq, %get3A_19, %eq3A_45 : vector<112x128xi32>
    %get3A_47 = arith.constant 1 : index
    %get3A_48 = arith.constant 0 : index
    %get3A_49 = vector.load %arg6[%get3A_47, %get3A_48] : memref<16x128xf32, #tpu.memory_space<vmem>>, vector<1x128xf32>
    %jit3A_50 = arith.constant 0.000000e+00 : f32
    %broadcast_in_dim3A_51 = vector.broadcast %jit3A_50 : f32 to vector<112x128xf32>
    %select_n3A_52 = arith.select %eq3A_46, %convert_element_type3A_14, %broadcast_in_dim3A_51 : vector<112x128xi1>, vector<112x128xf32>
    %reduce_sum3A_53 = arith.constant dense<0.000000e+00> : vector<128xf32>
    %reduce_sum3A_54 = vector.multi_reduction <add>, %select_n3A_52, %reduce_sum3A_53 [0] : vector<112x128xf32> to vector<128xf32>
    %broadcast_in_dim3A_55 = vector.shape_cast %reduce_sum3A_54 : vector<128xf32> to vector<1x128xf32>
    %add3A_56 = arith.addf %get3A_49, %broadcast_in_dim3A_55 : vector<1x128xf32>
    %swap3A_57 = arith.constant 1 : index
    %swap3A_58 = arith.constant 0 : index
    %swap3A_59 = vector.load %arg6[%swap3A_57, %swap3A_58] : memref<16x128xf32, #tpu.memory_space<vmem>>, vector<1x128xf32>
    tpu.vector_store %arg6[%swap3A_57, %swap3A_58], %add3A_56 {strides = array<i32>} : memref<16x128xf32, #tpu.memory_space<vmem>>, vector<1x128xf32>,
    %get3A_60 = arith.constant 1 : index
    %get3A_61 = arith.constant 0 : index
    %get3A_62 = vector.load %arg7[%get3A_60, %get3A_61] : memref<16x128xf32, #tpu.memory_space<vmem>>, vector<1x128xf32>
    %convert_element_type3A_63 = arith.extui %eq3A_46 : vector<112x128xi1> to vector<112x128xi32>
    %convert_element_type3A_64 = arith.sitofp %convert_element_type3A_63 : vector<112x128xi32> to vector<112x128xf32>
    %reduce_sum3A_65 = arith.constant dense<0.000000e+00> : vector<128xf32>
    %reduce_sum3A_66 = vector.multi_reduction <add>, %convert_element_type3A_64, %reduce_sum3A_65 [0] : vector<112x128xf32> to vector<128xf32>
    %broadcast_in_dim3A_67 = vector.shape_cast %reduce_sum3A_66 : vector<128xf32> to vector<1x128xf32>
    %add3A_68 = arith.addf %get3A_62, %broadcast_in_dim3A_67 : vector<1x128xf32>
    %swap3A_69 = arith.constant 1 : index
    %swap3A_70 = arith.constant 0 : index
    %swap3A_71 = vector.load %arg7[%swap3A_69, %swap3A_70] : memref<16x128xf32, #tpu.memory_space<vmem>>, vector<1x128xf32>
    tpu.vector_store %arg7[%swap3A_69, %swap3A_70], %add3A_68 {strides = array<i32>} : memref<16x128xf32, #tpu.memory_space<vmem>>, vector<1x128xf32>,
    %eq3A_72 = arith.constant 2 : i32
    %eq3A_73 = vector.broadcast %eq3A_72 : i32 to vector<112x128xi32>
    %eq3A_74 = arith.cmpi eq, %get3A_19, %eq3A_73 : vector<112x128xi32>
    %get3A_75 = arith.constant 2 : index
    %get3A_76 = arith.constant 0 : index
    %get3A_77 = vector.load %arg6[%get3A_75, %get3A_76] : memref<16x128xf32, #tpu.memory_space<vmem>>, vector<1x128xf32>
    %jit3A_78 = arith.constant 0.000000e+00 : f32
    %broadcast_in_dim3A_79 = vector.broadcast %jit3A_78 : f32 to vector<112x128xf32>
    %select_n3A_80 = arith.select %eq3A_74, %convert_element_type3A_14, %broadcast_in_dim3A_79 : vector<112x128xi1>, vector<112x128xf32>
    %reduce_sum3A_81 = arith.constant dense<0.000000e+00> : vector<128xf32>
    %reduce_sum3A_82 = vector.multi_reduction <add>, %select_n3A_80, %reduce_sum3A_81 [0] : vector<112x128xf32> to vector<128xf32>
    %broadcast_in_dim3A_83 = vector.shape_cast %reduce_sum3A_82 : vector<128xf32> to vector<1x128xf32>
    %add3A_84 = arith.addf %get3A_77, %broadcast_in_dim3A_83 : vector<1x128xf32>
    %swap3A_85 = arith.constant 2 : index
    %swap3A_86 = arith.constant 0 : index
    %swap3A_87 = vector.load %arg6[%swap3A_85, %swap3A_86] : memref<16x128xf32, #tpu.memory_space<vmem>>, vector<1x128xf32>
    tpu.vector_store %arg6[%swap3A_85, %swap3A_86], %add3A_84 {strides = array<i32>} : memref<16x128xf32, #tpu.memory_space<vmem>>, vector<1x128xf32>,
    %get3A_88 = arith.constant 2 : index
    %get3A_89 = arith.constant 0 : index
    %get3A_90 = vector.load %arg7[%get3A_88, %get3A_89] : memref<16x128xf32, #tpu.memory_space<vmem>>, vector<1x128xf32>
    %convert_element_type3A_91 = arith.extui %eq3A_74 : vector<112x128xi1> to vector<112x128xi32>
    %convert_element_type3A_92 = arith.sitofp %convert_element_type3A_91 : vector<112x128xi32> to vector<112x128xf32>
    %reduce_sum3A_93 = arith.constant dense<0.000000e+00> : vector<128xf32>
    %reduce_sum3A_94 = vector.multi_reduction <add>, %convert_element_type3A_92, %reduce_sum3A_93 [0] : vector<112x128xf32> to vector<128xf32>
    %broadcast_in_dim3A_95 = vector.shape_cast %reduce_sum3A_94 : vector<128xf32> to vector<1x128xf32>
    %add3A_96 = arith.addf %get3A_90, %broadcast_in_dim3A_95 : vector<1x128xf32>
    %swap3A_97 = arith.constant 2 : index
    %swap3A_98 = arith.constant 0 : index
    %swap3A_99 = vector.load %arg7[%swap3A_97, %swap3A_98] : memref<16x128xf32, #tpu.memory_space<vmem>>, vector<1x128xf32>
    tpu.vector_store %arg7[%swap3A_97, %swap3A_98], %add3A_96 {strides = array<i32>} : memref<16x128xf32, #tpu.memory_space<vmem>>, vector<1x128xf32>,
    %eq3A_100 = arith.constant 3 : i32
    %eq3A_101 = vector.broadcast %eq3A_100 : i32 to vector<112x128xi32>
    %eq3A_102 = arith.cmpi eq, %get3A_19, %eq3A_101 : vector<112x128xi32>
    %get3A_103 = arith.constant 3 : index
    %get3A_104 = arith.constant 0 : index
    %get3A_105 = vector.load %arg6[%get3A_103, %get3A_104] : memref<16x128xf32, #tpu.memory_space<vmem>>, vector<1x128xf32>
    %jit3A_106 = arith.constant 0.000000e+00 : f32
    %broadcast_in_dim3A_107 = vector.broadcast %jit3A_106 : f32 to vector<112x128xf32>
    %select_n3A_108 = arith.select %eq3A_102, %convert_element_type3A_14, %broadcast_in_dim3A_107 : vector<112x128xi1>, vector<112x128xf32>
    %reduce_sum3A_109 = arith.constant dense<0.000000e+00> : vector<128xf32>
    %reduce_sum3A_110 = vector.multi_reduction <add>, %select_n3A_108, %reduce_sum3A_109 [0] : vector<112x128xf32> to vector<128xf32>
    %broadcast_in_dim3A_111 = vector.shape_cast %reduce_sum3A_110 : vector<128xf32> to vector<1x128xf32>
    %add3A_112 = arith.addf %get3A_105, %broadcast_in_dim3A_111 : vector<1x128xf32>
    %swap3A_113 = arith.constant 3 : index
    %swap3A_114 = arith.constant 0 : index
    %swap3A_115 = vector.load %arg6[%swap3A_113, %swap3A_114] : memref<16x128xf32, #tpu.memory_space<vmem>>, vector<1x128xf32>
    tpu.vector_store %arg6[%swap3A_113, %swap3A_114], %add3A_112 {strides = array<i32>} : memref<16x128xf32, #tpu.memory_space<vmem>>, vector<1x128xf32>,
    %get3A_116 = arith.constant 3 : index
    %get3A_117 = arith.constant 0 : index
    %get3A_118 = vector.load %arg7[%get3A_116, %get3A_117] : memref<16x128xf32, #tpu.memory_space<vmem>>, vector<1x128xf32>
    %convert_element_type3A_119 = arith.extui %eq3A_102 : vector<112x128xi1> to vector<112x128xi32>
    %convert_element_type3A_120 = arith.sitofp %convert_element_type3A_119 : vector<112x128xi32> to vector<112x128xf32>
    %reduce_sum3A_121 = arith.constant dense<0.000000e+00> : vector<128xf32>
    %reduce_sum3A_122 = vector.multi_reduction <add>, %convert_element_type3A_120, %reduce_sum3A_121 [0] : vector<112x128xf32> to vector<128xf32>
    %broadcast_in_dim3A_123 = vector.shape_cast %reduce_sum3A_122 : vector<128xf32> to vector<1x128xf32>
    %add3A_124 = arith.addf %get3A_118, %broadcast_in_dim3A_123 : vector<1x128xf32>
    %swap3A_125 = arith.constant 3 : index
    %swap3A_126 = arith.constant 0 : index
    %swap3A_127 = vector.load %arg7[%swap3A_125, %swap3A_126] : memref<16x128xf32, #tpu.memory_space<vmem>>, vector<1x128xf32>
    tpu.vector_store %arg7[%swap3A_125, %swap3A_126], %add3A_124 {strides = array<i32>} : memref<16x128xf32, #tpu.memory_space<vmem>>, vector<1x128xf32>,
    %eq3A_128 = arith.constant 4 : i32
    %eq3A_129 = vector.broadcast %eq3A_128 : i32 to vector<112x128xi32>
    %eq3A_130 = arith.cmpi eq, %get3A_19, %eq3A_129 : vector<112x128xi32>
    %get3A_131 = arith.constant 4 : index
    %get3A_132 = arith.constant 0 : index
    %get3A_133 = vector.load %arg6[%get3A_131, %get3A_132] : memref<16x128xf32, #tpu.memory_space<vmem>>, vector<1x128xf32>
    %jit3A_134 = arith.constant 0.000000e+00 : f32
    %broadcast_in_dim3A_135 = vector.broadcast %jit3A_134 : f32 to vector<112x128xf32>
    %select_n3A_136 = arith.select %eq3A_130, %convert_element_type3A_14, %broadcast_in_dim3A_135 : vector<112x128xi1>, vector<112x128xf32>
    %reduce_sum3A_137 = arith.constant dense<0.000000e+00> : vector<128xf32>
    %reduce_sum3A_138 = vector.multi_reduction <add>, %select_n3A_136, %reduce_sum3A_137 [0] : vector<112x128xf32> to vector<128xf32>
    %broadcast_in_dim3A_139 = vector.shape_cast %reduce_sum3A_138 : vector<128xf32> to vector<1x128xf32>
    %add3A_140 = arith.addf %get3A_133, %broadcast_in_dim3A_139 : vector<1x128xf32>
    %swap3A_141 = arith.constant 4 : index
    %swap3A_142 = arith.constant 0 : index
    %swap3A_143 = vector.load %arg6[%swap3A_141, %swap3A_142] : memref<16x128xf32, #tpu.memory_space<vmem>>, vector<1x128xf32>
    tpu.vector_store %arg6[%swap3A_141, %swap3A_142], %add3A_140 {strides = array<i32>} : memref<16x128xf32, #tpu.memory_space<vmem>>, vector<1x128xf32>,
    %get3A_144 = arith.constant 4 : index
    %get3A_145 = arith.constant 0 : index
    %get3A_146 = vector.load %arg7[%get3A_144, %get3A_145] : memref<16x128xf32, #tpu.memory_space<vmem>>, vector<1x128xf32>
    %convert_element_type3A_147 = arith.extui %eq3A_130 : vector<112x128xi1> to vector<112x128xi32>
    %convert_element_type3A_148 = arith.sitofp %convert_element_type3A_147 : vector<112x128xi32> to vector<112x128xf32>
    %reduce_sum3A_149 = arith.constant dense<0.000000e+00> : vector<128xf32>
    %reduce_sum3A_150 = vector.multi_reduction <add>, %convert_element_type3A_148, %reduce_sum3A_149 [0] : vector<112x128xf32> to vector<128xf32>
    %broadcast_in_dim3A_151 = vector.shape_cast %reduce_sum3A_150 : vector<128xf32> to vector<1x128xf32>
    %add3A_152 = arith.addf %get3A_146, %broadcast_in_dim3A_151 : vector<1x128xf32>
    %swap3A_153 = arith.constant 4 : index
    %swap3A_154 = arith.constant 0 : index
    %swap3A_155 = vector.load %arg7[%swap3A_153, %swap3A_154] : memref<16x128xf32, #tpu.memory_space<vmem>>, vector<1x128xf32>
    tpu.vector_store %arg7[%swap3A_153, %swap3A_154], %add3A_152 {strides = array<i32>} : memref<16x128xf32, #tpu.memory_space<vmem>>, vector<1x128xf32>,
    %eq3A_156 = arith.constant 5 : i32
    %eq3A_157 = vector.broadcast %eq3A_156 : i32 to vector<112x128xi32>
    %eq3A_158 = arith.cmpi eq, %get3A_19, %eq3A_157 : vector<112x128xi32>
    %get3A_159 = arith.constant 5 : index
    %get3A_160 = arith.constant 0 : index
    %get3A_161 = vector.load %arg6[%get3A_159, %get3A_160] : memref<16x128xf32, #tpu.memory_space<vmem>>, vector<1x128xf32>
    %jit3A_162 = arith.constant 0.000000e+00 : f32
    %broadcast_in_dim3A_163 = vector.broadcast %jit3A_162 : f32 to vector<112x128xf32>
    %select_n3A_164 = arith.select %eq3A_158, %convert_element_type3A_14, %broadcast_in_dim3A_163 : vector<112x128xi1>, vector<112x128xf32>
    %reduce_sum3A_165 = arith.constant dense<0.000000e+00> : vector<128xf32>
    %reduce_sum3A_166 = vector.multi_reduction <add>, %select_n3A_164, %reduce_sum3A_165 [0] : vector<112x128xf32> to vector<128xf32>
    %broadcast_in_dim3A_167 = vector.shape_cast %reduce_sum3A_166 : vector<128xf32> to vector<1x128xf32>
    %add3A_168 = arith.addf %get3A_161, %broadcast_in_dim3A_167 : vector<1x128xf32>
    %swap3A_169 = arith.constant 5 : index
    %swap3A_170 = arith.constant 0 : index
    %swap3A_171 = vector.load %arg6[%swap3A_169, %swap3A_170] : memref<16x128xf32, #tpu.memory_space<vmem>>, vector<1x128xf32>
    tpu.vector_store %arg6[%swap3A_169, %swap3A_170], %add3A_168 {strides = array<i32>} : memref<16x128xf32, #tpu.memory_space<vmem>>, vector<1x128xf32>,
    %get3A_172 = arith.constant 5 : index
    %get3A_173 = arith.constant 0 : index
    %get3A_174 = vector.load %arg7[%get3A_172, %get3A_173] : memref<16x128xf32, #tpu.memory_space<vmem>>, vector<1x128xf32>
    %convert_element_type3A_175 = arith.extui %eq3A_158 : vector<112x128xi1> to vector<112x128xi32>
    %convert_element_type3A_176 = arith.sitofp %convert_element_type3A_175 : vector<112x128xi32> to vector<112x128xf32>
    %reduce_sum3A_177 = arith.constant dense<0.000000e+00> : vector<128xf32>
    %reduce_sum3A_178 = vector.multi_reduction <add>, %convert_element_type3A_176, %reduce_sum3A_177 [0] : vector<112x128xf32> to vector<128xf32>
    %broadcast_in_dim3A_179 = vector.shape_cast %reduce_sum3A_178 : vector<128xf32> to vector<1x128xf32>
    %add3A_180 = arith.addf %get3A_174, %broadcast_in_dim3A_179 : vector<1x128xf32>
    %swap3A_181 = arith.constant 5 : index
    %swap3A_182 = arith.constant 0 : index
    %swap3A_183 = vector.load %arg7[%swap3A_181, %swap3A_182] : memref<16x128xf32, #tpu.memory_space<vmem>>, vector<1x128xf32>
    tpu.vector_store %arg7[%swap3A_181, %swap3A_182], %add3A_180 {strides = array<i32>} : memref<16x128xf32, #tpu.memory_space<vmem>>, vector<1x128xf32>,
    %eq3A_184 = arith.constant 6 : i32
    %eq3A_185 = vector.broadcast %eq3A_184 : i32 to vector<112x128xi32>
    %eq3A_186 = arith.cmpi eq, %get3A_19, %eq3A_185 : vector<112x128xi32>
    %get3A_187 = arith.constant 6 : index
    %get3A_188 = arith.constant 0 : index
    %get3A_189 = vector.load %arg6[%get3A_187, %get3A_188] : memref<16x128xf32, #tpu.memory_space<vmem>>, vector<1x128xf32>
    %jit3A_190 = arith.constant 0.000000e+00 : f32
    %broadcast_in_dim3A_191 = vector.broadcast %jit3A_190 : f32 to vector<112x128xf32>
    %select_n3A_192 = arith.select %eq3A_186, %convert_element_type3A_14, %broadcast_in_dim3A_191 : vector<112x128xi1>, vector<112x128xf32>
    %reduce_sum3A_193 = arith.constant dense<0.000000e+00> : vector<128xf32>
    %reduce_sum3A_194 = vector.multi_reduction <add>, %select_n3A_192, %reduce_sum3A_193 [0] : vector<112x128xf32> to vector<128xf32>
    %broadcast_in_dim3A_195 = vector.shape_cast %reduce_sum3A_194 : vector<128xf32> to vector<1x128xf32>
    %add3A_196 = arith.addf %get3A_189, %broadcast_in_dim3A_195 : vector<1x128xf32>
    %swap3A_197 = arith.constant 6 : index
    %swap3A_198 = arith.constant 0 : index
    %swap3A_199 = vector.load %arg6[%swap3A_197, %swap3A_198] : memref<16x128xf32, #tpu.memory_space<vmem>>, vector<1x128xf32>
    tpu.vector_store %arg6[%swap3A_197, %swap3A_198], %add3A_196 {strides = array<i32>} : memref<16x128xf32, #tpu.memory_space<vmem>>, vector<1x128xf32>,
    %get3A_200 = arith.constant 6 : index
    %get3A_201 = arith.constant 0 : index
    %get3A_202 = vector.load %arg7[%get3A_200, %get3A_201] : memref<16x128xf32, #tpu.memory_space<vmem>>, vector<1x128xf32>
    %convert_element_type3A_203 = arith.extui %eq3A_186 : vector<112x128xi1> to vector<112x128xi32>
    %convert_element_type3A_204 = arith.sitofp %convert_element_type3A_203 : vector<112x128xi32> to vector<112x128xf32>
    %reduce_sum3A_205 = arith.constant dense<0.000000e+00> : vector<128xf32>
    %reduce_sum3A_206 = vector.multi_reduction <add>, %convert_element_type3A_204, %reduce_sum3A_205 [0] : vector<112x128xf32> to vector<128xf32>
    %broadcast_in_dim3A_207 = vector.shape_cast %reduce_sum3A_206 : vector<128xf32> to vector<1x128xf32>
    %add3A_208 = arith.addf %get3A_202, %broadcast_in_dim3A_207 : vector<1x128xf32>
    %swap3A_209 = arith.constant 6 : index
    %swap3A_210 = arith.constant 0 : index
    %swap3A_211 = vector.load %arg7[%swap3A_209, %swap3A_210] : memref<16x128xf32, #tpu.memory_space<vmem>>, vector<1x128xf32>
    tpu.vector_store %arg7[%swap3A_209, %swap3A_210], %add3A_208 {strides = array<i32>} : memref<16x128xf32, #tpu.memory_space<vmem>>, vector<1x128xf32>,
    %eq3A_212 = arith.constant 7 : i32
    %eq3A_213 = vector.broadcast %eq3A_212 : i32 to vector<112x128xi32>
    %eq3A_214 = arith.cmpi eq, %get3A_19, %eq3A_213 : vector<112x128xi32>
    %get3A_215 = arith.constant 7 : index
    %get3A_216 = arith.constant 0 : index
    %get3A_217 = vector.load %arg6[%get3A_215, %get3A_216] : memref<16x128xf32, #tpu.memory_space<vmem>>, vector<1x128xf32>
    %jit3A_218 = arith.constant 0.000000e+00 : f32
    %broadcast_in_dim3A_219 = vector.broadcast %jit3A_218 : f32 to vector<112x128xf32>
    %select_n3A_220 = arith.select %eq3A_214, %convert_element_type3A_14, %broadcast_in_dim3A_219 : vector<112x128xi1>, vector<112x128xf32>
    %reduce_sum3A_221 = arith.constant dense<0.000000e+00> : vector<128xf32>
    %reduce_sum3A_222 = vector.multi_reduction <add>, %select_n3A_220, %reduce_sum3A_221 [0] : vector<112x128xf32> to vector<128xf32>
    %broadcast_in_dim3A_223 = vector.shape_cast %reduce_sum3A_222 : vector<128xf32> to vector<1x128xf32>
    %add3A_224 = arith.addf %get3A_217, %broadcast_in_dim3A_223 : vector<1x128xf32>
    %swap3A_225 = arith.constant 7 : index
    %swap3A_226 = arith.constant 0 : index
    %swap3A_227 = vector.load %arg6[%swap3A_225, %swap3A_226] : memref<16x128xf32, #tpu.memory_space<vmem>>, vector<1x128xf32>
    tpu.vector_store %arg6[%swap3A_225, %swap3A_226], %add3A_224 {strides = array<i32>} : memref<16x128xf32, #tpu.memory_space<vmem>>, vector<1x128xf32>,
    %get3A_228 = arith.constant 7 : index
    %get3A_229 = arith.constant 0 : index
    %get3A_230 = vector.load %arg7[%get3A_228, %get3A_229] : memref<16x128xf32, #tpu.memory_space<vmem>>, vector<1x128xf32>
    %convert_element_type3A_231 = arith.extui %eq3A_214 : vector<112x128xi1> to vector<112x128xi32>
    %convert_element_type3A_232 = arith.sitofp %convert_element_type3A_231 : vector<112x128xi32> to vector<112x128xf32>
    %reduce_sum3A_233 = arith.constant dense<0.000000e+00> : vector<128xf32>
    %reduce_sum3A_234 = vector.multi_reduction <add>, %convert_element_type3A_232, %reduce_sum3A_233 [0] : vector<112x128xf32> to vector<128xf32>
    %broadcast_in_dim3A_235 = vector.shape_cast %reduce_sum3A_234 : vector<128xf32> to vector<1x128xf32>
    %add3A_236 = arith.addf %get3A_230, %broadcast_in_dim3A_235 : vector<1x128xf32>
    %swap3A_237 = arith.constant 7 : index
    %swap3A_238 = arith.constant 0 : index
    %swap3A_239 = vector.load %arg7[%swap3A_237, %swap3A_238] : memref<16x128xf32, #tpu.memory_space<vmem>>, vector<1x128xf32>
    tpu.vector_store %arg7[%swap3A_237, %swap3A_238], %add3A_236 {strides = array<i32>} : memref<16x128xf32, #tpu.memory_space<vmem>>, vector<1x128xf32>,
    %eq3A_240 = arith.constant 8 : i32
    %eq3A_241 = vector.broadcast %eq3A_240 : i32 to vector<112x128xi32>
    %eq3A_242 = arith.cmpi eq, %get3A_19, %eq3A_241 : vector<112x128xi32>
    %get3A_243 = arith.constant 8 : index
    %get3A_244 = arith.constant 0 : index
    %get3A_245 = vector.load %arg6[%get3A_243, %get3A_244] : memref<16x128xf32, #tpu.memory_space<vmem>>, vector<1x128xf32>
    %jit3A_246 = arith.constant 0.000000e+00 : f32
    %broadcast_in_dim3A_247 = vector.broadcast %jit3A_246 : f32 to vector<112x128xf32>
    %select_n3A_248 = arith.select %eq3A_242, %convert_element_type3A_14, %broadcast_in_dim3A_247 : vector<112x128xi1>, vector<112x128xf32>
    %reduce_sum3A_249 = arith.constant dense<0.000000e+00> : vector<128xf32>
    %reduce_sum3A_250 = vector.multi_reduction <add>, %select_n3A_248, %reduce_sum3A_249 [0] : vector<112x128xf32> to vector<128xf32>
    %broadcast_in_dim3A_251 = vector.shape_cast %reduce_sum3A_250 : vector<128xf32> to vector<1x128xf32>
    %add3A_252 = arith.addf %get3A_245, %broadcast_in_dim3A_251 : vector<1x128xf32>
    %swap3A_253 = arith.constant 8 : index
    %swap3A_254 = arith.constant 0 : index
    %swap3A_255 = vector.load %arg6[%swap3A_253, %swap3A_254] : memref<16x128xf32, #tpu.memory_space<vmem>>, vector<1x128xf32>
    tpu.vector_store %arg6[%swap3A_253, %swap3A_254], %add3A_252 {strides = array<i32>} : memref<16x128xf32, #tpu.memory_space<vmem>>, vector<1x128xf32>,
    %get3A_256 = arith.constant 8 : index
    %get3A_257 = arith.constant 0 : index
    %get3A_258 = vector.load %arg7[%get3A_256, %get3A_257] : memref<16x128xf32, #tpu.memory_space<vmem>>, vector<1x128xf32>
    %convert_element_type3A_259 = arith.extui %eq3A_242 : vector<112x128xi1> to vector<112x128xi32>
    %convert_element_type3A_260 = arith.sitofp %convert_element_type3A_259 : vector<112x128xi32> to vector<112x128xf32>
    %reduce_sum3A_261 = arith.constant dense<0.000000e+00> : vector<128xf32>
    %reduce_sum3A_262 = vector.multi_reduction <add>, %convert_element_type3A_260, %reduce_sum3A_261 [0] : vector<112x128xf32> to vector<128xf32>
    %broadcast_in_dim3A_263 = vector.shape_cast %reduce_sum3A_262 : vector<128xf32> to vector<1x128xf32>
    %add3A_264 = arith.addf %get3A_258, %broadcast_in_dim3A_263 : vector<1x128xf32>
    %swap3A_265 = arith.constant 8 : index
    %swap3A_266 = arith.constant 0 : index
    %swap3A_267 = vector.load %arg7[%swap3A_265, %swap3A_266] : memref<16x128xf32, #tpu.memory_space<vmem>>, vector<1x128xf32>
    tpu.vector_store %arg7[%swap3A_265, %swap3A_266], %add3A_264 {strides = array<i32>} : memref<16x128xf32, #tpu.memory_space<vmem>>, vector<1x128xf32>,
    %eq3A_268 = arith.constant 9 : i32
    %eq3A_269 = vector.broadcast %eq3A_268 : i32 to vector<112x128xi32>
    %eq3A_270 = arith.cmpi eq, %get3A_19, %eq3A_269 : vector<112x128xi32>
    %get3A_271 = arith.constant 9 : index
    %get3A_272 = arith.constant 0 : index
    %get3A_273 = vector.load %arg6[%get3A_271, %get3A_272] : memref<16x128xf32, #tpu.memory_space<vmem>>, vector<1x128xf32>
    %jit3A_274 = arith.constant 0.000000e+00 : f32
    %broadcast_in_dim3A_275 = vector.broadcast %jit3A_274 : f32 to vector<112x128xf32>
    %select_n3A_276 = arith.select %eq3A_270, %convert_element_type3A_14, %broadcast_in_dim3A_275 : vector<112x128xi1>, vector<112x128xf32>
    %reduce_sum3A_277 = arith.constant dense<0.000000e+00> : vector<128xf32>
    %reduce_sum3A_278 = vector.multi_reduction <add>, %select_n3A_276, %reduce_sum3A_277 [0] : vector<112x128xf32> to vector<128xf32>
    %broadcast_in_dim3A_279 = vector.shape_cast %reduce_sum3A_278 : vector<128xf32> to vector<1x128xf32>
    %add3A_280 = arith.addf %get3A_273, %broadcast_in_dim3A_279 : vector<1x128xf32>
    %swap3A_281 = arith.constant 9 : index
    %swap3A_282 = arith.constant 0 : index
    %swap3A_283 = vector.load %arg6[%swap3A_281, %swap3A_282] : memref<16x128xf32, #tpu.memory_space<vmem>>, vector<1x128xf32>
    tpu.vector_store %arg6[%swap3A_281, %swap3A_282], %add3A_280 {strides = array<i32>} : memref<16x128xf32, #tpu.memory_space<vmem>>, vector<1x128xf32>,
    %get3A_284 = arith.constant 9 : index
    %get3A_285 = arith.constant 0 : index
    %get3A_286 = vector.load %arg7[%get3A_284, %get3A_285] : memref<16x128xf32, #tpu.memory_space<vmem>>, vector<1x128xf32>
    %convert_element_type3A_287 = arith.extui %eq3A_270 : vector<112x128xi1> to vector<112x128xi32>
    %convert_element_type3A_288 = arith.sitofp %convert_element_type3A_287 : vector<112x128xi32> to vector<112x128xf32>
    %reduce_sum3A_289 = arith.constant dense<0.000000e+00> : vector<128xf32>
    %reduce_sum3A_290 = vector.multi_reduction <add>, %convert_element_type3A_288, %reduce_sum3A_289 [0] : vector<112x128xf32> to vector<128xf32>
    %broadcast_in_dim3A_291 = vector.shape_cast %reduce_sum3A_290 : vector<128xf32> to vector<1x128xf32>
    %add3A_292 = arith.addf %get3A_286, %broadcast_in_dim3A_291 : vector<1x128xf32>
    %swap3A_293 = arith.constant 9 : index
    %swap3A_294 = arith.constant 0 : index
    %swap3A_295 = vector.load %arg7[%swap3A_293, %swap3A_294] : memref<16x128xf32, #tpu.memory_space<vmem>>, vector<1x128xf32>
    tpu.vector_store %arg7[%swap3A_293, %swap3A_294], %add3A_292 {strides = array<i32>} : memref<16x128xf32, #tpu.memory_space<vmem>>, vector<1x128xf32>,
    %eq3A_296 = arith.constant 10 : i32
    %eq3A_297 = vector.broadcast %eq3A_296 : i32 to vector<112x128xi32>
    %eq3A_298 = arith.cmpi eq, %get3A_19, %eq3A_297 : vector<112x128xi32>
    %get3A_299 = arith.constant 10 : index
    %get3A_300 = arith.constant 0 : index
    %get3A_301 = vector.load %arg6[%get3A_299, %get3A_300] : memref<16x128xf32, #tpu.memory_space<vmem>>, vector<1x128xf32>
    %jit3A_302 = arith.constant 0.000000e+00 : f32
    %broadcast_in_dim3A_303 = vector.broadcast %jit3A_302 : f32 to vector<112x128xf32>
    %select_n3A_304 = arith.select %eq3A_298, %convert_element_type3A_14, %broadcast_in_dim3A_303 : vector<112x128xi1>, vector<112x128xf32>
    %reduce_sum3A_305 = arith.constant dense<0.000000e+00> : vector<128xf32>
    %reduce_sum3A_306 = vector.multi_reduction <add>, %select_n3A_304, %reduce_sum3A_305 [0] : vector<112x128xf32> to vector<128xf32>
    %broadcast_in_dim3A_307 = vector.shape_cast %reduce_sum3A_306 : vector<128xf32> to vector<1x128xf32>
    %add3A_308 = arith.addf %get3A_301, %broadcast_in_dim3A_307 : vector<1x128xf32>
    %swap3A_309 = arith.constant 10 : index
    %swap3A_310 = arith.constant 0 : index
    %swap3A_311 = vector.load %arg6[%swap3A_309, %swap3A_310] : memref<16x128xf32, #tpu.memory_space<vmem>>, vector<1x128xf32>
    tpu.vector_store %arg6[%swap3A_309, %swap3A_310], %add3A_308 {strides = array<i32>} : memref<16x128xf32, #tpu.memory_space<vmem>>, vector<1x128xf32>,
    %get3A_312 = arith.constant 10 : index
    %get3A_313 = arith.constant 0 : index
    %get3A_314 = vector.load %arg7[%get3A_312, %get3A_313] : memref<16x128xf32, #tpu.memory_space<vmem>>, vector<1x128xf32>
    %convert_element_type3A_315 = arith.extui %eq3A_298 : vector<112x128xi1> to vector<112x128xi32>
    %convert_element_type3A_316 = arith.sitofp %convert_element_type3A_315 : vector<112x128xi32> to vector<112x128xf32>
    %reduce_sum3A_317 = arith.constant dense<0.000000e+00> : vector<128xf32>
    %reduce_sum3A_318 = vector.multi_reduction <add>, %convert_element_type3A_316, %reduce_sum3A_317 [0] : vector<112x128xf32> to vector<128xf32>
    %broadcast_in_dim3A_319 = vector.shape_cast %reduce_sum3A_318 : vector<128xf32> to vector<1x128xf32>
    %add3A_320 = arith.addf %get3A_314, %broadcast_in_dim3A_319 : vector<1x128xf32>
    %swap3A_321 = arith.constant 10 : index
    %swap3A_322 = arith.constant 0 : index
    %swap3A_323 = vector.load %arg7[%swap3A_321, %swap3A_322] : memref<16x128xf32, #tpu.memory_space<vmem>>, vector<1x128xf32>
    tpu.vector_store %arg7[%swap3A_321, %swap3A_322], %add3A_320 {strides = array<i32>} : memref<16x128xf32, #tpu.memory_space<vmem>>, vector<1x128xf32>,
    %eq3A_324 = arith.constant 11 : i32
    %eq3A_325 = vector.broadcast %eq3A_324 : i32 to vector<112x128xi32>
    %eq3A_326 = arith.cmpi eq, %get3A_19, %eq3A_325 : vector<112x128xi32>
    %get3A_327 = arith.constant 11 : index
    %get3A_328 = arith.constant 0 : index
    %get3A_329 = vector.load %arg6[%get3A_327, %get3A_328] : memref<16x128xf32, #tpu.memory_space<vmem>>, vector<1x128xf32>
    %jit3A_330 = arith.constant 0.000000e+00 : f32
    %broadcast_in_dim3A_331 = vector.broadcast %jit3A_330 : f32 to vector<112x128xf32>
    %select_n3A_332 = arith.select %eq3A_326, %convert_element_type3A_14, %broadcast_in_dim3A_331 : vector<112x128xi1>, vector<112x128xf32>
    %reduce_sum3A_333 = arith.constant dense<0.000000e+00> : vector<128xf32>
    %reduce_sum3A_334 = vector.multi_reduction <add>, %select_n3A_332, %reduce_sum3A_333 [0] : vector<112x128xf32> to vector<128xf32>
    %broadcast_in_dim3A_335 = vector.shape_cast %reduce_sum3A_334 : vector<128xf32> to vector<1x128xf32>
    %add3A_336 = arith.addf %get3A_329, %broadcast_in_dim3A_335 : vector<1x128xf32>
    %swap3A_337 = arith.constant 11 : index
    %swap3A_338 = arith.constant 0 : index
    %swap3A_339 = vector.load %arg6[%swap3A_337, %swap3A_338] : memref<16x128xf32, #tpu.memory_space<vmem>>, vector<1x128xf32>
    tpu.vector_store %arg6[%swap3A_337, %swap3A_338], %add3A_336 {strides = array<i32>} : memref<16x128xf32, #tpu.memory_space<vmem>>, vector<1x128xf32>,
    %get3A_340 = arith.constant 11 : index
    %get3A_341 = arith.constant 0 : index
    %get3A_342 = vector.load %arg7[%get3A_340, %get3A_341] : memref<16x128xf32, #tpu.memory_space<vmem>>, vector<1x128xf32>
    %convert_element_type3A_343 = arith.extui %eq3A_326 : vector<112x128xi1> to vector<112x128xi32>
    %convert_element_type3A_344 = arith.sitofp %convert_element_type3A_343 : vector<112x128xi32> to vector<112x128xf32>
    %reduce_sum3A_345 = arith.constant dense<0.000000e+00> : vector<128xf32>
    %reduce_sum3A_346 = vector.multi_reduction <add>, %convert_element_type3A_344, %reduce_sum3A_345 [0] : vector<112x128xf32> to vector<128xf32>
    %broadcast_in_dim3A_347 = vector.shape_cast %reduce_sum3A_346 : vector<128xf32> to vector<1x128xf32>
    %add3A_348 = arith.addf %get3A_342, %broadcast_in_dim3A_347 : vector<1x128xf32>
    %swap3A_349 = arith.constant 11 : index
    %swap3A_350 = arith.constant 0 : index
    %swap3A_351 = vector.load %arg7[%swap3A_349, %swap3A_350] : memref<16x128xf32, #tpu.memory_space<vmem>>, vector<1x128xf32>
    tpu.vector_store %arg7[%swap3A_349, %swap3A_350], %add3A_348 {strides = array<i32>} : memref<16x128xf32, #tpu.memory_space<vmem>>, vector<1x128xf32>,
    %eq3A_352 = arith.constant 12 : i32
    %eq3A_353 = vector.broadcast %eq3A_352 : i32 to vector<112x128xi32>
    %eq3A_354 = arith.cmpi eq, %get3A_19, %eq3A_353 : vector<112x128xi32>
    %get3A_355 = arith.constant 12 : index
    %get3A_356 = arith.constant 0 : index
    %get3A_357 = vector.load %arg6[%get3A_355, %get3A_356] : memref<16x128xf32, #tpu.memory_space<vmem>>, vector<1x128xf32>
    %jit3A_358 = arith.constant 0.000000e+00 : f32
    %broadcast_in_dim3A_359 = vector.broadcast %jit3A_358 : f32 to vector<112x128xf32>
    %select_n3A_360 = arith.select %eq3A_354, %convert_element_type3A_14, %broadcast_in_dim3A_359 : vector<112x128xi1>, vector<112x128xf32>
    %reduce_sum3A_361 = arith.constant dense<0.000000e+00> : vector<128xf32>
    %reduce_sum3A_362 = vector.multi_reduction <add>, %select_n3A_360, %reduce_sum3A_361 [0] : vector<112x128xf32> to vector<128xf32>
    %broadcast_in_dim3A_363 = vector.shape_cast %reduce_sum3A_362 : vector<128xf32> to vector<1x128xf32>
    %add3A_364 = arith.addf %get3A_357, %broadcast_in_dim3A_363 : vector<1x128xf32>
    %swap3A_365 = arith.constant 12 : index
    %swap3A_366 = arith.constant 0 : index
    %swap3A_367 = vector.load %arg6[%swap3A_365, %swap3A_366] : memref<16x128xf32, #tpu.memory_space<vmem>>, vector<1x128xf32>
    tpu.vector_store %arg6[%swap3A_365, %swap3A_366], %add3A_364 {strides = array<i32>} : memref<16x128xf32, #tpu.memory_space<vmem>>, vector<1x128xf32>,
    %get3A_368 = arith.constant 12 : index
    %get3A_369 = arith.constant 0 : index
    %get3A_370 = vector.load %arg7[%get3A_368, %get3A_369] : memref<16x128xf32, #tpu.memory_space<vmem>>, vector<1x128xf32>
    %convert_element_type3A_371 = arith.extui %eq3A_354 : vector<112x128xi1> to vector<112x128xi32>
    %convert_element_type3A_372 = arith.sitofp %convert_element_type3A_371 : vector<112x128xi32> to vector<112x128xf32>
    %reduce_sum3A_373 = arith.constant dense<0.000000e+00> : vector<128xf32>
    %reduce_sum3A_374 = vector.multi_reduction <add>, %convert_element_type3A_372, %reduce_sum3A_373 [0] : vector<112x128xf32> to vector<128xf32>
    %broadcast_in_dim3A_375 = vector.shape_cast %reduce_sum3A_374 : vector<128xf32> to vector<1x128xf32>
    %add3A_376 = arith.addf %get3A_370, %broadcast_in_dim3A_375 : vector<1x128xf32>
    %swap3A_377 = arith.constant 12 : index
    %swap3A_378 = arith.constant 0 : index
    %swap3A_379 = vector.load %arg7[%swap3A_377, %swap3A_378] : memref<16x128xf32, #tpu.memory_space<vmem>>, vector<1x128xf32>
    tpu.vector_store %arg7[%swap3A_377, %swap3A_378], %add3A_376 {strides = array<i32>} : memref<16x128xf32, #tpu.memory_space<vmem>>, vector<1x128xf32>,
    %eq3A_380 = arith.constant 13 : i32
    %eq3A_381 = vector.broadcast %eq3A_380 : i32 to vector<112x128xi32>
    %eq3A_382 = arith.cmpi eq, %get3A_19, %eq3A_381 : vector<112x128xi32>
    %get3A_383 = arith.constant 13 : index
    %get3A_384 = arith.constant 0 : index
    %get3A_385 = vector.load %arg6[%get3A_383, %get3A_384] : memref<16x128xf32, #tpu.memory_space<vmem>>, vector<1x128xf32>
    %jit3A_386 = arith.constant 0.000000e+00 : f32
    %broadcast_in_dim3A_387 = vector.broadcast %jit3A_386 : f32 to vector<112x128xf32>
    %select_n3A_388 = arith.select %eq3A_382, %convert_element_type3A_14, %broadcast_in_dim3A_387 : vector<112x128xi1>, vector<112x128xf32>
    %reduce_sum3A_389 = arith.constant dense<0.000000e+00> : vector<128xf32>
    %reduce_sum3A_390 = vector.multi_reduction <add>, %select_n3A_388, %reduce_sum3A_389 [0] : vector<112x128xf32> to vector<128xf32>
    %broadcast_in_dim3A_391 = vector.shape_cast %reduce_sum3A_390 : vector<128xf32> to vector<1x128xf32>
    %add3A_392 = arith.addf %get3A_385, %broadcast_in_dim3A_391 : vector<1x128xf32>
    %swap3A_393 = arith.constant 13 : index
    %swap3A_394 = arith.constant 0 : index
    %swap3A_395 = vector.load %arg6[%swap3A_393, %swap3A_394] : memref<16x128xf32, #tpu.memory_space<vmem>>, vector<1x128xf32>
    tpu.vector_store %arg6[%swap3A_393, %swap3A_394], %add3A_392 {strides = array<i32>} : memref<16x128xf32, #tpu.memory_space<vmem>>, vector<1x128xf32>,
    %get3A_396 = arith.constant 13 : index
    %get3A_397 = arith.constant 0 : index
    %get3A_398 = vector.load %arg7[%get3A_396, %get3A_397] : memref<16x128xf32, #tpu.memory_space<vmem>>, vector<1x128xf32>
    %convert_element_type3A_399 = arith.extui %eq3A_382 : vector<112x128xi1> to vector<112x128xi32>
    %convert_element_type3A_400 = arith.sitofp %convert_element_type3A_399 : vector<112x128xi32> to vector<112x128xf32>
    %reduce_sum3A_401 = arith.constant dense<0.000000e+00> : vector<128xf32>
    %reduce_sum3A_402 = vector.multi_reduction <add>, %convert_element_type3A_400, %reduce_sum3A_401 [0] : vector<112x128xf32> to vector<128xf32>
    %broadcast_in_dim3A_403 = vector.shape_cast %reduce_sum3A_402 : vector<128xf32> to vector<1x128xf32>
    %add3A_404 = arith.addf %get3A_398, %broadcast_in_dim3A_403 : vector<1x128xf32>
    %swap3A_405 = arith.constant 13 : index
    %swap3A_406 = arith.constant 0 : index
    %swap3A_407 = vector.load %arg7[%swap3A_405, %swap3A_406] : memref<16x128xf32, #tpu.memory_space<vmem>>, vector<1x128xf32>
    tpu.vector_store %arg7[%swap3A_405, %swap3A_406], %add3A_404 {strides = array<i32>} : memref<16x128xf32, #tpu.memory_space<vmem>>, vector<1x128xf32>,
    %eq3A_408 = arith.constant 14 : i32
    %eq3A_409 = vector.broadcast %eq3A_408 : i32 to vector<112x128xi32>
    %eq3A_410 = arith.cmpi eq, %get3A_19, %eq3A_409 : vector<112x128xi32>
    %get3A_411 = arith.constant 14 : index
    %get3A_412 = arith.constant 0 : index
    %get3A_413 = vector.load %arg6[%get3A_411, %get3A_412] : memref<16x128xf32, #tpu.memory_space<vmem>>, vector<1x128xf32>
    %jit3A_414 = arith.constant 0.000000e+00 : f32
    %broadcast_in_dim3A_415 = vector.broadcast %jit3A_414 : f32 to vector<112x128xf32>
    %select_n3A_416 = arith.select %eq3A_410, %convert_element_type3A_14, %broadcast_in_dim3A_415 : vector<112x128xi1>, vector<112x128xf32>
    %reduce_sum3A_417 = arith.constant dense<0.000000e+00> : vector<128xf32>
    %reduce_sum3A_418 = vector.multi_reduction <add>, %select_n3A_416, %reduce_sum3A_417 [0] : vector<112x128xf32> to vector<128xf32>
    %broadcast_in_dim3A_419 = vector.shape_cast %reduce_sum3A_418 : vector<128xf32> to vector<1x128xf32>
    %add3A_420 = arith.addf %get3A_413, %broadcast_in_dim3A_419 : vector<1x128xf32>
    %swap3A_421 = arith.constant 14 : index
    %swap3A_422 = arith.constant 0 : index
    %swap3A_423 = vector.load %arg6[%swap3A_421, %swap3A_422] : memref<16x128xf32, #tpu.memory_space<vmem>>, vector<1x128xf32>
    tpu.vector_store %arg6[%swap3A_421, %swap3A_422], %add3A_420 {strides = array<i32>} : memref<16x128xf32, #tpu.memory_space<vmem>>, vector<1x128xf32>,
    %get3A_424 = arith.constant 14 : index
    %get3A_425 = arith.constant 0 : index
    %get3A_426 = vector.load %arg7[%get3A_424, %get3A_425] : memref<16x128xf32, #tpu.memory_space<vmem>>, vector<1x128xf32>
    %convert_element_type3A_427 = arith.extui %eq3A_410 : vector<112x128xi1> to vector<112x128xi32>
    %convert_element_type3A_428 = arith.sitofp %convert_element_type3A_427 : vector<112x128xi32> to vector<112x128xf32>
    %reduce_sum3A_429 = arith.constant dense<0.000000e+00> : vector<128xf32>
    %reduce_sum3A_430 = vector.multi_reduction <add>, %convert_element_type3A_428, %reduce_sum3A_429 [0] : vector<112x128xf32> to vector<128xf32>
    %broadcast_in_dim3A_431 = vector.shape_cast %reduce_sum3A_430 : vector<128xf32> to vector<1x128xf32>
    %add3A_432 = arith.addf %get3A_426, %broadcast_in_dim3A_431 : vector<1x128xf32>
    %swap3A_433 = arith.constant 14 : index
    %swap3A_434 = arith.constant 0 : index
    %swap3A_435 = vector.load %arg7[%swap3A_433, %swap3A_434] : memref<16x128xf32, #tpu.memory_space<vmem>>, vector<1x128xf32>
    tpu.vector_store %arg7[%swap3A_433, %swap3A_434], %add3A_432 {strides = array<i32>} : memref<16x128xf32, #tpu.memory_space<vmem>>, vector<1x128xf32>,
    %eq3A_436 = arith.constant 15 : i32
    %eq3A_437 = vector.broadcast %eq3A_436 : i32 to vector<112x128xi32>
    %eq3A_438 = arith.cmpi eq, %get3A_19, %eq3A_437 : vector<112x128xi32>
    %get3A_439 = arith.constant 15 : index
    %get3A_440 = arith.constant 0 : index
    %get3A_441 = vector.load %arg6[%get3A_439, %get3A_440] : memref<16x128xf32, #tpu.memory_space<vmem>>, vector<1x128xf32>
    %jit3A_442 = arith.constant 0.000000e+00 : f32
    %broadcast_in_dim3A_443 = vector.broadcast %jit3A_442 : f32 to vector<112x128xf32>
    %select_n3A_444 = arith.select %eq3A_438, %convert_element_type3A_14, %broadcast_in_dim3A_443 : vector<112x128xi1>, vector<112x128xf32>
    %reduce_sum3A_445 = arith.constant dense<0.000000e+00> : vector<128xf32>
    %reduce_sum3A_446 = vector.multi_reduction <add>, %select_n3A_444, %reduce_sum3A_445 [0] : vector<112x128xf32> to vector<128xf32>
    %broadcast_in_dim3A_447 = vector.shape_cast %reduce_sum3A_446 : vector<128xf32> to vector<1x128xf32>
    %add3A_448 = arith.addf %get3A_441, %broadcast_in_dim3A_447 : vector<1x128xf32>
    %swap3A_449 = arith.constant 15 : index
    %swap3A_450 = arith.constant 0 : index
    %swap3A_451 = vector.load %arg6[%swap3A_449, %swap3A_450] : memref<16x128xf32, #tpu.memory_space<vmem>>, vector<1x128xf32>
    tpu.vector_store %arg6[%swap3A_449, %swap3A_450], %add3A_448 {strides = array<i32>} : memref<16x128xf32, #tpu.memory_space<vmem>>, vector<1x128xf32>,
    %get3A_452 = arith.constant 15 : index
    %get3A_453 = arith.constant 0 : index
    %get3A_454 = vector.load %arg7[%get3A_452, %get3A_453] : memref<16x128xf32, #tpu.memory_space<vmem>>, vector<1x128xf32>
    %convert_element_type3A_455 = arith.extui %eq3A_438 : vector<112x128xi1> to vector<112x128xi32>
    %convert_element_type3A_456 = arith.sitofp %convert_element_type3A_455 : vector<112x128xi32> to vector<112x128xf32>
    %reduce_sum3A_457 = arith.constant dense<0.000000e+00> : vector<128xf32>
    %reduce_sum3A_458 = vector.multi_reduction <add>, %convert_element_type3A_456, %reduce_sum3A_457 [0] : vector<112x128xf32> to vector<128xf32>
    %broadcast_in_dim3A_459 = vector.shape_cast %reduce_sum3A_458 : vector<128xf32> to vector<1x128xf32>
    %add3A_460 = arith.addf %get3A_454, %broadcast_in_dim3A_459 : vector<1x128xf32>
    %swap3A_461 = arith.constant 15 : index
    %swap3A_462 = arith.constant 0 : index
    %swap3A_463 = vector.load %arg7[%swap3A_461, %swap3A_462] : memref<16x128xf32, #tpu.memory_space<vmem>>, vector<1x128xf32>
    tpu.vector_store %arg7[%swap3A_461, %swap3A_462], %add3A_460 {strides = array<i32>} : memref<16x128xf32, #tpu.memory_space<vmem>>, vector<1x128xf32>,
    %eq3A_464 = arith.constant 6 : i32
    %eq3A_465 = arith.cmpi eq, %arg0, %eq3A_464 : i32
    %convert_element_type3A_466 = arith.extui %eq3A_465 : i1 to i32
    %cond3A_467 = arith.constant 0 : i32
    %cond3A_468 = arith.cmpi ne, %convert_element_type3A_466, %cond3A_467 : i32
    scf.if %cond3A_468 {
      %get3A_469 = arith.constant 0 : index
      %get3A_470 = arith.constant 0 : index
      %get3A_471 = vector.load %arg6[%get3A_469, %get3A_470] : memref<16x128xf32, #tpu.memory_space<vmem>>, vector<16x128xf32>
      %reduce_sum3A_472 = arith.constant dense<0.000000e+00> : vector<16xf32>
      %reduce_sum3A_473 = vector.multi_reduction <add>, %get3A_471, %reduce_sum3A_472 [1] : vector<16x128xf32> to vector<16xf32>
      %broadcast_in_dim3A_474 = vector.shape_cast %reduce_sum3A_473 : vector<16xf32> to vector<16x1xf32>
      %get3A_475 = arith.constant 0 : index
      %get3A_476 = arith.constant 0 : index
      %get3A_477 = vector.load %arg7[%get3A_475, %get3A_476] : memref<16x128xf32, #tpu.memory_space<vmem>>, vector<16x128xf32>
      %reduce_sum3A_478 = arith.constant dense<0.000000e+00> : vector<16xf32>
      %reduce_sum3A_479 = vector.multi_reduction <add>, %get3A_477, %reduce_sum3A_478 [1] : vector<16x128xf32> to vector<16xf32>
      %broadcast_in_dim3A_480 = vector.shape_cast %reduce_sum3A_479 : vector<16xf32> to vector<16x1xf32>
      %eq3A_481 = arith.cmpf oeq, %broadcast_in_dim3A_480, %broadcast_in_dim3A_474 : vector<16x1xf32>
      %convert_element_type3A_482 = arith.extui %eq3A_481 : vector<16x1xi1> to vector<16x1xi32>
      %convert_element_type3A_483 = arith.sitofp %convert_element_type3A_482 : vector<16x1xi32> to vector<16x1xf32>
      %swap3A_484 = arith.constant 0 : index
      %swap3A_485 = arith.constant 0 : index
      %swap3A_486 = vector.load %arg4[%swap3A_484, %swap3A_485] : memref<16x1xf32, #tpu.memory_space<vmem>>, vector<16x1xf32>
      tpu.vector_store %arg4[%swap3A_484, %swap3A_485], %convert_element_type3A_483 {strides = array<i32>} : memref<16x1xf32, #tpu.memory_space<vmem>>, vector<16x1xf32>,
      %sub3A = arith.subf %broadcast_in_dim3A_480, %broadcast_in_dim3A_474 : vector<16x1xf32>
      %swap3A_487 = arith.constant 0 : index
      %swap3A_488 = arith.constant 0 : index
      %swap3A_489 = vector.load %arg5[%swap3A_487, %swap3A_488] : memref<16x1xf32, #tpu.memory_space<vmem>>, vector<16x1xf32>
      tpu.vector_store %arg5[%swap3A_487, %swap3A_488], %sub3A {strides = array<i32>} : memref<16x1xf32, #tpu.memory_space<vmem>>, vector<16x1xf32>,
    } else {
    }
    return
  }
  func.func @transform_0(%arg0: i32) -> (i32, i32, i32) {
    %c0_i32 = arith.constant 0 : i32
    %c0_i32_0 = arith.constant 0 : i32
    %c0_i32_1 = arith.constant 0 : i32
    return %c0_i32, %arg0, %c0_i32_0 : i32, i32, i32
  }
  func.func @transform_1(%arg0: i32) -> (i32, i32) {
    %c0_i32 = arith.constant 0 : i32
    %c0_i32_0 = arith.constant 0 : i32
    return %arg0, %c0_i32 : i32, i32
  }
  func.func @transform_2(%arg0: i32) -> (i32, i32) {
    %c0_i32 = arith.constant 0 : i32
    %c0_i32_0 = arith.constant 0 : i32
    return %arg0, %c0_i32 : i32, i32
  }
  func.func @transform_3(%arg0: i32) -> (i32, i32) {
    %c0_i32 = arith.constant 0 : i32
    %c0_i32_0 = arith.constant 0 : i32
    %c0_i32_1 = arith.constant 0 : i32
    return %c0_i32, %c0_i32_0 : i32, i32
  }
  func.func @transform_4(%arg0: i32) -> (i32, i32) {
    %c0_i32 = arith.constant 0 : i32
    %c0_i32_0 = arith.constant 0 : i32
    %c0_i32_1 = arith.constant 0 : i32
    return %c0_i32, %c0_i32_0 : i32, i32
  }
}

</mosaic_0001>

<sc_bundles>
// kernel: kernel.4.cloned.1.call-start
scs
__scs_entry_jumppad:
0x0: {  	(pc) =	sbr.rel $0x88, $3  }
0x1: {  	(tag) =	ssettag $0x0;
	lr =	simm.s32 $0x1  }
0x2: {  	[smem:$0x3F9D] =	sst lr;
	_ =	strace $0xD0000000  }
0x3: {  	_ = 	snop  }
0x4: {  	_ = 	snop  }
0x5: {  	_ = 	snop  }
0x6: {  	_ = 	snop  }
0x7: {  	_ = 	snop  }
__scs_overlays_trampoline_lowered:
0x8: {  	[smem:$0x3FAC] =	sst s0  }
0x9: {  	[smem:$0x3FAD] =	sst s1  }
0xa: {  	[smem:$0x3FAE] =	sst s2  }
0xb: {  	[smem:$0x3FAF] =	sst s3  }
0xc: {  	[smem:$0x3FB0] =	sst s4  }
0xd: {  	[smem:$0x3FB1] =	sst s5  }
0xe: {  	[smem:$0x3FB2] =	sst s6  }
0xf: {  	[smem:$0x3FB3] =	sst s7  }
0x10: {  	[smem:$0x3FB4] =	sst s8  }
0x11: {  	[smem:$0x3FB5] =	sst s9;
	s0 =	simm.s32 @!p0 $0x0  }
0x12: {  	s1 =	sld [smem:$0x3F9B];
	s0 =	simm.s32 @p0 $0x1  }
0x13: {  	[smem:$0x3FB6] =	sst s0;
	s0 =	simm.s32 @!p1 $0x0  }
0x14: {  	s2 =	sld [smem:$0x3F9A];
	s0 =	simm.s32 @p1 $0x1  }
0x15: {  	[smem:$0x3FB7] =	sst s0;
	s0 =	simm.s32 @!p2 $0x0  }
0x16: {  	s3 =	sld [smem:$0x3FDB];
	s0 =	simm.s32 @p2 $0x1  }
0x17: {  	s4 =	simm.s32 $0x1BF5;
	[smem:$0x3FB9] =	sst s0  }
0x18: {  	s0 =	sld [smem:$0x3F9C];
	_ =	swait.ge [sflag:s4], $0x0  }
0x19: {  	s7 =	sld [smem:$0x3F9D]  }
0x1a: {  	s8 =	sadd.s32 $0xFFFFE003, lr  }
0x1b: {  	s9 =	sadd.s32 $0xFFFFFEF7, lr;
	s5 =	simm.s32 $0xFFFFFFFF;
	p2 =	slt.u32 s8, $0xFFFFF086  }
0x1c: {  	p1 =	slt.u32 s9, $0xF7A;
	s5 =	simm.s32 @!p2 $0x0  }
0x1d: {  	s5 =	simm.s32 @p1 $0x1;
	p0 =	seq.s32 s7, s2  }
0x1e: {  	s7 =	smul.u32 @!p0 $0xF7A, s2;
	p2 =	seq.s32 @!p0 s5, $0x0  }
0x1f: {  	s9 =	smul.u32 $0xF7A, s1;
	s8 =	simm.s32 @!p0 $0x1BF5;
	p2 =	por !p2, p0  }
0x20: {  	[sflag:s8] =	ssyncset.s32 @!p0 $0xFFFFF086;
	s6 =	sadd.s32 @!p0 s3, s7;
	s7 =	simm.s32 @!p0 $0x108  }
0x21: {  	s3 =	sadd.s32 s3, s9;
	s6 =	sadd.s32 @!p0 $0x88, s6;
	s7 =	simm.s32 @p2 $0x1082  }
0x22: {  	[simem:s7], [sflag:s8] =	dma.local @!p0 [hbm:s6], $0xF7A  }
0x23: {  	s9 =	sor.u32 $0xD0000000, s2;
	s6 =	simm.s32 $0x108;
	_ =	swait.ge @!p0 [sflag:s8], $0x0  }
0x24: {  	s3 =	sadd.s32 $0x88, s3;
	s6 =	simm.s32 @!p1 $0x1082;
	[sflag:s4] =	ssyncset.s32 $0xFFFFF086  }
0x25: {  	[simem:s6], [sflag:s4] =	dma.local [hbm:s3], $0xF7A  }
0x26: {  	[smem:$0x3F9D] =	sst s1;
	(tag) =	ssettag s2;
	_ =	strace s9  }
0x27: {  	s1 =	sld [smem:$0x3FAD]  }
0x28: {  	s2 =	sld [smem:$0x3FAE]  }
0x29: {  	s4 =	sld [smem:$0x3FB0]  }
0x2a: {  	p0 =	seq.s32 s5, $0x0;
	s5 =	sld [smem:$0x3FB1]  }
0x2b: {  	s6 =	sld [smem:$0x3FB2]  }
0x2c: {  	s7 =	sld [smem:$0x3FB3]  }
0x2d: {  	s3 =	simm.s32 $0x108;
	s8 =	sld [smem:$0x3FB4]  }
0x2e: {  	s3 =	simm.s32 @!p0 $0x1082;
	s9 =	sld [smem:$0x3FB5]  }
0x2f: {  	lr =	sadd.s32 s0, s3;
	s0 =	sld [smem:$0x3FAC]  }
0x30: {  	s3 =	sld [smem:$0x3FAF]  }
0x31: {  	[smem:$0x3FB8] =	sst s10  }
0x32: {  	s10 =	sld [smem:$0x3FB6];
	_ =	sdelay $0x3  }
0x33: {  	p0 =	seq.s32 s10, $0x1;
	s10 =	sld [smem:$0x3FB8];
	_ =	sdelay $0x3  }
0x34: {  	[smem:$0x3FB8] =	sst s10  }
0x35: {  	s10 =	sld [smem:$0x3FB7];
	_ =	sdelay $0x3  }
0x36: {  	p1 =	seq.s32 s10, $0x1;
	s10 =	sld [smem:$0x3FB8];
	_ =	sdelay $0x3  }
0x37: {  	[smem:$0x3FB8] =	sst s10  }
0x38: {  	s10 =	sld [smem:$0x3FB9]  }
0x39: {  	_ = 	snop;
	(pc) =	sbr.ind lr, $3  }
0x3a: {  	_ = 	snop  }
0x3b: {  	_ = 	snop  }
0x3c: {  	p2 =	seq.s32 s10, $0x1;
	s10 =	sld [smem:$0x3FB8]  }
0x3d: {  	_ =	shalt  }
0x3e: {  	_ =	shalt  }
0x3f: {  	_ =	shalt  }
0x40: {  	_ =	shalt  }
0x41: {  	_ =	shalt  }
0x42: {  	_ =	shalt  }
0x43: {  	_ =	shalt  }
0x44: {  	_ =	shalt  }
0x45: {  	_ =	shalt  }
0x46: {  	_ =	shalt  }
0x47: {  	_ =	shalt  }
0x48: {  	_ =	shalt  }
0x49: {  	_ =	shalt  }
0x4a: {  	_ =	shalt  }
0x4b: {  	_ =	shalt  }
0x4c: {  	_ =	shalt  }
0x4d: {  	_ =	shalt  }
0x4e: {  	_ =	shalt  }
0x4f: {  	_ =	shalt  }
0x50: {  	_ =	shalt  }
0x51: {  	_ =	shalt  }
0x52: {  	_ =	shalt  }
0x53: {  	_ =	shalt  }
0x54: {  	_ =	shalt  }
0x55: {  	_ =	shalt  }
0x56: {  	_ =	shalt  }
0x57: {  	_ =	shalt  }
0x58: {  	_ =	shalt  }
0x59: {  	_ =	shalt  }
0x5a: {  	_ =	shalt  }
0x5b: {  	_ =	shalt  }
0x5c: {  	_ =	shalt  }
0x5d: {  	_ =	shalt  }
0x5e: {  	_ =	shalt  }
0x5f: {  	_ =	shalt  }
0x60: {  	_ =	shalt  }
0x61: {  	_ =	shalt  }
0x62: {  	_ =	shalt  }
0x63: {  	_ =	shalt  }
0x64: {  	_ =	shalt  }
0x65: {  	_ =	shalt  }
0x66: {  	_ =	shalt  }
0x67: {  	_ =	shalt  }
0x68: {  	_ =	shalt  }
0x69: {  	_ =	shalt  }
0x6a: {  	_ =	shalt  }
0x6b: {  	_ =	shalt  }
0x6c: {  	_ =	shalt  }
0x6d: {  	_ =	shalt  }
0x6e: {  	_ =	shalt  }
0x6f: {  	_ =	shalt  }
0x70: {  	_ =	shalt  }
0x71: {  	_ =	shalt  }
0x72: {  	_ =	shalt  }
0x73: {  	_ =	shalt  }
0x74: {  	_ =	shalt  }
0x75: {  	_ =	shalt  }
0x76: {  	_ =	shalt  }
0x77: {  	_ =	shalt  }
0x78: {  	_ =	shalt  }
0x79: {  	_ =	shalt  }
0x7a: {  	_ =	shalt  }
0x7b: {  	_ =	shalt  }
0x7c: {  	_ =	shalt  }
0x7d: {  	_ =	shalt  }
0x7e: {  	_ =	shalt  }
0x7f: {  	_ =	shalt  }
0x80: {  	_ =	shalt  }
0x81: {  	_ =	shalt  }
0x82: {  	_ =	shalt  }
0x83: {  	_ =	shalt  }
0x84: {  	_ =	shalt  }
0x85: {  	_ =	shalt  }
0x86: {  	_ =	shalt  }
0x87: {  	_ =	shalt  }
.Lfunc_end0:
.L_simem_size_0:
called_computation_lowered:
.L_overlay_start_0:
0x88: {  	s2 =	sld [smem:$0x3FD9]  }
0x89: {  	s3 =	sld [smem:$0x3FFE];
	_ =	sdelay $0x1  }
0x8a: {  	s1 =	srdreg.scid  }
0x8b: {  	s0 =	sand.u32 $0x1, s1  }
0x8c: {  	s17 =	sshll.u32 s0, $0xA;
	s2 =	sadd.s32 s3, s2  }
0x8d: {  	s2 =	sadd.s32 s2, s17  }
0x8e: {  	[smem:$0x3FC4] =	sst s2  }
0x8f: {  	_ = 	snop  }
0x90: {  	s2 =	sld [smem:$0x3FC8]  }
0x91: {  	s18 =	sld [smem:$0x3FC6];
	(tm) =	ssettm $0x1  }
0x92: {  	s4 =	sld [smem:$0x3FFB];
	_ =	sdelay $0x3  }
0x93: {  	_ =	strace s4  }
0x94: {  	s4 =	sld [smem:$0x3FFC];
	_ =	sdelay $0x3  }
0x95: {  	_ =	strace s4  }
0x96: {  	s4 =	sld [smem:$0x3FFD];
	_ =	sdelay $0x3  }
0x97: {  	_ =	strace s4  }
0x98: {  	_ =	strace $0x8FFFFFFF  }
0x99: {  	s19 =	sld [smem:$0x3FDB];
	_ =	sdelay $0x1  }
0x9a: {  	s5 =	simm.s32 $_scs_section_size  }
0x9b: {  	s6 =	simm.s32 $_size__tile_overlayer_lowered;
	s7 =	simm.s32 $_tile_overlayer_lowered  }
0x9c: {  	s22 =	simm.s32 $0x1BFF;
	s21 =	sshll.u32 s7, $0x1;
	s4 =	sadd.s32 s5, s19  }
0x9d: {  	s8 =	simm.s32 $0x0;
	s20 =	sshll.u32 s6, $0x1;
	s6 =	sadd.s32 s21, s4  }
0x9e: {  	[timem:s8], [sflag:s22] =	dma.local [hbm:s6], s20  }
0x9f: {  	_ =	swait.ge [sflag:s22], s20  }
0xa0: {  	s5 =	ssub.s32 $0x0, s20;
	[sflag:s22] =	ssyncset.done $0x0  }
0xa1: {  	[sflag:s22] =	ssyncadd.s32 s5;
	_ =	sdelay $0x1  }
0xa2: {  	s23 =	simm.s32 $0x1B8B  }
0xa3: {  	_ =	swait.ge [sflag:s23], $0x1  }
0xa4: {  	[sflag:s23] =	ssyncset.done $0x0  }
0xa5: {  	s25 =	simm.s32 $0x1B8E;
	s24 =	sld [smem:$0x3FFE];
	[sflag:s23] =	ssyncadd.s32 $0xFFFFFFFF  }
0xa6: {  	s26 =	simm.s32 $execute0_lowered;
	[smem:$0x3FD2] =	sst s25  }
0xa7: {  	s6 =	sshll.u32 s26, $0x1;
	_ =	strace $0x80000046;
	[dreg:$0x1] =	wrdreg $0xFFFFFFFF  }
0xa8: {  	s28 =	simm.s32 $_size_execute0_lowered;
	s4 =	sadd.s32 s4, s6;
	[dreg:$0x0] =	wrdreg $0x0  }
0xa9: {  	s6 =	sshll.u32 s28, $0x1;
	[dreg:$0x2] =	wrdreg s4  }
0xaa: {  	[dreg:$0x3] =	wrdreg s6  }
0xab: {  	[dreg:$0x4] =	wrdreg $0xC0  }
0xac: {  	_ =	task [dreg:s8], $0x5FFFF  }
0xad: {  	[dreg:$0x1] =	wrdreg $0xFFFFFFFF  }
0xae: {  	[dreg:$0x0] =	wrdreg $0x60  }
0xaf: {  	[dreg:$0x2] =	wrdreg s24  }
0xb0: {  	[dreg:$0x3] =	wrdreg s2  }
0xb1: {  	[dreg:$0x4] =	wrdreg s18  }
0xb2: {  	[dreg:$0x5] =	wrdreg $0x1DF800  }
0xb3: {  	[dreg:$0x6] =	wrdreg $0x9  }
0xb4: {  	_ =	task.clear_ibuf [dreg:s8], $0x7FFFF;
	_ =	strace $0x90000046  }
0xb5: {  	s29 =	simm.s32 $0x9;
	_ =	strace $0x80000048  }
0xb6: {  	_ =	swait.ge [sflag:s29], $0x1  }
0xb7: {  	[sflag:s29] =	ssyncadd.s32 $0xFFFFFFFF  }
0xb8: {  	_ =	strace $0x90000048  }
0xb9: {  	_ =	sfence  }
0xba: {  	s30 =	sld [smem:$0x0];
	_ =	sdelay $0x2  }
0xbb: {  	s31 =	sshll.u32 s1, $0xD;
	s1 =	sshrl.u32 s1, $0x2  }
0xbc: {  	s3 =	sand.u32 $0x4000, s31;
	s1 =	sadd.s32 s1, s30  }
0xbd: {  	s0 =	sor.u32 s3, s0;
	s1 =	sshll.u32 s1, $0x11  }
0xbe: {  	s0 =	sor.u32 s1, s0  }
0xbf: {  	s0 =	sadd.s32 $0x8F2B, s0  }
0xc0: {  	[sflag:s0] =	ssyncadd.remote.s32 $0x1  }
0xc1: {  	_ =	sfence.sel $0xFFFF  }
0xc2: {  	[dreg:$0x0] =	wrdreg $0xFFFFFFFF;
	(pc) =	sbr.abs _section_cstart, $3  }
0xc3: {  	[dreg:$0x1] =	wrdreg $0xFFFFFFFF  }
0xc4: {  	_ =	task.clear_ibuf [dreg:s8], $0x2FFFF;
	_ =	strace $0x9FFFFFFF  }
0xc5: {  	(tm) =	ssettm $0x7FFFFFFF  }
tec
execute0_lowered:
.L_overlay_start_1:
0x0: {  	(tag) =	ssettag $0x1  }
0x1: {  	s0 =	rddreg [dreg:$0x0]  }
0x2: {  	s1 =	rddreg [dreg:$0x1]  }
0x3: {  	s3 =	rddreg [dreg:$0x2]  }
0x4: {  	s2 =	srdreg.scid;
	s9 =	stileid.u32  }
0x5: {  	s4 =	rddreg [dreg:$0x3];
	s5 =	simm.s32 $0x0;
	s28 =	simm.s32 $0x1  }
0x6: {  	s29 =	simm.s32 $0x800;
	s30 =	simm.s32 $0x1CF80;
	s31 =	simm.s32 $0x1D780  }
0x7: {  	s2 =	sand.u32 $0x1, s2;
	s6 =	smul.u32 $0x3100, s9;
	[smem:$0x7FF] =	sst s5  }
0x8: {  	s18 =	smul.u32 $0x6200, s9;
	s8 =	sadd.s32 $0x400, s0;
	s9 =	sshll.u32 s9, $0x1  }
0x9: {  	s12 =	sadd.s32 $0x10, s1;
	s7 =	sshll.u32 s2, $0x7;
	_ =	strace $0x80000047  }
0xa: {  	[dreg:$0x5] =	wrdreg s8;
	s19 =	ssub.s32 $0x2, s2;
	s2 =	sor.u32 s2, s9  }
0xb: {  	s9 =	simm.s32 $0x62;
	s6 =	sor.u32 s7, s6;
	s20 =	sshrl.u32 s19, $0x1  }
0xc: {  	s7 =	sshrl.u32 s18, $0x2;
	p0 =	slt.u32 s2, $0x15;
	s24 =	sshll.u32 s2, $0x9  }
0xd: {  	s10 =	sshll.u32 s2, $0x8;
	s17 =	sshll.u32 s2, $0xB;
	s2 =	simm.s32 $0x2  }
0xe: {  	s6 =	sshrl.u32 s6, $0x3;
	s7 =	sadd.s32 s7, s4;
	s11 =	sadd.s32 s1, s24  }
0xf: {  	s9 =	simm.s32 @!p0 $0x61;
	s8 =	sadd.s32 s24, s12;
	[dreg:$0x9] =	wrdreg s11  }
0x10: {  	s25 =	sadd.s32 s3, s10;
	s24 =	simm.s32 $0x3;
	[dreg:$0xa] =	wrdreg s8  }
0x11: {  	s0 =	sadd.s32 s6, s0;
	s21 =	sadd.s32 $0x800, s7;
	[dreg:$0xb] =	wrdreg s25  }
0x12: {  	s6 =	ssub.s32 s19, s20;
	s22 =	sadd.s32 $0x1000, s7;
	[dreg:$0x6] =	wrdreg s21  }
0x13: {  	s23 =	sadd.s32 $0x1800, s7;
	s16 =	sadd.s32 $0xFFFFFFFF, s9;
	[dreg:$0x7] =	wrdreg s22  }
0x14: {  	s20 =	simm.s32 $0x5;
	[dreg:$0x8] =	wrdreg s23;
	s0 =	sadd.s32 $0x3600, s0  }
0x15: {  	v2 =	vlaneseq.u32;
	s25 =	simm.s32 $0x4;
	s26 =	smax.u32 s6, $0x1;
	[dreg:$0xc] =	wrdreg s0  }
0x16: {  	v0 =	vimm.f32 $0.0e+00;
	v1 =	vimm.f32 $1.000000000e+00;
	v2 =	vor.u32 $0x186A0, v2;
	s21 =	simm.s32 $0x1B700;
	[dreg:$0xd] =	wrdreg s26;
	s26 =	simm.s32 $0x0  }
.LBB2_1:
0x17: {  	s0 =	rddreg [dreg:$0x5]  }
0x18: {  	[tilespmem:s5], [sflag:$0x5] =	stream.linear.gather [hbm4b:s0+s5], $0x186A0, $0x38;
	[tilespmem:$0x1F800] =	vst v63  }
0x19: {  	_ =	swait.ge [sflag:s20], $0x186A0  }
0x1a: {  	[sflag:s20] =	ssyncset.done $0x0  }
0x1b: {  	s6 =	simm.s32 $0x0;
	s0 =	simm.s32 $0x40;
	[sflag:s20] =	ssyncadd.s32 $0xFFFE7960  }
.LBB2_2:
0x1c: {  	p0 =	sne.s32 s0, $0x1FC0;
	[tilespmem:s6+$0x1B700] =	vst v0;
	s6 =	smov.u32 s0;
	s0 =	sadd.s32 $0x40, s0  }
.Ltmp0:
0x1d: {  	(pc) =	sbr.rel @p0 .LBB2_2-.Ltmp0, $2  }
0x1e: {  	_ =	sdelay $0x2  }
0x1f: {  	s6 =	sshra.s32 s6, $0x2  }
0x20: {  	[tilespmem:s6+$0x1B700] =	vst v0  }
0x21: {  	[spmem:s7] =	stream.linear.scatter [tilespmem:s21], [sflag:$0x5], $0x800, $0x38;
	[tilespmem:$0x1F800] =	vst v63  }
0x22: {  	_ =	swait.ge [sflag:s20], $0x800  }
0x23: {  	[sflag:s20] =	ssyncset.done $0x0  }
0x24: {  	s0 =	rddreg [dreg:$0x6];
	[sflag:s20] =	ssyncadd.s32 $0xFFFFF800  }
0x25: {  	[spmem:s0] =	stream.linear.scatter [tilespmem:s21], [sflag:$0x5], $0x800, $0x38;
	[tilespmem:$0x1F800] =	vst v63  }
0x26: {  	_ =	swait.ge [sflag:s20], $0x800  }
0x27: {  	[sflag:s20] =	ssyncset.done $0x0  }
0x28: {  	s22 =	rddreg [dreg:$0x7];
	[sflag:s20] =	ssyncadd.s32 $0xFFFFF800  }
0x29: {  	[spmem:s22] =	stream.linear.scatter [tilespmem:s21], [sflag:$0x5], $0x800, $0x38;
	[tilespmem:$0x1F800] =	vst v63  }
0x2a: {  	_ =	swait.ge [sflag:s20], $0x800  }
0x2b: {  	[sflag:s20] =	ssyncset.done $0x0  }
0x2c: {  	s23 =	rddreg [dreg:$0x8];
	[sflag:s20] =	ssyncadd.s32 $0xFFFFF800  }
0x2d: {  	[spmem:s23] =	stream.linear.scatter [tilespmem:s21], [sflag:$0x5], $0x80, $0x38;
	[tilespmem:$0x1F800] =	vst v63  }
0x2e: {  	_ =	swait.ge [sflag:s20], $0x80  }
0x2f: {  	[sflag:s20] =	ssyncset.done $0x0  }
0x30: {  	s6 =	simm.s32 $0x0;
	s0 =	simm.s32 $0x40;
	[sflag:s20] =	ssyncadd.s32 $0xFFFFFF80  }
.LBB2_4:
0x31: {  	p0 =	sne.s32 s0, $0x1FC0;
	[tilespmem:s6+$0x1B700] =	vst v1;
	s6 =	smov.u32 s0;
	s0 =	sadd.s32 $0x40, s0  }
.Ltmp1:
0x32: {  	(pc) =	sbr.rel @p0 .LBB2_4-.Ltmp1, $2  }
0x33: {  	_ =	sdelay $0x2  }
0x34: {  	s6 =	sshra.s32 s6, $0x2  }
0x35: {  	[tilespmem:s6+$0x1B700] =	vst v1;
	s0 =	simm.s32 $0x40;
	s6 =	simm.s32 $0x0  }
.LBB2_6:
0x36: {  	p0 =	sne.s32 s0, $0x4000;
	[tilespmem:s6+$0x1BF00] =	vst v2;
	s6 =	smov.u32 s0;
	s0 =	sadd.s32 $0x40, s0  }
.Ltmp2:
0x37: {  	(pc) =	sbr.rel @p0 .LBB2_6-.Ltmp2, $2  }
0x38: {  	_ =	sdelay $0x2  }
0x39: {  	s6 =	sshra.s32 s6, $0x2  }
0x3a: {  	[tilespmem:s6+$0x1BF00] =	vst v2  }
0x3b: {  	s15 =	simm.s32 $0x80;
	s8 =	simm.s32 $0x100;
	[bflag:$0x0] =	sbarrier.arrive $0xFFFF  }
0x3c: {  	s10 =	simm.s32 $0x18700;
	s19 =	simm.s32 $0x19700;
	s0 =	rddreg [dreg:$0x9]  }
0x3d: {  	[tilespmem:s10], [sflag:$0x1] =	stream.strided.gather [hbm4b:s0+s15], $0x800, s8, s15, $0x38;
	[tilespmem:$0x1F800] =	vst v63  }
.Ltmp3:
0x3e: {  	s23 =	simm.s32 $0x1A700;
	s18 =	rddreg [dreg:$0xa];
	(pc) =	sbr.rel .LBB2_8-.Ltmp3, $4  }
0x3f: {  	[tilespmem:s19], [sflag:$0x1] =	stream.strided.gather [hbm4b:s18+s15], $0x800, s8, s15, $0x38;
	[tilespmem:$0x1F800] =	vst v63  }
0x40: {  	s6 =	simm.s32 $0x800;
	s22 =	rddreg [dreg:$0xb];
	s0 =	simm.s32 $0x0  }
0x41: {  	[tilespmem:s23], [sflag:$0x1] =	stream.linear.gather [hbm4b:s22+s0], $0x800, $0x38;
	[tilespmem:$0x1F800] =	vst v63  }
0x42: {  	s10 =	simm.s32 $0x0;
	s8 =	simm.s32 $0x0;
	s22 =	simm.s32 $0x0  }
.LBB2_26:
0x43: {  	[tilespmem:s11+$0x1CF80] =	vst v3  }
0x44: {  	[spmem:s4] =	stream.indirect.scatter.add.f32 [tilespmem:s21], [sflag:$0x3], $0x1, s30, s29, $0xb8;
	[tilespmem:$0x1F800] =	vst v63  }
.LBB2_31:
0x45: {  	p0 =	sge.s32 s10, s6;
	s11 =	simm.s32 $0x1  }
0x46: {  	s13 =	sadd.s32 $0x800, s6;
	s14 =	sxor.u32 $0x1, s8;
	s11 =	simm.s32 @!p0 $0x0  }
0x47: {  	s6 =	smov.u32 @p0 s13;
	s8 =	smov.u32 @p0 s14;
	s0 =	sadd.s32 s11, s0  }
.LBB2_32:
0x48: {  	s22 =	sadd.s32 $0x1, s22  }
0x49: {  	p0 =	sne.s32 s22, $0x31  }
.Ltmp4:
0x4a: {  	_ = 	snop;
	(pc) =	sbr.rel @!p0 .LBB2_33-.Ltmp4, $1  }
0x4b: {  	_ =	sdelay $0x3  }
.LBB2_8:
0x4c: {  	s23 =	sshll.u32 s22, $0x1  }
0x4d: {  	p0 =	sge.u32 s23, s9  }
.Ltmp5:
0x4e: {  	_ = 	snop;
	(pc) =	sbr.rel @p0 .LBB2_20-.Ltmp5, $1  }
0x4f: {  	_ =	sdelay $0x3  }
0x50: {  	_ =	swait.ge [sflag:s28], $0x800  }
0x51: {  	[sflag:s28] =	ssyncset.done $0x0  }
0x52: {  	[sflag:s28] =	ssyncadd.s32 $0xFFFFF800  }
0x53: {  	s11 =	sor.u32 $0x1, s23;
	_ =	swait.ge [sflag:s28], $0x800  }
0x54: {  	p0 =	sge.u32 s11, s9;
	[sflag:s28] =	ssyncset.done $0x0  }
0x55: {  	s11 =	sshll.u32 @!p0 s11, $0x10;
	[sflag:s28] =	ssyncadd.s32 $0xFFFFF800  }
0x56: {  	s15 =	simm.s32 @!p0 $0x80;
	s11 =	sor.u32 @!p0 s17, s11;
	_ =	swait.ge [sflag:s28], $0x800  }
0x57: {  	s18 =	simm.s32 @!p0 $0x100;
	s13 =	sshrl.u32 @!p0 s11, $0x2;
	[sflag:s28] =	ssyncset.done $0x0  }
0x58: {  	s19 =	simm.s32 @!p0 $0x18F00;
	s14 =	sadd.s32 @!p0 s1, s13;
	[sflag:s28] =	ssyncadd.s32 $0xFFFFF800  }
0x59: {  	[tilespmem:s19], [sflag:$0x2] =	stream.strided.gather @!p0 [hbm4b:s14+s15], $0x800, s18, s15, $0x38;
	[tilespmem:$0x1F800] =	vst v63  }
0x5a: {  	s11 =	sshrl.u32 @!p0 s11, $0x3;
	s13 =	sadd.s32 @!p0 s13, s12;
	s14 =	simm.s32 @!p0 $0x19F00  }
0x5b: {  	[tilespmem:s14], [sflag:$0x2] =	stream.strided.gather @!p0 [hbm4b:s13+s15], $0x800, s18, s15, $0x38;
	[tilespmem:$0x1F800] =	vst v63  }
0x5c: {  	s11 =	sadd.s32 @!p0 s3, s11;
	s13 =	simm.s32 @!p0 $0x0;
	s14 =	simm.s32 @!p0 $0x1AF00  }
0x5d: {  	[tilespmem:s14], [sflag:$0x2] =	stream.linear.gather @!p0 [hbm4b:s11+s13], $0x800, $0x38;
	[tilespmem:$0x1F800] =	vst v63  }
0x5e: {  	s11 =	simm.s32 $0x0  }
.LBB2_10:
0x5f: {  	s13 =	sshra.s32 s11, $0x2  }
0x60: {  	v3 =	vld [tilespmem:s13+$0x18700]  }
0x61: {  	v4 =	vld [tilespmem:s13+$0x18710]  }
0x62: {  	v5 =	vld [tilespmem:s13+$0x1A700]  }
0x63: {  	v6 =	vld [tilespmem:s13+$0x18720]  }
0x64: {  	v28 =	vld [tilespmem:s13+$0x19700]  }
0x65: {  	v8 =	vld [tilespmem:s13+$0x1A710]  }
0x66: {  	v7 =	vld [tilespmem:s13+$0x18730]  }
0x67: {  	v29 =	vld [tilespmem:s13+$0x19710]  }
0x68: {  	v9 =	vld [tilespmem:s13+$0x1A720]  }
0x69: {  	v58 =	vld [tilespmem:s13+$0x18740]  }
0x6a: {  	v31 =	vld [tilespmem:s13+$0x19720]  }
0x6b: {  	v32 =	vld [tilespmem:s13+$0x1A730]  }
0x6c: {  	v59 =	vld [tilespmem:s13+$0x18750]  }
0x6d: {  	v34 =	vld [tilespmem:s13+$0x19730]  }
0x6e: {  	v35 =	vld [tilespmem:s13+$0x1A740]  }
0x6f: {  	v10 =	vld [tilespmem:s13+$0x18760]  }
0x70: {  	v37 =	vld [tilespmem:s13+$0x19740]  }
0x71: {  	v38 =	vld [tilespmem:s13+$0x1A750]  }
0x72: {  	v60 =	vld [tilespmem:s13+$0x18770]  }
0x73: {  	v27 =	vld [tilespmem:s13+$0x19750]  }
0x74: {  	v40 =	vld [tilespmem:s13+$0x1A760]  }
0x75: {  	v61 =	vld [tilespmem:s13+$0x18780]  }
0x76: {  	v24 =	vld [tilespmem:s13+$0x19760]  }
0x77: {  	v42 =	vld [tilespmem:s13+$0x1A770]  }
0x78: {  	v62 =	vld [tilespmem:s13+$0x18790]  }
0x79: {  	v21 =	vld [tilespmem:s13+$0x19770]  }
0x7a: {  	v44 =	vld [tilespmem:s13+$0x1A780]  }
0x7b: {  	v63 =	vld [tilespmem:s13+$0x187A0]  }
0x7c: {  	v17 =	vld [tilespmem:s13+$0x19780]  }
0x7d: {  	v25 =	vld [tilespmem:s13+$0x1A790]  }
0x7e: {  	v48 =	vld [tilespmem:s13+$0x187B0]  }
0x7f: {  	v13 =	vld [tilespmem:s13+$0x19790]  }
0x80: {  	v22 =	vld [tilespmem:s13+$0x1A7A0]  }
0x81: {  	v11 =	vld [tilespmem:s13+$0x187C0]  }
0x82: {  	v19 =	vld [tilespmem:s13+$0x1A7B0]  }
0x83: {  	v51 =	vld [tilespmem:s13+$0x187D0]  }
0x84: {  	v16 =	vld [tilespmem:s13+$0x1A7C0]  }
0x85: {  	v12 =	vld [tilespmem:s13+$0x187E0]  }
0x86: {  	v46 =	vld [tilespmem:s13+$0x187F0]  }
0x87: {  	v14 =	vld [tilespmem:s13+$0x1A7D0]  }
0x88: {  	v3 =	vld.idx.msk [tilespmem:v3+s5+$0x0], $0xffff  }
0x89: {  	v4 =	vld.idx.msk [tilespmem:v4+s5+$0x0], $0xffff  }
0x8a: {  	v30 =	vld.idx.msk [tilespmem:v6+s5+$0x0], $0xffff  }
0x8b: {  	v49 =	vsub.f32 $1.000000000e+00, v5;
	v33 =	vld.idx.msk [tilespmem:v7+s5+$0x0], $0xffff  }
0x8c: {  	v36 =	vld.idx.msk [tilespmem:v58+s5+$0x0], $0xffff  }
0x8d: {  	v50 =	vmul.f32 $5.000000000e-01, v49;
	v39 =	vld.idx.msk [tilespmem:v59+s5+$0x0], $0xffff;
	v3 =	vmul.f32 v3, v5  }
0x8e: {  	v41 =	vld.idx.msk [tilespmem:v10+s5+$0x0], $0xffff  }
0x8f: {  	v43 =	vld.idx.msk [tilespmem:v60+s5+$0x0], $0xffff;
	v3 =	vadd.f32 v50, v3  }
0x90: {  	v45 =	vld.idx.msk [tilespmem:v61+s5+$0x0], $0xffff  }
0x91: {  	v26 =	vld.idx.msk [tilespmem:v62+s5+$0x0], $0xffff;
	vm0 =	vgt.f32 v3, $5.000000000e-01  }
0x92: {  	v52 =	vsub.f32 $1.000000000e+00, v8;
	v23 =	vld.idx.msk [tilespmem:v63+s5+$0x0], $0xffff;
	v3 =	vmpcnt.ones.xlane vm0  }
0x93: {  	v10 =	vld [tilespmem:s13+$0x197A0]  }
0x94: {  	v53 =	vmul.f32 $5.000000000e-01, v52;
	v20 =	vld.idx.msk [tilespmem:v48+s5+$0x0], $0xffff;
	(v2sf) =	vpush v3, $0x0;
	v3 =	vmul.f32 v4, v8  }
0x95: {  	v7 =	vld [tilespmem:s13+$0x197B0]  }
0x96: {  	v18 =	vld.idx.msk [tilespmem:v11+s5+$0x0], $0xffff;
	v3 =	vadd.f32 v53, v3  }
0x97: {  	v6 =	vld [tilespmem:s13+$0x197C0]  }
0x98: {  	v15 =	vld.idx.msk [tilespmem:v51+s5+$0x0], $0xffff;
	vm1 =	vgt.f32 v3, $5.000000000e-01  }
0x99: {  	v54 =	vsub.f32 $1.000000000e+00, v9;
	v11 =	vld [tilespmem:s13+$0x1A7E0];
	v3 =	vmpcnt.ones.xlane vm1  }
0x9a: {  	v12 =	vld.idx.msk [tilespmem:v12+s5+$0x0], $0xffff  }
0x9b: {  	v55 =	vmul.f32 $5.000000000e-01, v54;
	v5 =	vld [tilespmem:s13+$0x197D0];
	(v2sf) =	vpush v3, $0x0;
	v3 =	vmul.f32 v30, v9  }
0x9c: {  	v4 =	vld [tilespmem:s13+$0x197E0]  }
0x9d: {  	v8 =	vld [tilespmem:s13+$0x1A7F0];
	v30 =	vadd.f32 v55, v3  }
0x9e: {  	s18 =	sand.u32 $0xFFF, s10;
	v9 =	vld.idx.msk [tilespmem:v46+s5+$0x0], $0xffff  }
0x9f: {  	p0 =	slt.u32 s18, $0xFF1;
	v3 =	vld [tilespmem:s13+$0x197F0];
	[tilespmem:s18+$0x1BF00] =	vst.msk vm0, v28;
	vm2 =	vgt.f32 v30, $5.000000000e-01  }
0xa0: {  	v57 =	vsub.f32 $1.000000000e+00, v32;
	v46 =	vld @!p0 [tilespmem:$0x1CF00];
	v56 =	vmpcnt.ones.xlane vm2;
	_ =	sdelay $0x1  }
0xa1: {  	v58 =	vmul.f32 v33, v32;
	v30 =	vmul.f32 $5.000000000e-01, v57;
	(v2sf) =	vpush v56, $0x0  }
0xa2: {  	s19 =	spop (v2sf)  }
0xa3: {  	v28 =	vadd.f32 v30, v58;
	s14 =	sadd.s32 s10, s19  }
0xa4: {  	[tilespmem:$0x1BF00] =	vst @!p0 v46;
	s13 =	sand.u32 $0xFFF, s14  }
0xa5: {  	vm15 =	vgt.f32 v28, $5.000000000e-01;
	[tilespmem:s13+$0x1BF00] =	vst.msk vm1, v29;
	p0 =	slt.u32 s13, $0xFF1  }
0xa6: {  	v59 =	vsub.f32 $1.000000000e+00, v35;
	v28 =	vmpcnt.ones.xlane vm15;
	v30 =	vld @!p0 [tilespmem:$0x1CF00];
	_ =	sdelay $0x1  }
0xa7: {  	v60 =	vmul.f32 v36, v35;
	(v2sf) =	vpush v28, $0x0;
	v29 =	vmul.f32 $5.000000000e-01, v59  }
0xa8: {  	s15 =	spop (v2sf)  }
0xa9: {  	v28 =	vadd.f32 v29, v60;
	s10 =	sadd.s32 s14, s15  }
0xaa: {  	[tilespmem:$0x1BF00] =	vst @!p0 v30;
	s13 =	sand.u32 $0xFFF, s10  }
0xab: {  	vm4 =	vgt.f32 v28, $5.000000000e-01;
	[tilespmem:s13+$0x1BF00] =	vst.msk vm2, v31;
	p0 =	slt.u32 s13, $0xFF1  }
0xac: {  	v61 =	vsub.f32 $1.000000000e+00, v38;
	v28 =	vmpcnt.ones.xlane vm4;
	v30 =	vld @!p0 [tilespmem:$0x1CF00];
	_ =	sdelay $0x1  }
0xad: {  	v62 =	vmul.f32 v39, v38;
	v29 =	vmul.f32 $5.000000000e-01, v61;
	(v2sf) =	vpush v28, $0x0  }
0xae: {  	s18 =	spop (v2sf)  }
0xaf: {  	v28 =	vadd.f32 v29, v62;
	s10 =	sadd.s32 s10, s18  }
0xb0: {  	[tilespmem:$0x1BF00] =	vst @!p0 v30;
	s13 =	sand.u32 $0xFFF, s10  }
0xb1: {  	vm5 =	vgt.f32 v28, $5.000000000e-01;
	[tilespmem:s13+$0x1BF00] =	vst.msk vm15, v34;
	p0 =	slt.u32 s13, $0xFF1  }
0xb2: {  	v63 =	vsub.f32 $1.000000000e+00, v40;
	v28 =	vmpcnt.ones.xlane vm5;
	v30 =	vld @!p0 [tilespmem:$0x1CF00];
	_ =	sdelay $0x1  }
0xb3: {  	v32 =	vmul.f32 v41, v40;
	v29 =	vmul.f32 $5.000000000e-01, v63;
	(v2sf) =	vpush v28, $0x0  }
0xb4: {  	s19 =	spop (v2sf)  }
0xb5: {  	v28 =	vadd.f32 v29, v32;
	s10 =	sadd.s32 s10, s19  }
0xb6: {  	s13 =	sand.u32 $0xFFF, s10;
	[tilespmem:$0x1BF00] =	vst @!p0 v30  }
0xb7: {  	vm6 =	vgt.f32 v28, $5.000000000e-01;
	p0 =	slt.u32 s13, $0xFF1;
	[tilespmem:s13+$0x1BF00] =	vst.msk vm4, v37  }
0xb8: {  	v33 =	vsub.f32 $1.000000000e+00, v42;
	v28 =	vmpcnt.ones.xlane vm6;
	v30 =	vld @!p0 [tilespmem:$0x1CF00];
	_ =	sdelay $0x1  }
0xb9: {  	v29 =	vmul.f32 $5.000000000e-01, v33;
	v34 =	vmul.f32 v43, v42;
	(v2sf) =	vpush v28, $0x0  }
0xba: {  	s14 =	spop (v2sf)  }
0xbb: {  	v28 =	vadd.f32 v29, v34;
	s10 =	sadd.s32 s10, s14  }
0xbc: {  	s13 =	sand.u32 $0xFFF, s10;
	[tilespmem:$0x1BF00] =	vst @!p0 v30  }
0xbd: {  	vm7 =	vgt.f32 v28, $5.000000000e-01;
	p0 =	slt.u32 s13, $0xFF1;
	[tilespmem:s13+$0x1BF00] =	vst.msk vm5, v27  }
0xbe: {  	v36 =	vsub.f32 $1.000000000e+00, v44;
	v35 =	vmpcnt.ones.xlane vm7;
	v29 =	vld @!p0 [tilespmem:$0x1CF00];
	_ =	sdelay $0x1  }
0xbf: {  	v28 =	vmul.f32 $5.000000000e-01, v36;
	v37 =	vmul.f32 v45, v44;
	(v2sf) =	vpush v35, $0x0  }
0xc0: {  	s15 =	spop (v2sf)  }
0xc1: {  	v27 =	vadd.f32 v28, v37;
	s10 =	sadd.s32 s10, s15  }
0xc2: {  	s13 =	sand.u32 $0xFFF, s10;
	[tilespmem:$0x1BF00] =	vst @!p0 v29  }
0xc3: {  	vm8 =	vgt.f32 v27, $5.000000000e-01;
	p0 =	slt.u32 s13, $0xFF1;
	[tilespmem:s13+$0x1BF00] =	vst.msk vm6, v24  }
0xc4: {  	v39 =	vsub.f32 $1.000000000e+00, v25;
	v38 =	vmpcnt.ones.xlane vm8;
	v28 =	vld @!p0 [tilespmem:$0x1CF00];
	_ =	sdelay $0x1  }
0xc5: {  	v40 =	vmul.f32 v26, v25;
	v41 =	vmul.f32 $5.000000000e-01, v39;
	(v2sf) =	vpush v38, $0x0  }
0xc6: {  	s18 =	spop (v2sf)  }
0xc7: {  	s10 =	sadd.s32 s10, s18;
	v24 =	vadd.f32 v41, v40  }
0xc8: {  	s13 =	sand.u32 $0xFFF, s10;
	[tilespmem:$0x1BF00] =	vst @!p0 v28  }
0xc9: {  	vm9 =	vgt.f32 v24, $5.000000000e-01;
	p0 =	slt.u32 s13, $0xFF1;
	[tilespmem:s13+$0x1BF00] =	vst.msk vm7, v21  }
0xca: {  	v43 =	vsub.f32 $1.000000000e+00, v22;
	v42 =	vmpcnt.ones.xlane vm9;
	v25 =	vld @!p0 [tilespmem:$0x1CF00];
	_ =	sdelay $0x1  }
0xcb: {  	v44 =	vmul.f32 v23, v22;
	v45 =	vmul.f32 $5.000000000e-01, v43;
	(v2sf) =	vpush v42, $0x0  }
0xcc: {  	s19 =	spop (v2sf)  }
0xcd: {  	s10 =	sadd.s32 s10, s19;
	v21 =	vadd.f32 v45, v44  }
0xce: {  	s13 =	sand.u32 $0xFFF, s10;
	[tilespmem:$0x1BF00] =	vst @!p0 v25  }
0xcf: {  	vm10 =	vgt.f32 v21, $5.000000000e-01;
	p0 =	slt.u32 s13, $0xFF1;
	[tilespmem:s13+$0x1BF00] =	vst.msk vm8, v17  }
0xd0: {  	v47 =	vsub.f32 $1.000000000e+00, v19;
	v46 =	vmpcnt.ones.xlane vm10;
	v22 =	vld @!p0 [tilespmem:$0x1CF00];
	_ =	sdelay $0x1  }
0xd1: {  	v49 =	vmul.f32 $5.000000000e-01, v47;
	v48 =	vmul.f32 v20, v19;
	(v2sf) =	vpush v46, $0x0  }
0xd2: {  	s14 =	spop (v2sf)  }
0xd3: {  	v17 =	vadd.f32 v49, v48;
	s10 =	sadd.s32 s10, s14  }
0xd4: {  	s13 =	sand.u32 $0xFFF, s10;
	[tilespmem:$0x1BF00] =	vst @!p0 v22  }
0xd5: {  	vm11 =	vgt.f32 v17, $5.000000000e-01;
	p0 =	slt.u32 s13, $0xFF1;
	[tilespmem:s13+$0x1BF00] =	vst.msk vm9, v13  }
0xd6: {  	v51 =	vsub.f32 $1.000000000e+00, v16;
	v50 =	vmpcnt.ones.xlane vm11;
	v19 =	vld @!p0 [tilespmem:$0x1CF00];
	_ =	sdelay $0x1  }
0xd7: {  	v52 =	vmul.f32 v18, v16;
	v53 =	vmul.f32 $5.000000000e-01, v51;
	(v2sf) =	vpush v50, $0x0  }
0xd8: {  	s15 =	spop (v2sf)  }
0xd9: {  	v13 =	vadd.f32 v53, v52;
	s10 =	sadd.s32 s10, s15  }
0xda: {  	s13 =	sand.u32 $0xFFF, s10;
	[tilespmem:$0x1BF00] =	vst @!p0 v19  }
0xdb: {  	vm12 =	vgt.f32 v13, $5.000000000e-01;
	p0 =	slt.u32 s13, $0xFF1;
	[tilespmem:s13+$0x1BF00] =	vst.msk vm10, v10  }
0xdc: {  	v55 =	vsub.f32 $1.000000000e+00, v14;
	v54 =	vmpcnt.ones.xlane vm12;
	v16 =	vld @!p0 [tilespmem:$0x1CF00];
	_ =	sdelay $0x1  }
0xdd: {  	v56 =	vmul.f32 v15, v14;
	v13 =	vmul.f32 $5.000000000e-01, v55;
	(v2sf) =	vpush v54, $0x0  }
0xde: {  	s18 =	spop (v2sf)  }
0xdf: {  	v10 =	vadd.f32 v13, v56;
	s10 =	sadd.s32 s10, s18  }
0xe0: {  	s13 =	sand.u32 $0xFFF, s10;
	[tilespmem:$0x1BF00] =	vst @!p0 v16  }
0xe1: {  	vm13 =	vgt.f32 v10, $5.000000000e-01;
	p0 =	slt.u32 s13, $0xFF1;
	[tilespmem:s13+$0x1BF00] =	vst.msk vm11, v7  }
0xe2: {  	v58 =	vsub.f32 $1.000000000e+00, v11;
	v57 =	vmpcnt.ones.xlane vm13;
	v13 =	vld @!p0 [tilespmem:$0x1CF00];
	_ =	sdelay $0x1  }
0xe3: {  	v59 =	vmul.f32 v12, v11;
	v10 =	vmul.f32 $5.000000000e-01, v58;
	(v2sf) =	vpush v57, $0x0  }
0xe4: {  	s19 =	spop (v2sf)  }
0xe5: {  	v7 =	vadd.f32 v10, v59;
	s10 =	sadd.s32 s10, s19  }
0xe6: {  	s13 =	sand.u32 $0xFFF, s10;
	[tilespmem:$0x1BF00] =	vst @!p0 v13  }
0xe7: {  	vm14 =	vgt.f32 v7, $5.000000000e-01;
	p0 =	slt.u32 s13, $0xFF1;
	[tilespmem:s13+$0x1BF00] =	vst.msk vm12, v6  }
0xe8: {  	v60 =	vmpcnt.ones.xlane vm14;
	v7 =	vld @!p0 [tilespmem:$0x1CF00]  }
0xe9: {  	v61 =	vsub.f32 $1.000000000e+00, v8  }
0xea: {  	(v2sf) =	vpush v60, $0x0  }
0xeb: {  	v62 =	vmul.f32 v9, v8;
	v63 =	vmul.f32 $5.000000000e-01, v61;
	s14 =	spop (v2sf)  }
0xec: {  	s10 =	sadd.s32 s10, s14  }
0xed: {  	v6 =	vadd.f32 v63, v62;
	s13 =	sand.u32 $0xFFF, s10;
	[tilespmem:$0x1BF00] =	vst @!p0 v7  }
0xee: {  	p0 =	slt.u32 s13, $0xFF1;
	[tilespmem:s13+$0x1BF00] =	vst.msk vm13, v5  }
0xef: {  	vm15 =	vgt.f32 v6, $5.000000000e-01;
	v5 =	vld @!p0 [tilespmem:$0x1CF00]  }
0xf0: {  	v6 =	vmpcnt.ones.xlane vm15;
	_ =	sdelay $0x1  }
0xf1: {  	(v2sf) =	vpush v6, $0x0;
	s15 =	spop (v2sf)  }
0xf2: {  	s10 =	sadd.s32 s10, s15  }
0xf3: {  	s13 =	sand.u32 $0xFFF, s10;
	[tilespmem:$0x1BF00] =	vst @!p0 v5  }
0xf4: {  	p0 =	slt.u32 s13, $0xFF1;
	[tilespmem:s13+$0x1BF00] =	vst.msk vm14, v4  }
0xf5: {  	v4 =	vld @!p0 [tilespmem:$0x1CF00];
	_ =	sdelay $0x2  }
0xf6: {  	s18 =	spop (v2sf)  }
0xf7: {  	s10 =	sadd.s32 s10, s18  }
0xf8: {  	s13 =	sand.u32 $0xFFF, s10;
	[tilespmem:$0x1BF00] =	vst @!p0 v4  }
0xf9: {  	s11 =	sadd.s32 $0x400, s11;
	p0 =	slt.u32 s13, $0xFF1;
	[tilespmem:s13+$0x1BF00] =	vst.msk vm15, v3  }
0xfa: {  	p1 =	sne.s32 s11, $0x2000;
	v3 =	vld @!p0 [tilespmem:$0x1CF00]  }
.Ltmp6:
0xfb: {  	_ = 	snop;
	(pc) =	sbr.rel @p1 .LBB2_10-.Ltmp6, $3  }
0xfc: {  	_ =	sdelay $0x1  }
0xfd: {  	s19 =	spop (v2sf)  }
0xfe: {  	s10 =	sadd.s32 s10, s19;
	[tilespmem:$0x1BF00] =	vst @!p0 v3  }
0xff: {  	p0 =	sne.s32 s8, $0x0  }
0x100: {  	p1 =	slt.s32 @!p0 s10, s6  }
0x101: {  	p0 =	por p0, p1  }
.Ltmp7:
0x102: {  	_ = 	snop;
	(pc) =	sbr.rel @p0 .LBB2_15-.Ltmp7, $1  }
0x103: {  	_ =	sdelay $0x3  }
0x104: {  	p0 =	slt.s32 s0, $0x2  }
0x105: {  	s11 =	simm.s32 @!p0 $0x3  }
0x106: {  	_ =	swait.ge @!p0 [sflag:s11], $0x800  }
0x107: {  	[sflag:s11] =	ssyncset.done @!p0 $0x0  }
0x108: {  	[sflag:s11] =	ssyncadd.s32 @!p0 $0xFFFFF800;
	s11 =	simm.s32 $0x0  }
0x109: {  	s13 =	simm.s32 $0x40;
	v3 =	vld [tilespmem:s11+$0x1BF00]  }
.LBB2_13:
0x10a: {  	p0 =	sne.s32 s13, $0x1FC0  }
.Ltmp8:
0x10b: {  	_ = 	snop;
	(pc) =	sbr.rel @p0 .LBB2_13-.Ltmp8, $3  }
0x10c: {  	_ =	sdelay $0x1  }
0x10d: {  	[tilespmem:s11+$0x1CF80] =	vst v3;
	s11 =	sshra.s32 s13, $0x2;
	s13 =	sadd.s32 $0x40, s13  }
0x10e: {  	v3 =	vld [tilespmem:s11+$0x1BF00]  }
0x10f: {  	_ = 	snop  }
.Ltmp9:
0x110: {  	_ = 	snop;
	(pc) =	sbr.rel .LBB2_19-.Ltmp9, $3  }
0x111: {  	_ =	sdelay $0x1  }
0x112: {  	[tilespmem:s11+$0x1CF80] =	vst v3  }
0x113: {  	[spmem:s4] =	stream.indirect.scatter.add.f32 [tilespmem:s21], [sflag:$0x3], $0x1, s30, s29, $0xb8;
	[tilespmem:$0x1F800] =	vst v63  }
.LBB2_15:
0x114: {  	p0 =	sne.s32 s8, $0x1  }
0x115: {  	p1 =	slt.s32 @!p0 s10, s6  }
0x116: {  	p0 =	por p0, p1  }
.Ltmp10:
0x117: {  	_ = 	snop;
	(pc) =	sbr.rel @p0 .LBB2_19-.Ltmp10, $1  }
0x118: {  	_ =	sdelay $0x3  }
0x119: {  	p0 =	slt.s32 s0, $0x2  }
0x11a: {  	s11 =	simm.s32 @!p0 $0x4  }
0x11b: {  	_ =	swait.ge @!p0 [sflag:s11], $0x800  }
0x11c: {  	s13 =	simm.s32 $0x0;
	[sflag:s11] =	ssyncset.done @!p0 $0x0  }
0x11d: {  	s14 =	sand.u32 $0x7F0, s13;
	[sflag:s11] =	ssyncadd.s32 @!p0 $0xFFFFF800  }
0x11e: {  	v3 =	vld [tilespmem:s14+$0x1C700];
	_ =	sdelay $0x3  }
0x11f: {  	s13 =	simm.s32 $0x10;
	s11 =	simm.s32 $0x1D780  }
.LBB2_17:
0x120: {  	s14 =	sand.u32 $0x7F0, s13;
	p0 =	sne.s32 s13, $0x7F0;
	s13 =	sadd.s32 $0x10, s13;
	[tilespmem:s11+$0x0] =	vst v3  }
.Ltmp11:
0x121: {  	v3 =	vld [tilespmem:s14+$0x1C700];
	(pc) =	sbr.rel @p0 .LBB2_17-.Ltmp11, $2  }
0x122: {  	_ =	sdelay $0x2  }
0x123: {  	s11 =	sadd.s32 $0x10, s11  }
0x124: {  	[tilespmem:s11+$0x0] =	vst v3  }
0x125: {  	[spmem:s4] =	stream.indirect.scatter.add.f32 [tilespmem:s21], [sflag:$0x4], $0x1, s31, s29, $0xb8;
	[tilespmem:$0x1F800] =	vst v63  }
.LBB2_19:
0x126: {  	p0 =	sge.s32 s10, s6;
	s11 =	simm.s32 $0x1  }
0x127: {  	s13 =	sadd.s32 $0x800, s6;
	s14 =	sxor.u32 $0x1, s8;
	s11 =	simm.s32 @!p0 $0x0  }
0x128: {  	s6 =	smov.u32 @p0 s13;
	s8 =	smov.u32 @p0 s14;
	s0 =	sadd.s32 s11, s0  }
.LBB2_20:
0x129: {  	p0 =	sge.u32 s23, s16  }
.Ltmp12:
0x12a: {  	_ = 	snop;
	(pc) =	sbr.rel @p0 .LBB2_32-.Ltmp12, $1  }
0x12b: {  	_ =	sdelay $0x3  }
0x12c: {  	_ =	swait.ge [sflag:s2], $0x800  }
0x12d: {  	[sflag:s2] =	ssyncset.done $0x0  }
0x12e: {  	[sflag:s2] =	ssyncadd.s32 $0xFFFFF800  }
0x12f: {  	s11 =	sadd.s32 $0x2, s23;
	_ =	swait.ge [sflag:s2], $0x800  }
0x130: {  	p0 =	sge.u32 s11, s9;
	[sflag:s2] =	ssyncset.done $0x0  }
0x131: {  	s11 =	sshll.u32 @!p0 s11, $0x10;
	[sflag:s2] =	ssyncadd.s32 $0xFFFFF800  }
0x132: {  	s15 =	simm.s32 @!p0 $0x80;
	s11 =	sor.u32 @!p0 s17, s11;
	_ =	swait.ge [sflag:s2], $0x800  }
0x133: {  	s18 =	simm.s32 @!p0 $0x100;
	s13 =	sshrl.u32 @!p0 s11, $0x2;
	[sflag:s2] =	ssyncset.done $0x0  }
0x134: {  	s19 =	simm.s32 @!p0 $0x18700;
	s14 =	sadd.s32 @!p0 s1, s13;
	[sflag:s2] =	ssyncadd.s32 $0xFFFFF800  }
0x135: {  	[tilespmem:s19], [sflag:$0x1] =	stream.strided.gather @!p0 [hbm4b:s14+s15], $0x800, s18, s15, $0x38;
	[tilespmem:$0x1F800] =	vst v63  }
0x136: {  	s11 =	sshrl.u32 @!p0 s11, $0x3;
	s13 =	sadd.s32 @!p0 s13, s12;
	s14 =	simm.s32 @!p0 $0x19700  }
0x137: {  	[tilespmem:s14], [sflag:$0x1] =	stream.strided.gather @!p0 [hbm4b:s13+s15], $0x800, s18, s15, $0x38;
	[tilespmem:$0x1F800] =	vst v63  }
0x138: {  	s11 =	sadd.s32 @!p0 s3, s11;
	s13 =	simm.s32 @!p0 $0x0;
	s14 =	simm.s32 @!p0 $0x1A700  }
0x139: {  	[tilespmem:s14], [sflag:$0x1] =	stream.linear.gather @!p0 [hbm4b:s11+s13], $0x800, $0x38;
	[tilespmem:$0x1F800] =	vst v63  }
0x13a: {  	s11 =	simm.s32 $0x0  }
.LBB2_22:
0x13b: {  	s13 =	sshra.s32 s11, $0x2  }
0x13c: {  	v3 =	vld [tilespmem:s13+$0x18F00]  }
0x13d: {  	v4 =	vld [tilespmem:s13+$0x18F10]  }
0x13e: {  	v5 =	vld [tilespmem:s13+$0x1AF00]  }
0x13f: {  	v6 =	vld [tilespmem:s13+$0x18F20]  }
0x140: {  	v28 =	vld [tilespmem:s13+$0x19F00]  }
0x141: {  	v8 =	vld [tilespmem:s13+$0x1AF10]  }
0x142: {  	v7 =	vld [tilespmem:s13+$0x18F30]  }
0x143: {  	v29 =	vld [tilespmem:s13+$0x19F10]  }
0x144: {  	v9 =	vld [tilespmem:s13+$0x1AF20]  }
0x145: {  	v58 =	vld [tilespmem:s13+$0x18F40]  }
0x146: {  	v31 =	vld [tilespmem:s13+$0x19F20]  }
0x147: {  	v32 =	vld [tilespmem:s13+$0x1AF30]  }
0x148: {  	v59 =	vld [tilespmem:s13+$0x18F50]  }
0x149: {  	v34 =	vld [tilespmem:s13+$0x19F30]  }
0x14a: {  	v35 =	vld [tilespmem:s13+$0x1AF40]  }
0x14b: {  	v10 =	vld [tilespmem:s13+$0x18F60]  }
0x14c: {  	v37 =	vld [tilespmem:s13+$0x19F40]  }
0x14d: {  	v38 =	vld [tilespmem:s13+$0x1AF50]  }
0x14e: {  	v60 =	vld [tilespmem:s13+$0x18F70]  }
0x14f: {  	v27 =	vld [tilespmem:s13+$0x19F50]  }
0x150: {  	v40 =	vld [tilespmem:s13+$0x1AF60]  }
0x151: {  	v61 =	vld [tilespmem:s13+$0x18F80]  }
0x152: {  	v24 =	vld [tilespmem:s13+$0x19F60]  }
0x153: {  	v42 =	vld [tilespmem:s13+$0x1AF70]  }
0x154: {  	v62 =	vld [tilespmem:s13+$0x18F90]  }
0x155: {  	v21 =	vld [tilespmem:s13+$0x19F70]  }
0x156: {  	v44 =	vld [tilespmem:s13+$0x1AF80]  }
0x157: {  	v63 =	vld [tilespmem:s13+$0x18FA0]  }
0x158: {  	v17 =	vld [tilespmem:s13+$0x19F80]  }
0x159: {  	v25 =	vld [tilespmem:s13+$0x1AF90]  }
0x15a: {  	v48 =	vld [tilespmem:s13+$0x18FB0]  }
0x15b: {  	v13 =	vld [tilespmem:s13+$0x19F90]  }
0x15c: {  	v22 =	vld [tilespmem:s13+$0x1AFA0]  }
0x15d: {  	v11 =	vld [tilespmem:s13+$0x18FC0]  }
0x15e: {  	v19 =	vld [tilespmem:s13+$0x1AFB0]  }
0x15f: {  	v51 =	vld [tilespmem:s13+$0x18FD0]  }
0x160: {  	v16 =	vld [tilespmem:s13+$0x1AFC0]  }
0x161: {  	v12 =	vld [tilespmem:s13+$0x18FE0]  }
0x162: {  	v46 =	vld [tilespmem:s13+$0x18FF0]  }
0x163: {  	v14 =	vld [tilespmem:s13+$0x1AFD0]  }
0x164: {  	v3 =	vld.idx.msk [tilespmem:v3+s5+$0x0], $0xffff  }
0x165: {  	v4 =	vld.idx.msk [tilespmem:v4+s5+$0x0], $0xffff  }
0x166: {  	v30 =	vld.idx.msk [tilespmem:v6+s5+$0x0], $0xffff  }
0x167: {  	v49 =	vsub.f32 $1.000000000e+00, v5;
	v33 =	vld.idx.msk [tilespmem:v7+s5+$0x0], $0xffff  }
0x168: {  	v36 =	vld.idx.msk [tilespmem:v58+s5+$0x0], $0xffff  }
0x169: {  	v50 =	vmul.f32 $5.000000000e-01, v49;
	v39 =	vld.idx.msk [tilespmem:v59+s5+$0x0], $0xffff;
	v3 =	vmul.f32 v3, v5  }
0x16a: {  	v41 =	vld.idx.msk [tilespmem:v10+s5+$0x0], $0xffff  }
0x16b: {  	v43 =	vld.idx.msk [tilespmem:v60+s5+$0x0], $0xffff;
	v3 =	vadd.f32 v50, v3  }
0x16c: {  	v45 =	vld.idx.msk [tilespmem:v61+s5+$0x0], $0xffff  }
0x16d: {  	v26 =	vld.idx.msk [tilespmem:v62+s5+$0x0], $0xffff;
	vm0 =	vgt.f32 v3, $5.000000000e-01  }
0x16e: {  	v52 =	vsub.f32 $1.000000000e+00, v8;
	v23 =	vld.idx.msk [tilespmem:v63+s5+$0x0], $0xffff;
	v3 =	vmpcnt.ones.xlane vm0  }
0x16f: {  	v10 =	vld [tilespmem:s13+$0x19FA0]  }
0x170: {  	v53 =	vmul.f32 $5.000000000e-01, v52;
	v20 =	vld.idx.msk [tilespmem:v48+s5+$0x0], $0xffff;
	(v2sf) =	vpush v3, $0x0;
	v3 =	vmul.f32 v4, v8  }
0x171: {  	v7 =	vld [tilespmem:s13+$0x19FB0]  }
0x172: {  	v18 =	vld.idx.msk [tilespmem:v11+s5+$0x0], $0xffff;
	v3 =	vadd.f32 v53, v3  }
0x173: {  	v6 =	vld [tilespmem:s13+$0x19FC0]  }
0x174: {  	v15 =	vld.idx.msk [tilespmem:v51+s5+$0x0], $0xffff;
	vm1 =	vgt.f32 v3, $5.000000000e-01  }
0x175: {  	v54 =	vsub.f32 $1.000000000e+00, v9;
	v11 =	vld [tilespmem:s13+$0x1AFE0];
	v3 =	vmpcnt.ones.xlane vm1  }
0x176: {  	v12 =	vld.idx.msk [tilespmem:v12+s5+$0x0], $0xffff  }
0x177: {  	v55 =	vmul.f32 $5.000000000e-01, v54;
	v5 =	vld [tilespmem:s13+$0x19FD0];
	(v2sf) =	vpush v3, $0x0;
	v3 =	vmul.f32 v30, v9  }
0x178: {  	v4 =	vld [tilespmem:s13+$0x19FE0]  }
0x179: {  	v8 =	vld [tilespmem:s13+$0x1AFF0];
	v30 =	vadd.f32 v55, v3  }
0x17a: {  	s18 =	sand.u32 $0xFFF, s10;
	v9 =	vld.idx.msk [tilespmem:v46+s5+$0x0], $0xffff  }
0x17b: {  	p0 =	slt.u32 s18, $0xFF1;
	v3 =	vld [tilespmem:s13+$0x19FF0];
	[tilespmem:s18+$0x1BF00] =	vst.msk vm0, v28;
	vm2 =	vgt.f32 v30, $5.000000000e-01  }
0x17c: {  	v57 =	vsub.f32 $1.000000000e+00, v32;
	v46 =	vld @!p0 [tilespmem:$0x1CF00];
	v56 =	vmpcnt.ones.xlane vm2;
	_ =	sdelay $0x1  }
0x17d: {  	v58 =	vmul.f32 v33, v32;
	v30 =	vmul.f32 $5.000000000e-01, v57;
	(v2sf) =	vpush v56, $0x0  }
0x17e: {  	s19 =	spop (v2sf)  }
0x17f: {  	v28 =	vadd.f32 v30, v58;
	s23 =	sadd.s32 s10, s19  }
0x180: {  	[tilespmem:$0x1BF00] =	vst @!p0 v46;
	s13 =	sand.u32 $0xFFF, s23  }
0x181: {  	vm15 =	vgt.f32 v28, $5.000000000e-01;
	[tilespmem:s13+$0x1BF00] =	vst.msk vm1, v29;
	p0 =	slt.u32 s13, $0xFF1  }
0x182: {  	v59 =	vsub.f32 $1.000000000e+00, v35;
	v28 =	vmpcnt.ones.xlane vm15;
	v30 =	vld @!p0 [tilespmem:$0x1CF00];
	_ =	sdelay $0x1  }
0x183: {  	v60 =	vmul.f32 v36, v35;
	(v2sf) =	vpush v28, $0x0;
	v29 =	vmul.f32 $5.000000000e-01, v59  }
0x184: {  	s14 =	spop (v2sf)  }
0x185: {  	v28 =	vadd.f32 v29, v60;
	s10 =	sadd.s32 s23, s14  }
0x186: {  	[tilespmem:$0x1BF00] =	vst @!p0 v30;
	s13 =	sand.u32 $0xFFF, s10  }
0x187: {  	vm4 =	vgt.f32 v28, $5.000000000e-01;
	[tilespmem:s13+$0x1BF00] =	vst.msk vm2, v31;
	p0 =	slt.u32 s13, $0xFF1  }
0x188: {  	v61 =	vsub.f32 $1.000000000e+00, v38;
	v28 =	vmpcnt.ones.xlane vm4;
	v30 =	vld @!p0 [tilespmem:$0x1CF00];
	_ =	sdelay $0x1  }
0x189: {  	v62 =	vmul.f32 v39, v38;
	v29 =	vmul.f32 $5.000000000e-01, v61;
	(v2sf) =	vpush v28, $0x0  }
0x18a: {  	s15 =	spop (v2sf)  }
0x18b: {  	v28 =	vadd.f32 v29, v62;
	s10 =	sadd.s32 s10, s15  }
0x18c: {  	[tilespmem:$0x1BF00] =	vst @!p0 v30;
	s13 =	sand.u32 $0xFFF, s10  }
0x18d: {  	vm5 =	vgt.f32 v28, $5.000000000e-01;
	[tilespmem:s13+$0x1BF00] =	vst.msk vm15, v34;
	p0 =	slt.u32 s13, $0xFF1  }
0x18e: {  	v63 =	vsub.f32 $1.000000000e+00, v40;
	v28 =	vmpcnt.ones.xlane vm5;
	v30 =	vld @!p0 [tilespmem:$0x1CF00];
	_ =	sdelay $0x1  }
0x18f: {  	v32 =	vmul.f32 v41, v40;
	v29 =	vmul.f32 $5.000000000e-01, v63;
	(v2sf) =	vpush v28, $0x0  }
0x190: {  	s18 =	spop (v2sf)  }
0x191: {  	v28 =	vadd.f32 v29, v32;
	s10 =	sadd.s32 s10, s18  }
0x192: {  	s13 =	sand.u32 $0xFFF, s10;
	[tilespmem:$0x1BF00] =	vst @!p0 v30  }
0x193: {  	vm6 =	vgt.f32 v28, $5.000000000e-01;
	p0 =	slt.u32 s13, $0xFF1;
	[tilespmem:s13+$0x1BF00] =	vst.msk vm4, v37  }
0x194: {  	v33 =	vsub.f32 $1.000000000e+00, v42;
	v28 =	vmpcnt.ones.xlane vm6;
	v30 =	vld @!p0 [tilespmem:$0x1CF00];
	_ =	sdelay $0x1  }
0x195: {  	v29 =	vmul.f32 $5.000000000e-01, v33;
	v34 =	vmul.f32 v43, v42;
	(v2sf) =	vpush v28, $0x0  }
0x196: {  	s19 =	spop (v2sf)  }
0x197: {  	v28 =	vadd.f32 v29, v34;
	s10 =	sadd.s32 s10, s19  }
0x198: {  	s13 =	sand.u32 $0xFFF, s10;
	[tilespmem:$0x1BF00] =	vst @!p0 v30  }
0x199: {  	vm7 =	vgt.f32 v28, $5.000000000e-01;
	p0 =	slt.u32 s13, $0xFF1;
	[tilespmem:s13+$0x1BF00] =	vst.msk vm5, v27  }
0x19a: {  	v36 =	vsub.f32 $1.000000000e+00, v44;
	v35 =	vmpcnt.ones.xlane vm7;
	v29 =	vld @!p0 [tilespmem:$0x1CF00];
	_ =	sdelay $0x1  }
0x19b: {  	v28 =	vmul.f32 $5.000000000e-01, v36;
	v37 =	vmul.f32 v45, v44;
	(v2sf) =	vpush v35, $0x0  }
0x19c: {  	s23 =	spop (v2sf)  }
0x19d: {  	v27 =	vadd.f32 v28, v37;
	s10 =	sadd.s32 s10, s23  }
0x19e: {  	s13 =	sand.u32 $0xFFF, s10;
	[tilespmem:$0x1BF00] =	vst @!p0 v29  }
0x19f: {  	vm8 =	vgt.f32 v27, $5.000000000e-01;
	p0 =	slt.u32 s13, $0xFF1;
	[tilespmem:s13+$0x1BF00] =	vst.msk vm6, v24  }
0x1a0: {  	v39 =	vsub.f32 $1.000000000e+00, v25;
	v38 =	vmpcnt.ones.xlane vm8;
	v28 =	vld @!p0 [tilespmem:$0x1CF00];
	_ =	sdelay $0x1  }
0x1a1: {  	v40 =	vmul.f32 v26, v25;
	v41 =	vmul.f32 $5.000000000e-01, v39;
	(v2sf) =	vpush v38, $0x0  }
0x1a2: {  	s14 =	spop (v2sf)  }
0x1a3: {  	s10 =	sadd.s32 s10, s14;
	v24 =	vadd.f32 v41, v40  }
0x1a4: {  	s13 =	sand.u32 $0xFFF, s10;
	[tilespmem:$0x1BF00] =	vst @!p0 v28  }
0x1a5: {  	vm9 =	vgt.f32 v24, $5.000000000e-01;
	p0 =	slt.u32 s13, $0xFF1;
	[tilespmem:s13+$0x1BF00] =	vst.msk vm7, v21  }
0x1a6: {  	v43 =	vsub.f32 $1.000000000e+00, v22;
	v42 =	vmpcnt.ones.xlane vm9;
	v25 =	vld @!p0 [tilespmem:$0x1CF00];
	_ =	sdelay $0x1  }
0x1a7: {  	v44 =	vmul.f32 v23, v22;
	v45 =	vmul.f32 $5.000000000e-01, v43;
	(v2sf) =	vpush v42, $0x0  }
0x1a8: {  	s15 =	spop (v2sf)  }
0x1a9: {  	s10 =	sadd.s32 s10, s15;
	v21 =	vadd.f32 v45, v44  }
0x1aa: {  	s13 =	sand.u32 $0xFFF, s10;
	[tilespmem:$0x1BF00] =	vst @!p0 v25  }
0x1ab: {  	vm10 =	vgt.f32 v21, $5.000000000e-01;
	p0 =	slt.u32 s13, $0xFF1;
	[tilespmem:s13+$0x1BF00] =	vst.msk vm8, v17  }
0x1ac: {  	v47 =	vsub.f32 $1.000000000e+00, v19;
	v46 =	vmpcnt.ones.xlane vm10;
	v22 =	vld @!p0 [tilespmem:$0x1CF00];
	_ =	sdelay $0x1  }
0x1ad: {  	v49 =	vmul.f32 $5.000000000e-01, v47;
	v48 =	vmul.f32 v20, v19;
	(v2sf) =	vpush v46, $0x0  }
0x1ae: {  	s18 =	spop (v2sf)  }
0x1af: {  	v17 =	vadd.f32 v49, v48;
	s10 =	sadd.s32 s10, s18  }
0x1b0: {  	s13 =	sand.u32 $0xFFF, s10;
	[tilespmem:$0x1BF00] =	vst @!p0 v22  }
0x1b1: {  	vm11 =	vgt.f32 v17, $5.000000000e-01;
	p0 =	slt.u32 s13, $0xFF1;
	[tilespmem:s13+$0x1BF00] =	vst.msk vm9, v13  }
0x1b2: {  	v51 =	vsub.f32 $1.000000000e+00, v16;
	v50 =	vmpcnt.ones.xlane vm11;
	v19 =	vld @!p0 [tilespmem:$0x1CF00];
	_ =	sdelay $0x1  }
0x1b3: {  	v52 =	vmul.f32 v18, v16;
	v53 =	vmul.f32 $5.000000000e-01, v51;
	(v2sf) =	vpush v50, $0x0  }
0x1b4: {  	s19 =	spop (v2sf)  }
0x1b5: {  	v13 =	vadd.f32 v53, v52;
	s10 =	sadd.s32 s10, s19  }
0x1b6: {  	s13 =	sand.u32 $0xFFF, s10;
	[tilespmem:$0x1BF00] =	vst @!p0 v19  }
0x1b7: {  	vm12 =	vgt.f32 v13, $5.000000000e-01;
	p0 =	slt.u32 s13, $0xFF1;
	[tilespmem:s13+$0x1BF00] =	vst.msk vm10, v10  }
0x1b8: {  	v55 =	vsub.f32 $1.000000000e+00, v14;
	v54 =	vmpcnt.ones.xlane vm12;
	v16 =	vld @!p0 [tilespmem:$0x1CF00];
	_ =	sdelay $0x1  }
0x1b9: {  	v56 =	vmul.f32 v15, v14;
	v13 =	vmul.f32 $5.000000000e-01, v55;
	(v2sf) =	vpush v54, $0x0  }
0x1ba: {  	s23 =	spop (v2sf)  }
0x1bb: {  	v10 =	vadd.f32 v13, v56;
	s10 =	sadd.s32 s10, s23  }
0x1bc: {  	s13 =	sand.u32 $0xFFF, s10;
	[tilespmem:$0x1BF00] =	vst @!p0 v16  }
0x1bd: {  	vm13 =	vgt.f32 v10, $5.000000000e-01;
	p0 =	slt.u32 s13, $0xFF1;
	[tilespmem:s13+$0x1BF00] =	vst.msk vm11, v7  }
0x1be: {  	v58 =	vsub.f32 $1.000000000e+00, v11;
	v57 =	vmpcnt.ones.xlane vm13;
	v13 =	vld @!p0 [tilespmem:$0x1CF00];
	_ =	sdelay $0x1  }
0x1bf: {  	v59 =	vmul.f32 v12, v11;
	v10 =	vmul.f32 $5.000000000e-01, v58;
	(v2sf) =	vpush v57, $0x0  }
0x1c0: {  	s14 =	spop (v2sf)  }
0x1c1: {  	v7 =	vadd.f32 v10, v59;
	s10 =	sadd.s32 s10, s14  }
0x1c2: {  	s13 =	sand.u32 $0xFFF, s10;
	[tilespmem:$0x1BF00] =	vst @!p0 v13  }
0x1c3: {  	vm14 =	vgt.f32 v7, $5.000000000e-01;
	p0 =	slt.u32 s13, $0xFF1;
	[tilespmem:s13+$0x1BF00] =	vst.msk vm12, v6  }
0x1c4: {  	v60 =	vmpcnt.ones.xlane vm14;
	v7 =	vld @!p0 [tilespmem:$0x1CF00]  }
0x1c5: {  	v61 =	vsub.f32 $1.000000000e+00, v8  }
0x1c6: {  	(v2sf) =	vpush v60, $0x0  }
0x1c7: {  	v62 =	vmul.f32 v9, v8;
	v63 =	vmul.f32 $5.000000000e-01, v61;
	s15 =	spop (v2sf)  }
0x1c8: {  	s10 =	sadd.s32 s10, s15  }
0x1c9: {  	v6 =	vadd.f32 v63, v62;
	s13 =	sand.u32 $0xFFF, s10;
	[tilespmem:$0x1BF00] =	vst @!p0 v7  }
0x1ca: {  	p0 =	slt.u32 s13, $0xFF1;
	[tilespmem:s13+$0x1BF00] =	vst.msk vm13, v5  }
0x1cb: {  	vm15 =	vgt.f32 v6, $5.000000000e-01;
	v5 =	vld @!p0 [tilespmem:$0x1CF00]  }
0x1cc: {  	v6 =	vmpcnt.ones.xlane vm15;
	_ =	sdelay $0x1  }
0x1cd: {  	(v2sf) =	vpush v6, $0x0;
	s18 =	spop (v2sf)  }
0x1ce: {  	s10 =	sadd.s32 s10, s18  }
0x1cf: {  	s13 =	sand.u32 $0xFFF, s10;
	[tilespmem:$0x1BF00] =	vst @!p0 v5  }
0x1d0: {  	p0 =	slt.u32 s13, $0xFF1;
	[tilespmem:s13+$0x1BF00] =	vst.msk vm14, v4  }
0x1d1: {  	v4 =	vld @!p0 [tilespmem:$0x1CF00];
	_ =	sdelay $0x2  }
0x1d2: {  	s19 =	spop (v2sf)  }
0x1d3: {  	s10 =	sadd.s32 s10, s19  }
0x1d4: {  	s13 =	sand.u32 $0xFFF, s10;
	[tilespmem:$0x1BF00] =	vst @!p0 v4  }
0x1d5: {  	s11 =	sadd.s32 $0x400, s11;
	p0 =	slt.u32 s13, $0xFF1;
	[tilespmem:s13+$0x1BF00] =	vst.msk vm15, v3  }
0x1d6: {  	p1 =	sne.s32 s11, $0x2000;
	v3 =	vld @!p0 [tilespmem:$0x1CF00]  }
.Ltmp13:
0x1d7: {  	_ = 	snop;
	(pc) =	sbr.rel @p1 .LBB2_22-.Ltmp13, $3  }
0x1d8: {  	_ =	sdelay $0x1  }
0x1d9: {  	s23 =	spop (v2sf)  }
0x1da: {  	s10 =	sadd.s32 s10, s23;
	[tilespmem:$0x1BF00] =	vst @!p0 v3  }
0x1db: {  	p0 =	sne.s32 s8, $0x0  }
0x1dc: {  	p1 =	slt.s32 @!p0 s10, s6  }
0x1dd: {  	p0 =	por p0, p1  }
.Ltmp14:
0x1de: {  	_ = 	snop;
	(pc) =	sbr.rel @p0 .LBB2_27-.Ltmp14, $1  }
0x1df: {  	_ =	sdelay $0x3  }
0x1e0: {  	p0 =	slt.s32 s0, $0x2  }
0x1e1: {  	s11 =	simm.s32 @!p0 $0x3  }
0x1e2: {  	_ =	swait.ge @!p0 [sflag:s11], $0x800  }
0x1e3: {  	[sflag:s11] =	ssyncset.done @!p0 $0x0  }
0x1e4: {  	[sflag:s11] =	ssyncadd.s32 @!p0 $0xFFFFF800;
	s11 =	simm.s32 $0x0  }
0x1e5: {  	s13 =	simm.s32 $0x40;
	v3 =	vld [tilespmem:s11+$0x1BF00]  }
.LBB2_25:
0x1e6: {  	p0 =	sne.s32 s13, $0x1FC0  }
.Ltmp15:
0x1e7: {  	_ = 	snop;
	(pc) =	sbr.rel @p0 .LBB2_25-.Ltmp15, $3  }
0x1e8: {  	_ =	sdelay $0x1  }
0x1e9: {  	[tilespmem:s11+$0x1CF80] =	vst v3;
	s11 =	sshra.s32 s13, $0x2;
	s13 =	sadd.s32 $0x40, s13  }
0x1ea: {  	v3 =	vld [tilespmem:s11+$0x1BF00]  }
.Ltmp16:
0x1eb: {  	_ = 	snop;
	(pc) =	sbr.rel .LBB2_26-.Ltmp16, $1  }
0x1ec: {  	_ =	sdelay $0x3  }
.LBB2_27:
0x1ed: {  	p0 =	sne.s32 s8, $0x1  }
0x1ee: {  	p1 =	slt.s32 @!p0 s10, s6  }
0x1ef: {  	p0 =	por p0, p1  }
.Ltmp17:
0x1f0: {  	_ = 	snop;
	(pc) =	sbr.rel @p0 .LBB2_31-.Ltmp17, $1  }
0x1f1: {  	_ =	sdelay $0x3  }
0x1f2: {  	p0 =	slt.s32 s0, $0x2  }
0x1f3: {  	s11 =	simm.s32 @!p0 $0x4  }
0x1f4: {  	_ =	swait.ge @!p0 [sflag:s11], $0x800  }
0x1f5: {  	s13 =	simm.s32 $0x0;
	[sflag:s11] =	ssyncset.done @!p0 $0x0  }
0x1f6: {  	s14 =	sand.u32 $0x7F0, s13;
	[sflag:s11] =	ssyncadd.s32 @!p0 $0xFFFFF800  }
0x1f7: {  	v3 =	vld [tilespmem:s14+$0x1C700];
	_ =	sdelay $0x3  }
0x1f8: {  	s13 =	simm.s32 $0x10;
	s11 =	simm.s32 $0x1D780  }
.LBB2_29:
0x1f9: {  	s14 =	sand.u32 $0x7F0, s13;
	p0 =	sne.s32 s13, $0x7F0;
	s13 =	sadd.s32 $0x10, s13;
	[tilespmem:s11+$0x0] =	vst v3  }
.Ltmp18:
0x1fa: {  	v3 =	vld [tilespmem:s14+$0x1C700];
	(pc) =	sbr.rel @p0 .LBB2_29-.Ltmp18, $2  }
0x1fb: {  	_ =	sdelay $0x2  }
0x1fc: {  	s11 =	sadd.s32 $0x10, s11  }
.Ltmp19:
0x1fd: {  	(pc) =	sbr.rel .LBB2_31-.Ltmp19, $3  }
0x1fe: {  	_ =	sdelay $0x1  }
0x1ff: {  	[tilespmem:s11+$0x0] =	vst v3  }
0x200: {  	[spmem:s4] =	stream.indirect.scatter.add.f32 [tilespmem:s21], [sflag:$0x4], $0x1, s31, s29, $0xb8;
	[tilespmem:$0x1F800] =	vst v63  }
.LBB2_33:
0x201: {  	p0 =	slt.s32 s0, $0x1  }
0x202: {  	s6 =	simm.s32 @!p0 $0x3  }
0x203: {  	p1 =	seq.s32 @!p0 s0, $0x1;
	_ =	swait.ge @!p0 [sflag:s6], $0x800  }
0x204: {  	p1 =	por p1, p0;
	[sflag:s6] =	ssyncset.done @!p0 $0x0  }
0x205: {  	s0 =	simm.s32 @!p1 $0x4;
	[sflag:s6] =	ssyncadd.s32 @!p0 $0xFFFFF800  }
0x206: {  	_ =	swait.ge @!p1 [sflag:s0], $0x800  }
0x207: {  	[sflag:s0] =	ssyncset.done @!p1 $0x0  }
0x208: {  	[sflag:s0] =	ssyncadd.s32 @!p1 $0xFFFFF800;
	s0 =	simm.s32 $0x0  }
0x209: {  	s6 =	simm.s32 $0x40;
	v3 =	vld [tilespmem:s0+$0x1BF00]  }
.LBB2_34:
0x20a: {  	p0 =	sne.s32 s6, $0x1FC0  }
.Ltmp20:
0x20b: {  	_ = 	snop;
	(pc) =	sbr.rel @p0 .LBB2_34-.Ltmp20, $3  }
0x20c: {  	_ =	sdelay $0x1  }
0x20d: {  	[tilespmem:s0+$0x1CF80] =	vst v3;
	s0 =	sshra.s32 s6, $0x2;
	s6 =	sadd.s32 $0x40, s6  }
0x20e: {  	v3 =	vld [tilespmem:s0+$0x1BF00]  }
0x20f: {  	_ =	sdelay $0x2  }
0x210: {  	s23 =	simm.s32 $0x0  }
0x211: {  	s8 =	sand.u32 $0x7F0, s23;
	[tilespmem:s0+$0x1CF80] =	vst v3  }
0x212: {  	[spmem:s4] =	stream.indirect.scatter.add.f32 [tilespmem:s21], [sflag:$0x3], $0x1, s30, s29, $0xb8;
	[tilespmem:$0x1F800] =	vst v63  }
0x213: {  	v3 =	vld [tilespmem:s8+$0x1C700];
	_ =	sdelay $0x3  }
0x214: {  	s6 =	simm.s32 $0x10;
	s0 =	simm.s32 $0x1D780  }
.LBB2_36:
0x215: {  	s8 =	sand.u32 $0x7F0, s6;
	p0 =	sne.s32 s6, $0x7F0;
	s6 =	sadd.s32 $0x10, s6;
	[tilespmem:s0+$0x0] =	vst v3  }
.Ltmp21:
0x216: {  	v3 =	vld [tilespmem:s8+$0x1C700];
	(pc) =	sbr.rel @p0 .LBB2_36-.Ltmp21, $2  }
0x217: {  	_ =	sdelay $0x2  }
0x218: {  	s0 =	sadd.s32 $0x10, s0  }
0x219: {  	[tilespmem:s0+$0x0] =	vst v3  }
0x21a: {  	[spmem:s4] =	stream.indirect.scatter.add.f32 [tilespmem:s21], [sflag:$0x4], $0x1, s31, s29, $0xb8;
	[tilespmem:$0x1F800] =	vst v63  }
0x21b: {  	_ =	swait.ge [sflag:s24], $0x800  }
0x21c: {  	[sflag:s24] =	ssyncset.done $0x0  }
0x21d: {  	[sflag:s24] =	ssyncadd.s32 $0xFFFFF800  }
0x21e: {  	_ =	swait.ge [sflag:s25], $0x800  }
0x21f: {  	[sflag:s25] =	ssyncset.done $0x0  }
0x220: {  	s22 =	stileid.u32;
	s6 =	sshrl.u32 s7, $0x3;
	[sflag:s25] =	ssyncadd.s32 $0xFFFFF800  }
0x221: {  	s10 =	simm.s32 $0x20;
	s0 =	sshll.u32 s22, $0x6;
	[bflag:$0x0] =	sbarrier.arrive $0xFFFF  }
0x222: {  	s11 =	simm.s32 $0x10;
	s0 =	sor.u32 $0x1C05, s0;
	s8 =	rddreg [dreg:$0xc]  }
0x223: {  	[hbm:s8@s10], [sflag:s0] =	dma.strided [spmem:s6@s11], $0x310, s28, $0x10   }
0x224: {  	_ =	swait.ge [sflag:s20], $0x310  }
0x225: {  	s26 =	sadd.s32 $0x1, s26;
	s23 =	rddreg [dreg:$0xd]  }
0x226: {  	p0 =	sne.s32 s26, s23  }
.Ltmp22:
0x227: {  	_ = 	snop;
	(pc) =	sbr.rel @p0 .LBB2_1-.Ltmp22, $3  }
0x228: {  	_ =	sdelay $0x1  }
0x229: {  	[sflag:s20] =	ssyncset.done $0x0  }
0x22a: {  	[sflag:s20] =	ssyncadd.s32 $0xFFFFFCF0  }
0x22b: {  	_ =	sfence.sel $0x180000  }
0x22c: {  	[bflag:$0x0] =	sbarrier.arrive $0xFFFF  }
0x22d: {  	_ =	strace $0x90000047  }
0x22e: {  	s0 =	stileid.u32;
	[bflag:$0x2] =	sbarrier.arrive $0xFFFF  }
0x22f: {  	p0 =	sne.s32 s0, $0x0;
	s0 =	rddreg [dreg:$0x4]  }
0x230: {  	s0 =	sadd.s32 @!p0 $0x100000, s0  }
0x231: {  	[sflag:s0] =	ssyncadd.tile.s32 @!p0 $0x1;
	_ =	shalt  }
.Lfunc_end2:
_tile_overlayer_lowered:
.L_overlay_start_2:
0x232: {  	(tag) =	ssettag $0x2  }
0x233: {  	s0 =	rddreg [dreg:$0x0];
	s2 =	stileid.u32  }
0x234: {  	s1 =	rddreg [dreg:$0x1];
	p0 =	sne.s32 s2, $0x0  }
0x235: {  	s3 =	rddreg [dreg:$0x2];
	[bflag:$0x3] =	sbarrier.arrive $0xFFFF;
	s2 =	simm.s32 @!p0 $0x1C05  }
0x236: {  	[timem:s3], [sflag:s2] =	dma.local @!p0 [hbm:s0], s1  }
0x237: {  	s0 =	simm.s32 @!p0 $0x5  }
0x238: {  	_ =	swait.ge @!p0 [sflag:s0], s1  }
0x239: {  	s1 =	ssub.s32 @!p0 $0x0, s1;
	[sflag:s0] =	ssyncset.done @!p0 $0x0  }
0x23a: {  	[sflag:s0] =	ssyncadd.s32 @!p0 s1  }
0x23b: {  	[bflag:$0x3] =	sbarrier.arrive $0xFFFF  }
0x23c: {  	_ =	shalt  }

</sc_bundles>
